<compile_context>
chip_gen: v7x
topology: tpu7x:2x2x1
jax: 0.10.2.dev20260603
libtpu: 0.0.44.dev20260713+nightly
codegen_flags: <defaults>
</compile_context>

<pallas_src>
import functools

import jax
import jax.numpy as jnp
from jax import lax
from jax.experimental import pallas as pl
from jax.experimental.pallas import tpu as pltpu
from jax.experimental.pallas import tpu_sc as plsc

MEM_LEN = 16384
OUT_DIM = 2048
IN_DIM = 1024

NC = 2
NS = 16
NW = NC * NS
LANES = 16
JCHUNKS = OUT_DIM // LANES

SC_ROWS = 2048
TC_ROWS = MEM_LEN - SC_ROWS
ROWS_PER_W = SC_ROWS // NW
CHUNK = 16
NCHUNK = ROWS_PER_W // CHUNK
ROW_BLOCK = 1024
NBLK = TC_ROWS // ROW_BLOCK


def _fused_body(x_ref, mean_ref, std_ref, w_ref, b_ref, mem_ref,
                out_ref, e_scr, acc_ref):
    i = pl.program_id(0)

    @pl.when(i == 0)
    def _encoder():
        x = x_ref[...]
        mean = mean_ref[...]
        std = std_ref[...]
        new = (x - mean) / (std + 1e-07)
        new = jnp.where(std == 0, jnp.zeros_like(new), new)
        logits = jnp.dot(new, w_ref[...], preferred_element_type=jnp.float32)
        logits = logits + b_ref[...]
        m = jnp.max(logits, axis=-1, keepdims=True)
        shifted = logits - m
        lse = jnp.log(jnp.sum(jnp.exp(shifted), axis=-1, keepdims=True))
        e_scr[...] = shifted - lse
        acc_ref[0, 0] = jnp.inf

    d = jnp.sum(jnp.abs(mem_ref[...] - e_scr[...]), axis=1)
    blk_min = jnp.min(d)
    acc_ref[0, 0] = jnp.minimum(acc_ref[0, 0], blk_min)

    @pl.when(i == pl.num_programs(0) - 1)
    def _emit():
        out_ref[0, 0] = acc_ref[0, 0]


def _sc_scan_body(mem_hbm, e_hbm, out_hbm, e_v, buf, min_v, sem0, sem1):
    c = lax.axis_index("c")
    s = lax.axis_index("s")
    wid = s * NC + c
    base = TC_ROWS + wid * ROWS_PER_W
    pltpu.sync_copy(e_hbm, e_v)
    sems = (sem0, sem1)
    iota = lax.iota(jnp.int32, LANES)

    pltpu.make_async_copy(
        mem_hbm.at[pl.ds(base, CHUNK)], buf.at[0], sem0).start()

    def outer(g, minacc):
        for b in range(2):
            k = g * 2 + b
            nb = 1 - b
            nxt = k + 1

            @pl.when(nxt < NCHUNK)
            def _start_next():
                pltpu.make_async_copy(
                    mem_hbm.at[pl.ds(base + nxt * CHUNK, CHUNK)],
                    buf.at[nb], sems[nb]).start()

            pltpu.make_async_copy(
                mem_hbm.at[pl.ds(base + k * CHUNK, CHUNK)],
                buf.at[b], sems[b]).wait()

            def jbody(j, accs):
                e_c = e_v[pl.ds(j * LANES, LANES)]
                return tuple(
                    accs[r] + jnp.abs(buf[b, r, pl.ds(j * LANES, LANES)] - e_c)
                    for r in range(CHUNK))

            accs = lax.fori_loop(
                0, JCHUNKS, jbody,
                tuple(jnp.zeros((LANES,), jnp.float32) for _ in range(CHUNK)))
            for r in range(CHUNK):
                v = accs[r]
                for sh in (8, 4, 2, 1):
                    v = v + v[iota ^ sh]
                minacc = jnp.minimum(minacc, v)
        return minacc

    minacc = lax.fori_loop(
        0, NCHUNK // 2, outer,
        jnp.full((LANES,), jnp.inf, jnp.float32))
    min_v[...] = minacc
    pltpu.sync_copy(min_v, out_hbm.at[wid])


_sc_scan = functools.partial(
    pl.kernel,
    out_type=jax.ShapeDtypeStruct((NW, LANES), jnp.float32),
    mesh=plsc.VectorSubcoreMesh(
        core_axis_name="c", subcore_axis_name="s",
        num_cores=NC, num_subcores=NS),
    scratch_types=[
        pltpu.VMEM((OUT_DIM,), jnp.float32),
        pltpu.VMEM((2, CHUNK, OUT_DIM), jnp.float32),
        pltpu.VMEM((LANES,), jnp.float32),
        pltpu.SemaphoreType.DMA,
        pltpu.SemaphoreType.DMA,
    ],
)(_sc_scan_body)


@jax.jit
def kernel(x, mean, std, memory, W_enc, b_enc):
    mean2 = mean.reshape(1, IN_DIM)
    std2 = std.reshape(1, IN_DIM)
    b2 = b_enc.reshape(1, OUT_DIM)

    e = pl.pallas_call(
        lambda x_ref, mean_ref, std_ref, w_ref, b_ref, e_ref: _enc_only(
            x_ref, mean_ref, std_ref, w_ref, b_ref, e_ref),
        out_shape=jax.ShapeDtypeStruct((1, OUT_DIM), jnp.float32),
    )(x, mean2, std2, W_enc, b2)

    sc_partials = _sc_scan(memory, e.reshape(OUT_DIM))

    tc_min = pl.pallas_call(
        _tc_scan_only,
        grid=(NBLK,),
        in_specs=[
            pl.BlockSpec((1, OUT_DIM), lambda i: (0, 0)),
            pl.BlockSpec((ROW_BLOCK, OUT_DIM), lambda i: (i, 0)),
        ],
        out_specs=pl.BlockSpec(memory_space=pltpu.SMEM),
        out_shape=jax.ShapeDtypeStruct((1, 1), jnp.float32),
        scratch_shapes=[pltpu.SMEM((1, 1), jnp.float32)],
    )(e, memory)

    return jnp.minimum(tc_min[0, 0], jnp.min(sc_partials))


def _enc_only(x_ref, mean_ref, std_ref, w_ref, b_ref, e_ref):
    x = x_ref[...]
    mean = mean_ref[...]
    std = std_ref[...]
    new = (x - mean) / (std + 1e-07)
    new = jnp.where(std == 0, jnp.zeros_like(new), new)
    logits = jnp.dot(new, w_ref[...], preferred_element_type=jnp.float32)
    logits = logits + b_ref[...]
    m = jnp.max(logits, axis=-1, keepdims=True)
    shifted = logits - m
    lse = jnp.log(jnp.sum(jnp.exp(shifted), axis=-1, keepdims=True))
    e_ref[...] = shifted - lse


def _tc_scan_only(e_ref, mem_ref, out_ref, acc_ref):
    i = pl.program_id(0)

    @pl.when(i == 0)
    def _init():
        acc_ref[0, 0] = jnp.inf

    d = jnp.sum(jnp.abs(mem_ref[...] - e_ref[...]), axis=1)
    acc_ref[0, 0] = jnp.minimum(acc_ref[0, 0], jnp.min(d))

    @pl.when(i == pl.num_programs(0) - 1)
    def _emit():
        out_ref[0, 0] = acc_ref[0, 0]

# --- scband reference (transcript-rebuilt; emitter-appended) ---
"""Pipeline reference for scband-mem-stream-80461917323714 (READ-ONLY COPY).

The authoritative reference and input builder live on the scoring server;
editing this copy changes nothing except your own understanding.
"""

import jax, jax.numpy as jnp
import numpy as np

IN_DIM = 1024
OUT_DIM = 2 * IN_DIM
MEM_LEN = 16384

def setup_inputs(seed: int = 0) -> dict:
    key = jax.random.key(seed)
    k_x, k_mean, k_std, k_mem, k_w, k_b = jax.random.split(key, 6)
    x = jax.random.normal(k_x, (1, IN_DIM), dtype=jnp.float32)
    # running statistics computed from mem_data in the original module
    mean = jax.random.normal(k_mean, (IN_DIM,), dtype=jnp.float32)
    std = jax.random.uniform(k_std, (IN_DIM,), dtype=jnp.float32, minval=0.5, maxval=1.5)
    # memory bank of encoded vectors [memory_len, out_dim]
    memory = jax.random.normal(k_mem, (MEM_LEN, OUT_DIM), dtype=jnp.float32)
    # encoder Dense(in_dim -> out_dim) with log_softmax activation
    W_enc = jax.random.normal(k_w, (IN_DIM, OUT_DIM), dtype=jnp.float32) * (1.0 / np.sqrt(IN_DIM))
    b_enc = jnp.zeros((OUT_DIM,), dtype=jnp.float32)
    return {"x": x, "mean": mean, "std": std, "memory": memory, "W_enc": W_enc, "b_enc": b_enc}

def reference(x, mean, std, memory, W_enc, b_enc):
    # new = (x - mean) / (std + 1e-07); zero out features with std == 0
    new = (x - mean) / (std + 1e-07)
    new = jnp.where(std == 0, jnp.zeros_like(x), new)
    # encoder: Dense + log_softmax activation
    logits = new @ W_enc + b_enc
    encoder_output = jax.nn.log_softmax(logits, axis=-1)
    # L1 distance to every memory row, then min (nearest-memory anomaly score)
    loss_values = jnp.sum(jnp.abs(memory - encoder_output), axis=1)
    min_loss = jnp.min(loss_values)
    return min_loss

if __name__ == "__main__":
    import jax
    _d = setup_inputs()
    print(jax.jit(kernel)(*tuple(_d.values())))

</pallas_src>

<mosaic_0001>
#map = affine_map<(d0, d1) -> (0, 0)>
#map1 = affine_map<(d0, d1) -> (0)>
module attributes {stable_mosaic.version = 14 : i64} {
  func.func @_sc_scan_body(%arg0: i32, %arg1: i32, %arg2: memref<16384x2048xf32, #tpu.memory_space<hbm>>, %arg3: memref<2048xf32, #tpu.memory_space<hbm>>, %arg4: memref<32x16xf32, #tpu.memory_space<hbm>>, %arg5: memref<2048xf32, #tpu.memory_space<vmem>>, %arg6: memref<2x16x2048xf32, #tpu.memory_space<vmem>>, %arg7: memref<16xf32, #tpu.memory_space<vmem>>, %arg8: memref<!tpu.dma_semaphore, #tpu.memory_space<semaphore_mem>>, %arg9: memref<!tpu.dma_semaphore, #tpu.memory_space<semaphore_mem>>) attributes {dimension_semantics = [#tpu.dimension_semantics<core_parallel>, #tpu.dimension_semantics<subcore_parallel>], iteration_bounds = array<i64: 2, 16>, scalar_prefetch = 0 : i64, scratch_operands = 5 : i64, tpu.core_type = #tpu.core_type<sc_vector_subcore>, window_params = [{transform_indices = #map}, {transform_indices = #map1}, {transform_indices = #map}]} {
    %mul3A = arith.constant 2 : i32
    %mul3A_0 = arith.muli %arg1, %mul3A : i32
    %add3A = arith.addi %mul3A_0, %arg0 : i32
    %mul3A_1 = arith.constant 64 : i32
    %mul3A_2 = arith.muli %add3A, %mul3A_1 : i32
    %add3A_3 = arith.constant 14336 : i32
    %add3A_4 = arith.addi %add3A_3, %mul3A_2 : i32
    "tpu.region"() ({
      %run_scoped3A = tpu.sem_alloc : memref<!tpu.dma_semaphore, #tpu.memory_space<semaphore_mem>>
      tpu.enqueue_dma source(%arg3 : memref<2048xf32, #tpu.memory_space<hbm>>) target(%arg5 : memref<2048xf32, #tpu.memory_space<vmem>>) target_semaphore(%run_scoped3A : memref<!tpu.dma_semaphore, #tpu.memory_space<semaphore_mem>>)
      tpu.wait_dma2 semaphore(%run_scoped3A : memref<!tpu.dma_semaphore, #tpu.memory_space<semaphore_mem>>) src(%arg3 : memref<2048xf32, #tpu.memory_space<hbm>>) dst(%arg5 : memref<2048xf32, #tpu.memory_space<vmem>>)
      tpu.yield
    }) : () -> ()
    %iota3A = tpu.iota {dimensions = array<i32: 0>} : vector<16xi32>
    %dma_start3A = arith.constant 0 : i32
    %dma_start3A_5 = arith.constant 0 : i32
    %dma_start3A_6 = arith.constant 0 : i32
    %dma_start3A_7 = tpu.memref_slice %arg6[%dma_start3A, %dma_start3A_5, %dma_start3A_6] : memref<2x16x2048xf32, #tpu.memory_space<vmem>> -> memref<1x16x2048xf32, #tpu.memory_space<vmem>>
    %dma_start3A_8 = tpu.memref_squeeze %dma_start3A_7 : memref<1x16x2048xf32, #tpu.memory_space<vmem>> -> memref<16x2048xf32, #tpu.memory_space<vmem>>
    %dma_start3A_9 = arith.constant 0 : i32
    %dma_start3A_10 = tpu.memref_slice %arg2[%add3A_4, %dma_start3A_9] : memref<16384x2048xf32, #tpu.memory_space<hbm>> -> memref<16x2048xf32, #tpu.memory_space<hbm>>
    %dma_start3A_11 = arith.constant 0 : i32
    %dma_start3A_12 = arith.constant 0 : i32
    %dma_start3A_13 = tpu.memref_slice %arg6[%dma_start3A, %dma_start3A_11, %dma_start3A_12] : memref<2x16x2048xf32, #tpu.memory_space<vmem>> -> memref<1x16x2048xf32, #tpu.memory_space<vmem>>
    %dma_start3A_14 = tpu.memref_squeeze %dma_start3A_13 : memref<1x16x2048xf32, #tpu.memory_space<vmem>> -> memref<16x2048xf32, #tpu.memory_space<vmem>>
    %dma_start3A_15 = arith.constant 0 : i32
    %dma_start3A_16 = tpu.memref_slice %arg2[%add3A_4, %dma_start3A_15] : memref<16384x2048xf32, #tpu.memory_space<hbm>> -> memref<16x2048xf32, #tpu.memory_space<hbm>>
    tpu.enqueue_dma source(%dma_start3A_16 : memref<16x2048xf32, #tpu.memory_space<hbm>>) target(%dma_start3A_14 : memref<16x2048xf32, #tpu.memory_space<vmem>>) target_semaphore(%arg8 : memref<!tpu.dma_semaphore, #tpu.memory_space<semaphore_mem>>)
    %broadcast_in_dim3A = arith.constant 0x7F800000 : f32
    %broadcast_in_dim3A_17 = vector.broadcast %broadcast_in_dim3A : f32 to vector<16xf32>
    %scan3A = arith.constant 0 : i32
    %scan3A_18 = arith.constant 2 : i32
    %scan3A_19 = arith.addi %scan3A, %scan3A_18 : i32
    %scan3A_20 = arith.constant 1 : i32
    %scan3A_21 = scf.for %scan3A_26 = %scan3A to %scan3A_19 step %scan3A_20 iter_args(%scan3A_27 = %broadcast_in_dim3A_17) -> (vector<16xf32>)  : i32 {
      %mul3A_28 = arith.constant 2 : i32
      %mul3A_29 = arith.muli %scan3A_26, %mul3A_28 : i32
      %add3A_30 = arith.constant 0 : i32
      %add3A_31 = arith.addi %mul3A_29, %add3A_30 : i32
      %add3A_32 = arith.constant 1 : i32
      %add3A_33 = arith.addi %add3A_31, %add3A_32 : i32
      %lt3A = arith.constant 4 : i32
      %lt3A_34 = arith.cmpi slt, %add3A_33, %lt3A : i32
      %convert_element_type3A = arith.extui %lt3A_34 : i1 to i32
      %cond3A = arith.constant 0 : i32
      %cond3A_35 = arith.cmpi ne, %convert_element_type3A, %cond3A : i32
      scf.if %cond3A_35 {
        %mul3A_1974 = arith.constant 16 : i32
        %mul3A_1975 = arith.muli %add3A_33, %mul3A_1974 : i32
        %add3A_1976 = arith.addi %add3A_4, %mul3A_1975 : i32
        %dma_start3A_1977 = arith.constant 1 : i32
        %dma_start3A_1978 = arith.constant 0 : i32
        %dma_start3A_1979 = arith.constant 0 : i32
        %dma_start3A_1980 = tpu.memref_slice %arg6[%dma_start3A_1977, %dma_start3A_1978, %dma_start3A_1979] : memref<2x16x2048xf32, #tpu.memory_space<vmem>> -> memref<1x16x2048xf32, #tpu.memory_space<vmem>>
        %dma_start3A_1981 = tpu.memref_squeeze %dma_start3A_1980 : memref<1x16x2048xf32, #tpu.memory_space<vmem>> -> memref<16x2048xf32, #tpu.memory_space<vmem>>
        %dma_start3A_1982 = arith.constant 0 : i32
        %dma_start3A_1983 = tpu.memref_slice %arg2[%add3A_1976, %dma_start3A_1982] : memref<16384x2048xf32, #tpu.memory_space<hbm>> -> memref<16x2048xf32, #tpu.memory_space<hbm>>
        %dma_start3A_1984 = arith.constant 0 : i32
        %dma_start3A_1985 = arith.constant 0 : i32
        %dma_start3A_1986 = tpu.memref_slice %arg6[%dma_start3A_1977, %dma_start3A_1984, %dma_start3A_1985] : memref<2x16x2048xf32, #tpu.memory_space<vmem>> -> memref<1x16x2048xf32, #tpu.memory_space<vmem>>
        %dma_start3A_1987 = tpu.memref_squeeze %dma_start3A_1986 : memref<1x16x2048xf32, #tpu.memory_space<vmem>> -> memref<16x2048xf32, #tpu.memory_space<vmem>>
        %dma_start3A_1988 = arith.constant 0 : i32
        %dma_start3A_1989 = tpu.memref_slice %arg2[%add3A_1976, %dma_start3A_1988] : memref<16384x2048xf32, #tpu.memory_space<hbm>> -> memref<16x2048xf32, #tpu.memory_space<hbm>>
        tpu.enqueue_dma source(%dma_start3A_1989 : memref<16x2048xf32, #tpu.memory_space<hbm>>) target(%dma_start3A_1987 : memref<16x2048xf32, #tpu.memory_space<vmem>>) target_semaphore(%arg9 : memref<!tpu.dma_semaphore, #tpu.memory_space<semaphore_mem>>)
      } else {
      }
      %mul3A_36 = arith.constant 16 : i32
      %mul3A_37 = arith.muli %add3A_31, %mul3A_36 : i32
      %add3A_38 = arith.addi %add3A_4, %mul3A_37 : i32
      %dma_wait3A = arith.constant 0 : i32
      %dma_wait3A_39 = arith.constant 0 : i32
      %dma_wait3A_40 = arith.constant 0 : i32
      %dma_wait3A_41 = tpu.memref_slice %arg6[%dma_wait3A, %dma_wait3A_39, %dma_wait3A_40] : memref<2x16x2048xf32, #tpu.memory_space<vmem>> -> memref<1x16x2048xf32, #tpu.memory_space<vmem>>
      %dma_wait3A_42 = tpu.memref_squeeze %dma_wait3A_41 : memref<1x16x2048xf32, #tpu.memory_space<vmem>> -> memref<16x2048xf32, #tpu.memory_space<vmem>>
      %dma_wait3A_43 = arith.constant 0 : i32
      %dma_wait3A_44 = tpu.memref_slice %arg2[%add3A_38, %dma_wait3A_43] : memref<16384x2048xf32, #tpu.memory_space<hbm>> -> memref<16x2048xf32, #tpu.memory_space<hbm>>
      %dma_wait3A_45 = arith.constant 0 : i32
      %dma_wait3A_46 = arith.constant 0 : i32
      %dma_wait3A_47 = tpu.memref_slice %arg6[%dma_wait3A, %dma_wait3A_45, %dma_wait3A_46] : memref<2x16x2048xf32, #tpu.memory_space<vmem>> -> memref<1x16x2048xf32, #tpu.memory_space<vmem>>
      %dma_wait3A_48 = tpu.memref_squeeze %dma_wait3A_47 : memref<1x16x2048xf32, #tpu.memory_space<vmem>> -> memref<16x2048xf32, #tpu.memory_space<vmem>>
      %dma_wait3A_49 = arith.constant 0 : i32
      %dma_wait3A_50 = tpu.memref_slice %arg2[%add3A_38, %dma_wait3A_49] : memref<16384x2048xf32, #tpu.memory_space<hbm>> -> memref<16x2048xf32, #tpu.memory_space<hbm>>
      tpu.wait_dma2 semaphore(%arg8 : memref<!tpu.dma_semaphore, #tpu.memory_space<semaphore_mem>>) src(%dma_wait3A_50 : memref<16x2048xf32, #tpu.memory_space<hbm>>) dst(%dma_wait3A_48 : memref<16x2048xf32, #tpu.memory_space<vmem>>)
      %broadcast_in_dim3A_51 = arith.constant 0.000000e+00 : f32
      %broadcast_in_dim3A_52 = vector.broadcast %broadcast_in_dim3A_51 : f32 to vector<16xf32>
      %broadcast_in_dim3A_53 = arith.constant 0.000000e+00 : f32
      %broadcast_in_dim3A_54 = vector.broadcast %broadcast_in_dim3A_53 : f32 to vector<16xf32>
      %broadcast_in_dim3A_55 = arith.constant 0.000000e+00 : f32
      %broadcast_in_dim3A_56 = vector.broadcast %broadcast_in_dim3A_55 : f32 to vector<16xf32>
      %broadcast_in_dim3A_57 = arith.constant 0.000000e+00 : f32
      %broadcast_in_dim3A_58 = vector.broadcast %broadcast_in_dim3A_57 : f32 to vector<16xf32>
      %broadcast_in_dim3A_59 = arith.constant 0.000000e+00 : f32
      %broadcast_in_dim3A_60 = vector.broadcast %broadcast_in_dim3A_59 : f32 to vector<16xf32>
      %broadcast_in_dim3A_61 = arith.constant 0.000000e+00 : f32
      %broadcast_in_dim3A_62 = vector.broadcast %broadcast_in_dim3A_61 : f32 to vector<16xf32>
      %broadcast_in_dim3A_63 = arith.constant 0.000000e+00 : f32
      %broadcast_in_dim3A_64 = vector.broadcast %broadcast_in_dim3A_63 : f32 to vector<16xf32>
      %broadcast_in_dim3A_65 = arith.constant 0.000000e+00 : f32
      %broadcast_in_dim3A_66 = vector.broadcast %broadcast_in_dim3A_65 : f32 to vector<16xf32>
      %broadcast_in_dim3A_67 = arith.constant 0.000000e+00 : f32
      %broadcast_in_dim3A_68 = vector.broadcast %broadcast_in_dim3A_67 : f32 to vector<16xf32>
      %broadcast_in_dim3A_69 = arith.constant 0.000000e+00 : f32
      %broadcast_in_dim3A_70 = vector.broadcast %broadcast_in_dim3A_69 : f32 to vector<16xf32>
      %broadcast_in_dim3A_71 = arith.constant 0.000000e+00 : f32
      %broadcast_in_dim3A_72 = vector.broadcast %broadcast_in_dim3A_71 : f32 to vector<16xf32>
      %broadcast_in_dim3A_73 = arith.constant 0.000000e+00 : f32
      %broadcast_in_dim3A_74 = vector.broadcast %broadcast_in_dim3A_73 : f32 to vector<16xf32>
      %broadcast_in_dim3A_75 = arith.constant 0.000000e+00 : f32
      %broadcast_in_dim3A_76 = vector.broadcast %broadcast_in_dim3A_75 : f32 to vector<16xf32>
      %broadcast_in_dim3A_77 = arith.constant 0.000000e+00 : f32
      %broadcast_in_dim3A_78 = vector.broadcast %broadcast_in_dim3A_77 : f32 to vector<16xf32>
      %broadcast_in_dim3A_79 = arith.constant 0.000000e+00 : f32
      %broadcast_in_dim3A_80 = vector.broadcast %broadcast_in_dim3A_79 : f32 to vector<16xf32>
      %broadcast_in_dim3A_81 = arith.constant 0.000000e+00 : f32
      %broadcast_in_dim3A_82 = vector.broadcast %broadcast_in_dim3A_81 : f32 to vector<16xf32>
      %scan3A_83 = arith.constant 0 : i32
      %scan3A_84 = arith.constant 128 : i32
      %scan3A_85 = arith.addi %scan3A_83, %scan3A_84 : i32
      %scan3A_86 = arith.constant 1 : i32
      %scan3A_87:16 = scf.for %scan3A_1974 = %scan3A_83 to %scan3A_85 step %scan3A_86 iter_args(%scan3A_1975 = %broadcast_in_dim3A_52, %scan3A_1976 = %broadcast_in_dim3A_54, %scan3A_1977 = %broadcast_in_dim3A_56, %scan3A_1978 = %broadcast_in_dim3A_58, %scan3A_1979 = %broadcast_in_dim3A_60, %scan3A_1980 = %broadcast_in_dim3A_62, %scan3A_1981 = %broadcast_in_dim3A_64, %scan3A_1982 = %broadcast_in_dim3A_66, %scan3A_1983 = %broadcast_in_dim3A_68, %scan3A_1984 = %broadcast_in_dim3A_70, %scan3A_1985 = %broadcast_in_dim3A_72, %scan3A_1986 = %broadcast_in_dim3A_74, %scan3A_1987 = %broadcast_in_dim3A_76, %scan3A_1988 = %broadcast_in_dim3A_78, %scan3A_1989 = %broadcast_in_dim3A_80, %scan3A_1990 = %broadcast_in_dim3A_82) -> (vector<16xf32>, vector<16xf32>, vector<16xf32>, vector<16xf32>, vector<16xf32>, vector<16xf32>, vector<16xf32>, vector<16xf32>, vector<16xf32>, vector<16xf32>, vector<16xf32>, vector<16xf32>, vector<16xf32>, vector<16xf32>, vector<16xf32>, vector<16xf32>)  : i32 {
        %mul3A_1991 = arith.constant 16 : i32
        %mul3A_1992 = arith.muli %scan3A_1974, %mul3A_1991 : i32
        %get3A = arith.index_cast %mul3A_1992 : i32 to index
        %get3A_1993 = tpu.vector_load %arg5[%get3A] {strides = array<i32>} : memref<2048xf32, #tpu.memory_space<vmem>>, vector<16xf32>,
        %get3A_1994 = vector.shape_cast %get3A_1993 : vector<16xf32> to vector<16xf32>
        %mul3A_1995 = arith.constant 16 : i32
        %mul3A_1996 = arith.muli %scan3A_1974, %mul3A_1995 : i32
        %get3A_1997 = arith.constant 0 : i32
        %get3A_1998 = arith.constant 0 : i32
        %get3A_1999 = arith.index_cast %get3A_1997 : i32 to index
        %get3A_2000 = arith.index_cast %get3A_1998 : i32 to index
        %get3A_2001 = arith.index_cast %mul3A_1996 : i32 to index
        %get3A_2002 = tpu.vector_load %arg6[%get3A_1999, %get3A_2000, %get3A_2001] {strides = array<i32>} : memref<2x16x2048xf32, #tpu.memory_space<vmem>>, vector<1x1x16xf32>,
        %get3A_2003 = vector.shape_cast %get3A_2002 : vector<1x1x16xf32> to vector<16xf32>
        %sub3A = arith.subf %get3A_2003, %get3A_1994 : vector<16xf32>
        %abs3A = math.absf %sub3A : vector<16xf32>
        %add3A_2004 = arith.addf %scan3A_1975, %abs3A : vector<16xf32>
        %mul3A_2005 = arith.constant 16 : i32
        %mul3A_2006 = arith.muli %scan3A_1974, %mul3A_2005 : i32
        %get3A_2007 = arith.constant 0 : i32
        %get3A_2008 = arith.constant 1 : i32
        %get3A_2009 = arith.index_cast %get3A_2007 : i32 to index
        %get3A_2010 = arith.index_cast %get3A_2008 : i32 to index
        %get3A_2011 = arith.index_cast %mul3A_2006 : i32 to index
        %get3A_2012 = tpu.vector_load %arg6[%get3A_2009, %get3A_2010, %get3A_2011] {strides = array<i32>} : memref<2x16x2048xf32, #tpu.memory_space<vmem>>, vector<1x1x16xf32>,
        %get3A_2013 = vector.shape_cast %get3A_2012 : vector<1x1x16xf32> to vector<16xf32>
        %sub3A_2014 = arith.subf %get3A_2013, %get3A_1994 : vector<16xf32>
        %abs3A_2015 = math.absf %sub3A_2014 : vector<16xf32>
        %add3A_2016 = arith.addf %scan3A_1976, %abs3A_2015 : vector<16xf32>
        %mul3A_2017 = arith.constant 16 : i32
        %mul3A_2018 = arith.muli %scan3A_1974, %mul3A_2017 : i32
        %get3A_2019 = arith.constant 0 : i32
        %get3A_2020 = arith.constant 2 : i32
        %get3A_2021 = arith.index_cast %get3A_2019 : i32 to index
        %get3A_2022 = arith.index_cast %get3A_2020 : i32 to index
        %get3A_2023 = arith.index_cast %mul3A_2018 : i32 to index
        %get3A_2024 = tpu.vector_load %arg6[%get3A_2021, %get3A_2022, %get3A_2023] {strides = array<i32>} : memref<2x16x2048xf32, #tpu.memory_space<vmem>>, vector<1x1x16xf32>,
        %get3A_2025 = vector.shape_cast %get3A_2024 : vector<1x1x16xf32> to vector<16xf32>
        %sub3A_2026 = arith.subf %get3A_2025, %get3A_1994 : vector<16xf32>
        %abs3A_2027 = math.absf %sub3A_2026 : vector<16xf32>
        %add3A_2028 = arith.addf %scan3A_1977, %abs3A_2027 : vector<16xf32>
        %mul3A_2029 = arith.constant 16 : i32
        %mul3A_2030 = arith.muli %scan3A_1974, %mul3A_2029 : i32
        %get3A_2031 = arith.constant 0 : i32
        %get3A_2032 = arith.constant 3 : i32
        %get3A_2033 = arith.index_cast %get3A_2031 : i32 to index
        %get3A_2034 = arith.index_cast %get3A_2032 : i32 to index
        %get3A_2035 = arith.index_cast %mul3A_2030 : i32 to index
        %get3A_2036 = tpu.vector_load %arg6[%get3A_2033, %get3A_2034, %get3A_2035] {strides = array<i32>} : memref<2x16x2048xf32, #tpu.memory_space<vmem>>, vector<1x1x16xf32>,
        %get3A_2037 = vector.shape_cast %get3A_2036 : vector<1x1x16xf32> to vector<16xf32>
        %sub3A_2038 = arith.subf %get3A_2037, %get3A_1994 : vector<16xf32>
        %abs3A_2039 = math.absf %sub3A_2038 : vector<16xf32>
        %add3A_2040 = arith.addf %scan3A_1978, %abs3A_2039 : vector<16xf32>
        %mul3A_2041 = arith.constant 16 : i32
        %mul3A_2042 = arith.muli %scan3A_1974, %mul3A_2041 : i32
        %get3A_2043 = arith.constant 0 : i32
        %get3A_2044 = arith.constant 4 : i32
        %get3A_2045 = arith.index_cast %get3A_2043 : i32 to index
        %get3A_2046 = arith.index_cast %get3A_2044 : i32 to index
        %get3A_2047 = arith.index_cast %mul3A_2042 : i32 to index
        %get3A_2048 = tpu.vector_load %arg6[%get3A_2045, %get3A_2046, %get3A_2047] {strides = array<i32>} : memref<2x16x2048xf32, #tpu.memory_space<vmem>>, vector<1x1x16xf32>,
        %get3A_2049 = vector.shape_cast %get3A_2048 : vector<1x1x16xf32> to vector<16xf32>
        %sub3A_2050 = arith.subf %get3A_2049, %get3A_1994 : vector<16xf32>
        %abs3A_2051 = math.absf %sub3A_2050 : vector<16xf32>
        %add3A_2052 = arith.addf %scan3A_1979, %abs3A_2051 : vector<16xf32>
        %mul3A_2053 = arith.constant 16 : i32
        %mul3A_2054 = arith.muli %scan3A_1974, %mul3A_2053 : i32
        %get3A_2055 = arith.constant 0 : i32
        %get3A_2056 = arith.constant 5 : i32
        %get3A_2057 = arith.index_cast %get3A_2055 : i32 to index
        %get3A_2058 = arith.index_cast %get3A_2056 : i32 to index
        %get3A_2059 = arith.index_cast %mul3A_2054 : i32 to index
        %get3A_2060 = tpu.vector_load %arg6[%get3A_2057, %get3A_2058, %get3A_2059] {strides = array<i32>} : memref<2x16x2048xf32, #tpu.memory_space<vmem>>, vector<1x1x16xf32>,
        %get3A_2061 = vector.shape_cast %get3A_2060 : vector<1x1x16xf32> to vector<16xf32>
        %sub3A_2062 = arith.subf %get3A_2061, %get3A_1994 : vector<16xf32>
        %abs3A_2063 = math.absf %sub3A_2062 : vector<16xf32>
        %add3A_2064 = arith.addf %scan3A_1980, %abs3A_2063 : vector<16xf32>
        %mul3A_2065 = arith.constant 16 : i32
        %mul3A_2066 = arith.muli %scan3A_1974, %mul3A_2065 : i32
        %get3A_2067 = arith.constant 0 : i32
        %get3A_2068 = arith.constant 6 : i32
        %get3A_2069 = arith.index_cast %get3A_2067 : i32 to index
        %get3A_2070 = arith.index_cast %get3A_2068 : i32 to index
        %get3A_2071 = arith.index_cast %mul3A_2066 : i32 to index
        %get3A_2072 = tpu.vector_load %arg6[%get3A_2069, %get3A_2070, %get3A_2071] {strides = array<i32>} : memref<2x16x2048xf32, #tpu.memory_space<vmem>>, vector<1x1x16xf32>,
        %get3A_2073 = vector.shape_cast %get3A_2072 : vector<1x1x16xf32> to vector<16xf32>
        %sub3A_2074 = arith.subf %get3A_2073, %get3A_1994 : vector<16xf32>
        %abs3A_2075 = math.absf %sub3A_2074 : vector<16xf32>
        %add3A_2076 = arith.addf %scan3A_1981, %abs3A_2075 : vector<16xf32>
        %mul3A_2077 = arith.constant 16 : i32
        %mul3A_2078 = arith.muli %scan3A_1974, %mul3A_2077 : i32
        %get3A_2079 = arith.constant 0 : i32
        %get3A_2080 = arith.constant 7 : i32
        %get3A_2081 = arith.index_cast %get3A_2079 : i32 to index
        %get3A_2082 = arith.index_cast %get3A_2080 : i32 to index
        %get3A_2083 = arith.index_cast %mul3A_2078 : i32 to index
        %get3A_2084 = tpu.vector_load %arg6[%get3A_2081, %get3A_2082, %get3A_2083] {strides = array<i32>} : memref<2x16x2048xf32, #tpu.memory_space<vmem>>, vector<1x1x16xf32>,
        %get3A_2085 = vector.shape_cast %get3A_2084 : vector<1x1x16xf32> to vector<16xf32>
        %sub3A_2086 = arith.subf %get3A_2085, %get3A_1994 : vector<16xf32>
        %abs3A_2087 = math.absf %sub3A_2086 : vector<16xf32>
        %add3A_2088 = arith.addf %scan3A_1982, %abs3A_2087 : vector<16xf32>
        %mul3A_2089 = arith.constant 16 : i32
        %mul3A_2090 = arith.muli %scan3A_1974, %mul3A_2089 : i32
        %get3A_2091 = arith.constant 0 : i32
        %get3A_2092 = arith.constant 8 : i32
        %get3A_2093 = arith.index_cast %get3A_2091 : i32 to index
        %get3A_2094 = arith.index_cast %get3A_2092 : i32 to index
        %get3A_2095 = arith.index_cast %mul3A_2090 : i32 to index
        %get3A_2096 = tpu.vector_load %arg6[%get3A_2093, %get3A_2094, %get3A_2095] {strides = array<i32>} : memref<2x16x2048xf32, #tpu.memory_space<vmem>>, vector<1x1x16xf32>,
        %get3A_2097 = vector.shape_cast %get3A_2096 : vector<1x1x16xf32> to vector<16xf32>
        %sub3A_2098 = arith.subf %get3A_2097, %get3A_1994 : vector<16xf32>
        %abs3A_2099 = math.absf %sub3A_2098 : vector<16xf32>
        %add3A_2100 = arith.addf %scan3A_1983, %abs3A_2099 : vector<16xf32>
        %mul3A_2101 = arith.constant 16 : i32
        %mul3A_2102 = arith.muli %scan3A_1974, %mul3A_2101 : i32
        %get3A_2103 = arith.constant 0 : i32
        %get3A_2104 = arith.constant 9 : i32
        %get3A_2105 = arith.index_cast %get3A_2103 : i32 to index
        %get3A_2106 = arith.index_cast %get3A_2104 : i32 to index
        %get3A_2107 = arith.index_cast %mul3A_2102 : i32 to index
        %get3A_2108 = tpu.vector_load %arg6[%get3A_2105, %get3A_2106, %get3A_2107] {strides = array<i32>} : memref<2x16x2048xf32, #tpu.memory_space<vmem>>, vector<1x1x16xf32>,
        %get3A_2109 = vector.shape_cast %get3A_2108 : vector<1x1x16xf32> to vector<16xf32>
        %sub3A_2110 = arith.subf %get3A_2109, %get3A_1994 : vector<16xf32>
        %abs3A_2111 = math.absf %sub3A_2110 : vector<16xf32>
        %add3A_2112 = arith.addf %scan3A_1984, %abs3A_2111 : vector<16xf32>
        %mul3A_2113 = arith.constant 16 : i32
        %mul3A_2114 = arith.muli %scan3A_1974, %mul3A_2113 : i32
        %get3A_2115 = arith.constant 0 : i32
        %get3A_2116 = arith.constant 10 : i32
        %get3A_2117 = arith.index_cast %get3A_2115 : i32 to index
        %get3A_2118 = arith.index_cast %get3A_2116 : i32 to index
        %get3A_2119 = arith.index_cast %mul3A_2114 : i32 to index
        %get3A_2120 = tpu.vector_load %arg6[%get3A_2117, %get3A_2118, %get3A_2119] {strides = array<i32>} : memref<2x16x2048xf32, #tpu.memory_space<vmem>>, vector<1x1x16xf32>,
        %get3A_2121 = vector.shape_cast %get3A_2120 : vector<1x1x16xf32> to vector<16xf32>
        %sub3A_2122 = arith.subf %get3A_2121, %get3A_1994 : vector<16xf32>
        %abs3A_2123 = math.absf %sub3A_2122 : vector<16xf32>
        %add3A_2124 = arith.addf %scan3A_1985, %abs3A_2123 : vector<16xf32>
        %mul3A_2125 = arith.constant 16 : i32
        %mul3A_2126 = arith.muli %scan3A_1974, %mul3A_2125 : i32
        %get3A_2127 = arith.constant 0 : i32
        %get3A_2128 = arith.constant 11 : i32
        %get3A_2129 = arith.index_cast %get3A_2127 : i32 to index
        %get3A_2130 = arith.index_cast %get3A_2128 : i32 to index
        %get3A_2131 = arith.index_cast %mul3A_2126 : i32 to index
        %get3A_2132 = tpu.vector_load %arg6[%get3A_2129, %get3A_2130, %get3A_2131] {strides = array<i32>} : memref<2x16x2048xf32, #tpu.memory_space<vmem>>, vector<1x1x16xf32>,
        %get3A_2133 = vector.shape_cast %get3A_2132 : vector<1x1x16xf32> to vector<16xf32>
        %sub3A_2134 = arith.subf %get3A_2133, %get3A_1994 : vector<16xf32>
        %abs3A_2135 = math.absf %sub3A_2134 : vector<16xf32>
        %add3A_2136 = arith.addf %scan3A_1986, %abs3A_2135 : vector<16xf32>
        %mul3A_2137 = arith.constant 16 : i32
        %mul3A_2138 = arith.muli %scan3A_1974, %mul3A_2137 : i32
        %get3A_2139 = arith.constant 0 : i32
        %get3A_2140 = arith.constant 12 : i32
        %get3A_2141 = arith.index_cast %get3A_2139 : i32 to index
        %get3A_2142 = arith.index_cast %get3A_2140 : i32 to index
        %get3A_2143 = arith.index_cast %mul3A_2138 : i32 to index
        %get3A_2144 = tpu.vector_load %arg6[%get3A_2141, %get3A_2142, %get3A_2143] {strides = array<i32>} : memref<2x16x2048xf32, #tpu.memory_space<vmem>>, vector<1x1x16xf32>,
        %get3A_2145 = vector.shape_cast %get3A_2144 : vector<1x1x16xf32> to vector<16xf32>
        %sub3A_2146 = arith.subf %get3A_2145, %get3A_1994 : vector<16xf32>
        %abs3A_2147 = math.absf %sub3A_2146 : vector<16xf32>
        %add3A_2148 = arith.addf %scan3A_1987, %abs3A_2147 : vector<16xf32>
        %mul3A_2149 = arith.constant 16 : i32
        %mul3A_2150 = arith.muli %scan3A_1974, %mul3A_2149 : i32
        %get3A_2151 = arith.constant 0 : i32
        %get3A_2152 = arith.constant 13 : i32
        %get3A_2153 = arith.index_cast %get3A_2151 : i32 to index
        %get3A_2154 = arith.index_cast %get3A_2152 : i32 to index
        %get3A_2155 = arith.index_cast %mul3A_2150 : i32 to index
        %get3A_2156 = tpu.vector_load %arg6[%get3A_2153, %get3A_2154, %get3A_2155] {strides = array<i32>} : memref<2x16x2048xf32, #tpu.memory_space<vmem>>, vector<1x1x16xf32>,
        %get3A_2157 = vector.shape_cast %get3A_2156 : vector<1x1x16xf32> to vector<16xf32>
        %sub3A_2158 = arith.subf %get3A_2157, %get3A_1994 : vector<16xf32>
        %abs3A_2159 = math.absf %sub3A_2158 : vector<16xf32>
        %add3A_2160 = arith.addf %scan3A_1988, %abs3A_2159 : vector<16xf32>
        %mul3A_2161 = arith.constant 16 : i32
        %mul3A_2162 = arith.muli %scan3A_1974, %mul3A_2161 : i32
        %get3A_2163 = arith.constant 0 : i32
        %get3A_2164 = arith.constant 14 : i32
        %get3A_2165 = arith.index_cast %get3A_2163 : i32 to index
        %get3A_2166 = arith.index_cast %get3A_2164 : i32 to index
        %get3A_2167 = arith.index_cast %mul3A_2162 : i32 to index
        %get3A_2168 = tpu.vector_load %arg6[%get3A_2165, %get3A_2166, %get3A_2167] {strides = array<i32>} : memref<2x16x2048xf32, #tpu.memory_space<vmem>>, vector<1x1x16xf32>,
        %get3A_2169 = vector.shape_cast %get3A_2168 : vector<1x1x16xf32> to vector<16xf32>
        %sub3A_2170 = arith.subf %get3A_2169, %get3A_1994 : vector<16xf32>
        %abs3A_2171 = math.absf %sub3A_2170 : vector<16xf32>
        %add3A_2172 = arith.addf %scan3A_1989, %abs3A_2171 : vector<16xf32>
        %mul3A_2173 = arith.constant 16 : i32
        %mul3A_2174 = arith.muli %scan3A_1974, %mul3A_2173 : i32
        %get3A_2175 = arith.constant 0 : i32
        %get3A_2176 = arith.constant 15 : i32
        %get3A_2177 = arith.index_cast %get3A_2175 : i32 to index
        %get3A_2178 = arith.index_cast %get3A_2176 : i32 to index
        %get3A_2179 = arith.index_cast %mul3A_2174 : i32 to index
        %get3A_2180 = tpu.vector_load %arg6[%get3A_2177, %get3A_2178, %get3A_2179] {strides = array<i32>} : memref<2x16x2048xf32, #tpu.memory_space<vmem>>, vector<1x1x16xf32>,
        %get3A_2181 = vector.shape_cast %get3A_2180 : vector<1x1x16xf32> to vector<16xf32>
        %sub3A_2182 = arith.subf %get3A_2181, %get3A_1994 : vector<16xf32>
        %abs3A_2183 = math.absf %sub3A_2182 : vector<16xf32>
        %add3A_2184 = arith.addf %scan3A_1990, %abs3A_2183 : vector<16xf32>
        scf.yield %add3A_2004, %add3A_2016, %add3A_2028, %add3A_2040, %add3A_2052, %add3A_2064, %add3A_2076, %add3A_2088, %add3A_2100, %add3A_2112, %add3A_2124, %add3A_2136, %add3A_2148, %add3A_2160, %add3A_2172, %add3A_2184 : vector<16xf32>, vector<16xf32>, vector<16xf32>, vector<16xf32>, vector<16xf32>, vector<16xf32>, vector<16xf32>, vector<16xf32>, vector<16xf32>, vector<16xf32>, vector<16xf32>, vector<16xf32>, vector<16xf32>, vector<16xf32>, vector<16xf32>, vector<16xf32>
      }
      %scan3A_88 = arith.constant 128 : i32
      %xor3A = arith.constant 8 : i32
      %xor3A_89 = vector.broadcast %xor3A : i32 to vector<16xi32>
      %xor3A_90 = arith.xori %iota3A, %xor3A_89 : vector<16xi32>
      %lt3A_91 = arith.constant 0 : i32
      %lt3A_92 = vector.broadcast %lt3A_91 : i32 to vector<16xi32>
      %lt3A_93 = arith.cmpi slt, %xor3A_90, %lt3A_92 : vector<16xi32>
      %add3A_94 = arith.constant 16 : i32
      %add3A_95 = vector.broadcast %add3A_94 : i32 to vector<16xi32>
      %add3A_96 = arith.addi %xor3A_90, %add3A_95 : vector<16xi32>
      %select_n3A = arith.select %lt3A_93, %add3A_96, %xor3A_90 : vector<16xi1>, vector<16xi32>
      %broadcast_in_dim3A_97 = vector.shape_cast %select_n3A : vector<16xi32> to vector<16x1xi32>
      %gather3A = vector.shape_cast %broadcast_in_dim3A_97 : vector<16x1xi32> to vector<16xi32>
      %gather3A_98 = tpu.dynamic_gather %scan3A_87#0[%gather3A] in [0] : vector<16xf32>, vector<16xi32> -> vector<16xf32>
      %add3A_99 = arith.addf %scan3A_87#0, %gather3A_98 : vector<16xf32>
      %xor3A_100 = arith.constant 4 : i32
      %xor3A_101 = vector.broadcast %xor3A_100 : i32 to vector<16xi32>
      %xor3A_102 = arith.xori %iota3A, %xor3A_101 : vector<16xi32>
      %lt3A_103 = arith.constant 0 : i32
      %lt3A_104 = vector.broadcast %lt3A_103 : i32 to vector<16xi32>
      %lt3A_105 = arith.cmpi slt, %xor3A_102, %lt3A_104 : vector<16xi32>
      %add3A_106 = arith.constant 16 : i32
      %add3A_107 = vector.broadcast %add3A_106 : i32 to vector<16xi32>
      %add3A_108 = arith.addi %xor3A_102, %add3A_107 : vector<16xi32>
      %select_n3A_109 = arith.select %lt3A_105, %add3A_108, %xor3A_102 : vector<16xi1>, vector<16xi32>
      %broadcast_in_dim3A_110 = vector.shape_cast %select_n3A_109 : vector<16xi32> to vector<16x1xi32>
      %gather3A_111 = vector.shape_cast %broadcast_in_dim3A_110 : vector<16x1xi32> to vector<16xi32>
      %gather3A_112 = tpu.dynamic_gather %add3A_99[%gather3A_111] in [0] : vector<16xf32>, vector<16xi32> -> vector<16xf32>
      %add3A_113 = arith.addf %add3A_99, %gather3A_112 : vector<16xf32>
      %xor3A_114 = arith.constant 2 : i32
      %xor3A_115 = vector.broadcast %xor3A_114 : i32 to vector<16xi32>
      %xor3A_116 = arith.xori %iota3A, %xor3A_115 : vector<16xi32>
      %lt3A_117 = arith.constant 0 : i32
      %lt3A_118 = vector.broadcast %lt3A_117 : i32 to vector<16xi32>
      %lt3A_119 = arith.cmpi slt, %xor3A_116, %lt3A_118 : vector<16xi32>
      %add3A_120 = arith.constant 16 : i32
      %add3A_121 = vector.broadcast %add3A_120 : i32 to vector<16xi32>
      %add3A_122 = arith.addi %xor3A_116, %add3A_121 : vector<16xi32>
      %select_n3A_123 = arith.select %lt3A_119, %add3A_122, %xor3A_116 : vector<16xi1>, vector<16xi32>
      %broadcast_in_dim3A_124 = vector.shape_cast %select_n3A_123 : vector<16xi32> to vector<16x1xi32>
      %gather3A_125 = vector.shape_cast %broadcast_in_dim3A_124 : vector<16x1xi32> to vector<16xi32>
      %gather3A_126 = tpu.dynamic_gather %add3A_113[%gather3A_125] in [0] : vector<16xf32>, vector<16xi32> -> vector<16xf32>
      %add3A_127 = arith.addf %add3A_113, %gather3A_126 : vector<16xf32>
      %xor3A_128 = arith.constant 1 : i32
      %xor3A_129 = vector.broadcast %xor3A_128 : i32 to vector<16xi32>
      %xor3A_130 = arith.xori %iota3A, %xor3A_129 : vector<16xi32>
      %lt3A_131 = arith.constant 0 : i32
      %lt3A_132 = vector.broadcast %lt3A_131 : i32 to vector<16xi32>
      %lt3A_133 = arith.cmpi slt, %xor3A_130, %lt3A_132 : vector<16xi32>
      %add3A_134 = arith.constant 16 : i32
      %add3A_135 = vector.broadcast %add3A_134 : i32 to vector<16xi32>
      %add3A_136 = arith.addi %xor3A_130, %add3A_135 : vector<16xi32>
      %select_n3A_137 = arith.select %lt3A_133, %add3A_136, %xor3A_130 : vector<16xi1>, vector<16xi32>
      %broadcast_in_dim3A_138 = vector.shape_cast %select_n3A_137 : vector<16xi32> to vector<16x1xi32>
      %gather3A_139 = vector.shape_cast %broadcast_in_dim3A_138 : vector<16x1xi32> to vector<16xi32>
      %gather3A_140 = tpu.dynamic_gather %add3A_127[%gather3A_139] in [0] : vector<16xf32>, vector<16xi32> -> vector<16xf32>
      %add3A_141 = arith.addf %add3A_127, %gather3A_140 : vector<16xf32>
      %min3A = arith.minimumf %scan3A_27, %add3A_141 : vector<16xf32>
      %xor3A_142 = arith.constant 8 : i32
      %xor3A_143 = vector.broadcast %xor3A_142 : i32 to vector<16xi32>
      %xor3A_144 = arith.xori %iota3A, %xor3A_143 : vector<16xi32>
      %lt3A_145 = arith.constant 0 : i32
      %lt3A_146 = vector.broadcast %lt3A_145 : i32 to vector<16xi32>
      %lt3A_147 = arith.cmpi slt, %xor3A_144, %lt3A_146 : vector<16xi32>
      %add3A_148 = arith.constant 16 : i32
      %add3A_149 = vector.broadcast %add3A_148 : i32 to vector<16xi32>
      %add3A_150 = arith.addi %xor3A_144, %add3A_149 : vector<16xi32>
      %select_n3A_151 = arith.select %lt3A_147, %add3A_150, %xor3A_144 : vector<16xi1>, vector<16xi32>
      %broadcast_in_dim3A_152 = vector.shape_cast %select_n3A_151 : vector<16xi32> to vector<16x1xi32>
      %gather3A_153 = vector.shape_cast %broadcast_in_dim3A_152 : vector<16x1xi32> to vector<16xi32>
      %gather3A_154 = tpu.dynamic_gather %scan3A_87#1[%gather3A_153] in [0] : vector<16xf32>, vector<16xi32> -> vector<16xf32>
      %add3A_155 = arith.addf %scan3A_87#1, %gather3A_154 : vector<16xf32>
      %xor3A_156 = arith.constant 4 : i32
      %xor3A_157 = vector.broadcast %xor3A_156 : i32 to vector<16xi32>
      %xor3A_158 = arith.xori %iota3A, %xor3A_157 : vector<16xi32>
      %lt3A_159 = arith.constant 0 : i32
      %lt3A_160 = vector.broadcast %lt3A_159 : i32 to vector<16xi32>
      %lt3A_161 = arith.cmpi slt, %xor3A_158, %lt3A_160 : vector<16xi32>
      %add3A_162 = arith.constant 16 : i32
      %add3A_163 = vector.broadcast %add3A_162 : i32 to vector<16xi32>
      %add3A_164 = arith.addi %xor3A_158, %add3A_163 : vector<16xi32>
      %select_n3A_165 = arith.select %lt3A_161, %add3A_164, %xor3A_158 : vector<16xi1>, vector<16xi32>
      %broadcast_in_dim3A_166 = vector.shape_cast %select_n3A_165 : vector<16xi32> to vector<16x1xi32>
      %gather3A_167 = vector.shape_cast %broadcast_in_dim3A_166 : vector<16x1xi32> to vector<16xi32>
      %gather3A_168 = tpu.dynamic_gather %add3A_155[%gather3A_167] in [0] : vector<16xf32>, vector<16xi32> -> vector<16xf32>
      %add3A_169 = arith.addf %add3A_155, %gather3A_168 : vector<16xf32>
      %xor3A_170 = arith.constant 2 : i32
      %xor3A_171 = vector.broadcast %xor3A_170 : i32 to vector<16xi32>
      %xor3A_172 = arith.xori %iota3A, %xor3A_171 : vector<16xi32>
      %lt3A_173 = arith.constant 0 : i32
      %lt3A_174 = vector.broadcast %lt3A_173 : i32 to vector<16xi32>
      %lt3A_175 = arith.cmpi slt, %xor3A_172, %lt3A_174 : vector<16xi32>
      %add3A_176 = arith.constant 16 : i32
      %add3A_177 = vector.broadcast %add3A_176 : i32 to vector<16xi32>
      %add3A_178 = arith.addi %xor3A_172, %add3A_177 : vector<16xi32>
      %select_n3A_179 = arith.select %lt3A_175, %add3A_178, %xor3A_172 : vector<16xi1>, vector<16xi32>
      %broadcast_in_dim3A_180 = vector.shape_cast %select_n3A_179 : vector<16xi32> to vector<16x1xi32>
      %gather3A_181 = vector.shape_cast %broadcast_in_dim3A_180 : vector<16x1xi32> to vector<16xi32>
      %gather3A_182 = tpu.dynamic_gather %add3A_169[%gather3A_181] in [0] : vector<16xf32>, vector<16xi32> -> vector<16xf32>
      %add3A_183 = arith.addf %add3A_169, %gather3A_182 : vector<16xf32>
      %xor3A_184 = arith.constant 1 : i32
      %xor3A_185 = vector.broadcast %xor3A_184 : i32 to vector<16xi32>
      %xor3A_186 = arith.xori %iota3A, %xor3A_185 : vector<16xi32>
      %lt3A_187 = arith.constant 0 : i32
      %lt3A_188 = vector.broadcast %lt3A_187 : i32 to vector<16xi32>
      %lt3A_189 = arith.cmpi slt, %xor3A_186, %lt3A_188 : vector<16xi32>
      %add3A_190 = arith.constant 16 : i32
      %add3A_191 = vector.broadcast %add3A_190 : i32 to vector<16xi32>
      %add3A_192 = arith.addi %xor3A_186, %add3A_191 : vector<16xi32>
      %select_n3A_193 = arith.select %lt3A_189, %add3A_192, %xor3A_186 : vector<16xi1>, vector<16xi32>
      %broadcast_in_dim3A_194 = vector.shape_cast %select_n3A_193 : vector<16xi32> to vector<16x1xi32>
      %gather3A_195 = vector.shape_cast %broadcast_in_dim3A_194 : vector<16x1xi32> to vector<16xi32>
      %gather3A_196 = tpu.dynamic_gather %add3A_183[%gather3A_195] in [0] : vector<16xf32>, vector<16xi32> -> vector<16xf32>
      %add3A_197 = arith.addf %add3A_183, %gather3A_196 : vector<16xf32>
      %min3A_198 = arith.minimumf %min3A, %add3A_197 : vector<16xf32>
      %xor3A_199 = arith.constant 8 : i32
      %xor3A_200 = vector.broadcast %xor3A_199 : i32 to vector<16xi32>
      %xor3A_201 = arith.xori %iota3A, %xor3A_200 : vector<16xi32>
      %lt3A_202 = arith.constant 0 : i32
      %lt3A_203 = vector.broadcast %lt3A_202 : i32 to vector<16xi32>
      %lt3A_204 = arith.cmpi slt, %xor3A_201, %lt3A_203 : vector<16xi32>
      %add3A_205 = arith.constant 16 : i32
      %add3A_206 = vector.broadcast %add3A_205 : i32 to vector<16xi32>
      %add3A_207 = arith.addi %xor3A_201, %add3A_206 : vector<16xi32>
      %select_n3A_208 = arith.select %lt3A_204, %add3A_207, %xor3A_201 : vector<16xi1>, vector<16xi32>
      %broadcast_in_dim3A_209 = vector.shape_cast %select_n3A_208 : vector<16xi32> to vector<16x1xi32>
      %gather3A_210 = vector.shape_cast %broadcast_in_dim3A_209 : vector<16x1xi32> to vector<16xi32>
      %gather3A_211 = tpu.dynamic_gather %scan3A_87#2[%gather3A_210] in [0] : vector<16xf32>, vector<16xi32> -> vector<16xf32>
      %add3A_212 = arith.addf %scan3A_87#2, %gather3A_211 : vector<16xf32>
      %xor3A_213 = arith.constant 4 : i32
      %xor3A_214 = vector.broadcast %xor3A_213 : i32 to vector<16xi32>
      %xor3A_215 = arith.xori %iota3A, %xor3A_214 : vector<16xi32>
      %lt3A_216 = arith.constant 0 : i32
      %lt3A_217 = vector.broadcast %lt3A_216 : i32 to vector<16xi32>
      %lt3A_218 = arith.cmpi slt, %xor3A_215, %lt3A_217 : vector<16xi32>
      %add3A_219 = arith.constant 16 : i32
      %add3A_220 = vector.broadcast %add3A_219 : i32 to vector<16xi32>
      %add3A_221 = arith.addi %xor3A_215, %add3A_220 : vector<16xi32>
      %select_n3A_222 = arith.select %lt3A_218, %add3A_221, %xor3A_215 : vector<16xi1>, vector<16xi32>
      %broadcast_in_dim3A_223 = vector.shape_cast %select_n3A_222 : vector<16xi32> to vector<16x1xi32>
      %gather3A_224 = vector.shape_cast %broadcast_in_dim3A_223 : vector<16x1xi32> to vector<16xi32>
      %gather3A_225 = tpu.dynamic_gather %add3A_212[%gather3A_224] in [0] : vector<16xf32>, vector<16xi32> -> vector<16xf32>
      %add3A_226 = arith.addf %add3A_212, %gather3A_225 : vector<16xf32>
      %xor3A_227 = arith.constant 2 : i32
      %xor3A_228 = vector.broadcast %xor3A_227 : i32 to vector<16xi32>
      %xor3A_229 = arith.xori %iota3A, %xor3A_228 : vector<16xi32>
      %lt3A_230 = arith.constant 0 : i32
      %lt3A_231 = vector.broadcast %lt3A_230 : i32 to vector<16xi32>
      %lt3A_232 = arith.cmpi slt, %xor3A_229, %lt3A_231 : vector<16xi32>
      %add3A_233 = arith.constant 16 : i32
      %add3A_234 = vector.broadcast %add3A_233 : i32 to vector<16xi32>
      %add3A_235 = arith.addi %xor3A_229, %add3A_234 : vector<16xi32>
      %select_n3A_236 = arith.select %lt3A_232, %add3A_235, %xor3A_229 : vector<16xi1>, vector<16xi32>
      %broadcast_in_dim3A_237 = vector.shape_cast %select_n3A_236 : vector<16xi32> to vector<16x1xi32>
      %gather3A_238 = vector.shape_cast %broadcast_in_dim3A_237 : vector<16x1xi32> to vector<16xi32>
      %gather3A_239 = tpu.dynamic_gather %add3A_226[%gather3A_238] in [0] : vector<16xf32>, vector<16xi32> -> vector<16xf32>
      %add3A_240 = arith.addf %add3A_226, %gather3A_239 : vector<16xf32>
      %xor3A_241 = arith.constant 1 : i32
      %xor3A_242 = vector.broadcast %xor3A_241 : i32 to vector<16xi32>
      %xor3A_243 = arith.xori %iota3A, %xor3A_242 : vector<16xi32>
      %lt3A_244 = arith.constant 0 : i32
      %lt3A_245 = vector.broadcast %lt3A_244 : i32 to vector<16xi32>
      %lt3A_246 = arith.cmpi slt, %xor3A_243, %lt3A_245 : vector<16xi32>
      %add3A_247 = arith.constant 16 : i32
      %add3A_248 = vector.broadcast %add3A_247 : i32 to vector<16xi32>
      %add3A_249 = arith.addi %xor3A_243, %add3A_248 : vector<16xi32>
      %select_n3A_250 = arith.select %lt3A_246, %add3A_249, %xor3A_243 : vector<16xi1>, vector<16xi32>
      %broadcast_in_dim3A_251 = vector.shape_cast %select_n3A_250 : vector<16xi32> to vector<16x1xi32>
      %gather3A_252 = vector.shape_cast %broadcast_in_dim3A_251 : vector<16x1xi32> to vector<16xi32>
      %gather3A_253 = tpu.dynamic_gather %add3A_240[%gather3A_252] in [0] : vector<16xf32>, vector<16xi32> -> vector<16xf32>
      %add3A_254 = arith.addf %add3A_240, %gather3A_253 : vector<16xf32>
      %min3A_255 = arith.minimumf %min3A_198, %add3A_254 : vector<16xf32>
      %xor3A_256 = arith.constant 8 : i32
      %xor3A_257 = vector.broadcast %xor3A_256 : i32 to vector<16xi32>
      %xor3A_258 = arith.xori %iota3A, %xor3A_257 : vector<16xi32>
      %lt3A_259 = arith.constant 0 : i32
      %lt3A_260 = vector.broadcast %lt3A_259 : i32 to vector<16xi32>
      %lt3A_261 = arith.cmpi slt, %xor3A_258, %lt3A_260 : vector<16xi32>
      %add3A_262 = arith.constant 16 : i32
      %add3A_263 = vector.broadcast %add3A_262 : i32 to vector<16xi32>
      %add3A_264 = arith.addi %xor3A_258, %add3A_263 : vector<16xi32>
      %select_n3A_265 = arith.select %lt3A_261, %add3A_264, %xor3A_258 : vector<16xi1>, vector<16xi32>
      %broadcast_in_dim3A_266 = vector.shape_cast %select_n3A_265 : vector<16xi32> to vector<16x1xi32>
      %gather3A_267 = vector.shape_cast %broadcast_in_dim3A_266 : vector<16x1xi32> to vector<16xi32>
      %gather3A_268 = tpu.dynamic_gather %scan3A_87#3[%gather3A_267] in [0] : vector<16xf32>, vector<16xi32> -> vector<16xf32>
      %add3A_269 = arith.addf %scan3A_87#3, %gather3A_268 : vector<16xf32>
      %xor3A_270 = arith.constant 4 : i32
      %xor3A_271 = vector.broadcast %xor3A_270 : i32 to vector<16xi32>
      %xor3A_272 = arith.xori %iota3A, %xor3A_271 : vector<16xi32>
      %lt3A_273 = arith.constant 0 : i32
      %lt3A_274 = vector.broadcast %lt3A_273 : i32 to vector<16xi32>
      %lt3A_275 = arith.cmpi slt, %xor3A_272, %lt3A_274 : vector<16xi32>
      %add3A_276 = arith.constant 16 : i32
      %add3A_277 = vector.broadcast %add3A_276 : i32 to vector<16xi32>
      %add3A_278 = arith.addi %xor3A_272, %add3A_277 : vector<16xi32>
      %select_n3A_279 = arith.select %lt3A_275, %add3A_278, %xor3A_272 : vector<16xi1>, vector<16xi32>
      %broadcast_in_dim3A_280 = vector.shape_cast %select_n3A_279 : vector<16xi32> to vector<16x1xi32>
      %gather3A_281 = vector.shape_cast %broadcast_in_dim3A_280 : vector<16x1xi32> to vector<16xi32>
      %gather3A_282 = tpu.dynamic_gather %add3A_269[%gather3A_281] in [0] : vector<16xf32>, vector<16xi32> -> vector<16xf32>
      %add3A_283 = arith.addf %add3A_269, %gather3A_282 : vector<16xf32>
      %xor3A_284 = arith.constant 2 : i32
      %xor3A_285 = vector.broadcast %xor3A_284 : i32 to vector<16xi32>
      %xor3A_286 = arith.xori %iota3A, %xor3A_285 : vector<16xi32>
      %lt3A_287 = arith.constant 0 : i32
      %lt3A_288 = vector.broadcast %lt3A_287 : i32 to vector<16xi32>
      %lt3A_289 = arith.cmpi slt, %xor3A_286, %lt3A_288 : vector<16xi32>
      %add3A_290 = arith.constant 16 : i32
      %add3A_291 = vector.broadcast %add3A_290 : i32 to vector<16xi32>
      %add3A_292 = arith.addi %xor3A_286, %add3A_291 : vector<16xi32>
      %select_n3A_293 = arith.select %lt3A_289, %add3A_292, %xor3A_286 : vector<16xi1>, vector<16xi32>
      %broadcast_in_dim3A_294 = vector.shape_cast %select_n3A_293 : vector<16xi32> to vector<16x1xi32>
      %gather3A_295 = vector.shape_cast %broadcast_in_dim3A_294 : vector<16x1xi32> to vector<16xi32>
      %gather3A_296 = tpu.dynamic_gather %add3A_283[%gather3A_295] in [0] : vector<16xf32>, vector<16xi32> -> vector<16xf32>
      %add3A_297 = arith.addf %add3A_283, %gather3A_296 : vector<16xf32>
      %xor3A_298 = arith.constant 1 : i32
      %xor3A_299 = vector.broadcast %xor3A_298 : i32 to vector<16xi32>
      %xor3A_300 = arith.xori %iota3A, %xor3A_299 : vector<16xi32>
      %lt3A_301 = arith.constant 0 : i32
      %lt3A_302 = vector.broadcast %lt3A_301 : i32 to vector<16xi32>
      %lt3A_303 = arith.cmpi slt, %xor3A_300, %lt3A_302 : vector<16xi32>
      %add3A_304 = arith.constant 16 : i32
      %add3A_305 = vector.broadcast %add3A_304 : i32 to vector<16xi32>
      %add3A_306 = arith.addi %xor3A_300, %add3A_305 : vector<16xi32>
      %select_n3A_307 = arith.select %lt3A_303, %add3A_306, %xor3A_300 : vector<16xi1>, vector<16xi32>
      %broadcast_in_dim3A_308 = vector.shape_cast %select_n3A_307 : vector<16xi32> to vector<16x1xi32>
      %gather3A_309 = vector.shape_cast %broadcast_in_dim3A_308 : vector<16x1xi32> to vector<16xi32>
      %gather3A_310 = tpu.dynamic_gather %add3A_297[%gather3A_309] in [0] : vector<16xf32>, vector<16xi32> -> vector<16xf32>
      %add3A_311 = arith.addf %add3A_297, %gather3A_310 : vector<16xf32>
      %min3A_312 = arith.minimumf %min3A_255, %add3A_311 : vector<16xf32>
      %xor3A_313 = arith.constant 8 : i32
      %xor3A_314 = vector.broadcast %xor3A_313 : i32 to vector<16xi32>
      %xor3A_315 = arith.xori %iota3A, %xor3A_314 : vector<16xi32>
      %lt3A_316 = arith.constant 0 : i32
      %lt3A_317 = vector.broadcast %lt3A_316 : i32 to vector<16xi32>
      %lt3A_318 = arith.cmpi slt, %xor3A_315, %lt3A_317 : vector<16xi32>
      %add3A_319 = arith.constant 16 : i32
      %add3A_320 = vector.broadcast %add3A_319 : i32 to vector<16xi32>
      %add3A_321 = arith.addi %xor3A_315, %add3A_320 : vector<16xi32>
      %select_n3A_322 = arith.select %lt3A_318, %add3A_321, %xor3A_315 : vector<16xi1>, vector<16xi32>
      %broadcast_in_dim3A_323 = vector.shape_cast %select_n3A_322 : vector<16xi32> to vector<16x1xi32>
      %gather3A_324 = vector.shape_cast %broadcast_in_dim3A_323 : vector<16x1xi32> to vector<16xi32>
      %gather3A_325 = tpu.dynamic_gather %scan3A_87#4[%gather3A_324] in [0] : vector<16xf32>, vector<16xi32> -> vector<16xf32>
      %add3A_326 = arith.addf %scan3A_87#4, %gather3A_325 : vector<16xf32>
      %xor3A_327 = arith.constant 4 : i32
      %xor3A_328 = vector.broadcast %xor3A_327 : i32 to vector<16xi32>
      %xor3A_329 = arith.xori %iota3A, %xor3A_328 : vector<16xi32>
      %lt3A_330 = arith.constant 0 : i32
      %lt3A_331 = vector.broadcast %lt3A_330 : i32 to vector<16xi32>
      %lt3A_332 = arith.cmpi slt, %xor3A_329, %lt3A_331 : vector<16xi32>
      %add3A_333 = arith.constant 16 : i32
      %add3A_334 = vector.broadcast %add3A_333 : i32 to vector<16xi32>
      %add3A_335 = arith.addi %xor3A_329, %add3A_334 : vector<16xi32>
      %select_n3A_336 = arith.select %lt3A_332, %add3A_335, %xor3A_329 : vector<16xi1>, vector<16xi32>
      %broadcast_in_dim3A_337 = vector.shape_cast %select_n3A_336 : vector<16xi32> to vector<16x1xi32>
      %gather3A_338 = vector.shape_cast %broadcast_in_dim3A_337 : vector<16x1xi32> to vector<16xi32>
      %gather3A_339 = tpu.dynamic_gather %add3A_326[%gather3A_338] in [0] : vector<16xf32>, vector<16xi32> -> vector<16xf32>
      %add3A_340 = arith.addf %add3A_326, %gather3A_339 : vector<16xf32>
      %xor3A_341 = arith.constant 2 : i32
      %xor3A_342 = vector.broadcast %xor3A_341 : i32 to vector<16xi32>
      %xor3A_343 = arith.xori %iota3A, %xor3A_342 : vector<16xi32>
      %lt3A_344 = arith.constant 0 : i32
      %lt3A_345 = vector.broadcast %lt3A_344 : i32 to vector<16xi32>
      %lt3A_346 = arith.cmpi slt, %xor3A_343, %lt3A_345 : vector<16xi32>
      %add3A_347 = arith.constant 16 : i32
      %add3A_348 = vector.broadcast %add3A_347 : i32 to vector<16xi32>
      %add3A_349 = arith.addi %xor3A_343, %add3A_348 : vector<16xi32>
      %select_n3A_350 = arith.select %lt3A_346, %add3A_349, %xor3A_343 : vector<16xi1>, vector<16xi32>
      %broadcast_in_dim3A_351 = vector.shape_cast %select_n3A_350 : vector<16xi32> to vector<16x1xi32>
      %gather3A_352 = vector.shape_cast %broadcast_in_dim3A_351 : vector<16x1xi32> to vector<16xi32>
      %gather3A_353 = tpu.dynamic_gather %add3A_340[%gather3A_352] in [0] : vector<16xf32>, vector<16xi32> -> vector<16xf32>
      %add3A_354 = arith.addf %add3A_340, %gather3A_353 : vector<16xf32>
      %xor3A_355 = arith.constant 1 : i32
      %xor3A_356 = vector.broadcast %xor3A_355 : i32 to vector<16xi32>
      %xor3A_357 = arith.xori %iota3A, %xor3A_356 : vector<16xi32>
      %lt3A_358 = arith.constant 0 : i32
      %lt3A_359 = vector.broadcast %lt3A_358 : i32 to vector<16xi32>
      %lt3A_360 = arith.cmpi slt, %xor3A_357, %lt3A_359 : vector<16xi32>
      %add3A_361 = arith.constant 16 : i32
      %add3A_362 = vector.broadcast %add3A_361 : i32 to vector<16xi32>
      %add3A_363 = arith.addi %xor3A_357, %add3A_362 : vector<16xi32>
      %select_n3A_364 = arith.select %lt3A_360, %add3A_363, %xor3A_357 : vector<16xi1>, vector<16xi32>
      %broadcast_in_dim3A_365 = vector.shape_cast %select_n3A_364 : vector<16xi32> to vector<16x1xi32>
      %gather3A_366 = vector.shape_cast %broadcast_in_dim3A_365 : vector<16x1xi32> to vector<16xi32>
      %gather3A_367 = tpu.dynamic_gather %add3A_354[%gather3A_366] in [0] : vector<16xf32>, vector<16xi32> -> vector<16xf32>
      %add3A_368 = arith.addf %add3A_354, %gather3A_367 : vector<16xf32>
      %min3A_369 = arith.minimumf %min3A_312, %add3A_368 : vector<16xf32>
      %xor3A_370 = arith.constant 8 : i32
      %xor3A_371 = vector.broadcast %xor3A_370 : i32 to vector<16xi32>
      %xor3A_372 = arith.xori %iota3A, %xor3A_371 : vector<16xi32>
      %lt3A_373 = arith.constant 0 : i32
      %lt3A_374 = vector.broadcast %lt3A_373 : i32 to vector<16xi32>
      %lt3A_375 = arith.cmpi slt, %xor3A_372, %lt3A_374 : vector<16xi32>
      %add3A_376 = arith.constant 16 : i32
      %add3A_377 = vector.broadcast %add3A_376 : i32 to vector<16xi32>
      %add3A_378 = arith.addi %xor3A_372, %add3A_377 : vector<16xi32>
      %select_n3A_379 = arith.select %lt3A_375, %add3A_378, %xor3A_372 : vector<16xi1>, vector<16xi32>
      %broadcast_in_dim3A_380 = vector.shape_cast %select_n3A_379 : vector<16xi32> to vector<16x1xi32>
      %gather3A_381 = vector.shape_cast %broadcast_in_dim3A_380 : vector<16x1xi32> to vector<16xi32>
      %gather3A_382 = tpu.dynamic_gather %scan3A_87#5[%gather3A_381] in [0] : vector<16xf32>, vector<16xi32> -> vector<16xf32>
      %add3A_383 = arith.addf %scan3A_87#5, %gather3A_382 : vector<16xf32>
      %xor3A_384 = arith.constant 4 : i32
      %xor3A_385 = vector.broadcast %xor3A_384 : i32 to vector<16xi32>
      %xor3A_386 = arith.xori %iota3A, %xor3A_385 : vector<16xi32>
      %lt3A_387 = arith.constant 0 : i32
      %lt3A_388 = vector.broadcast %lt3A_387 : i32 to vector<16xi32>
      %lt3A_389 = arith.cmpi slt, %xor3A_386, %lt3A_388 : vector<16xi32>
      %add3A_390 = arith.constant 16 : i32
      %add3A_391 = vector.broadcast %add3A_390 : i32 to vector<16xi32>
      %add3A_392 = arith.addi %xor3A_386, %add3A_391 : vector<16xi32>
      %select_n3A_393 = arith.select %lt3A_389, %add3A_392, %xor3A_386 : vector<16xi1>, vector<16xi32>
      %broadcast_in_dim3A_394 = vector.shape_cast %select_n3A_393 : vector<16xi32> to vector<16x1xi32>
      %gather3A_395 = vector.shape_cast %broadcast_in_dim3A_394 : vector<16x1xi32> to vector<16xi32>
      %gather3A_396 = tpu.dynamic_gather %add3A_383[%gather3A_395] in [0] : vector<16xf32>, vector<16xi32> -> vector<16xf32>
      %add3A_397 = arith.addf %add3A_383, %gather3A_396 : vector<16xf32>
      %xor3A_398 = arith.constant 2 : i32
      %xor3A_399 = vector.broadcast %xor3A_398 : i32 to vector<16xi32>
      %xor3A_400 = arith.xori %iota3A, %xor3A_399 : vector<16xi32>
      %lt3A_401 = arith.constant 0 : i32
      %lt3A_402 = vector.broadcast %lt3A_401 : i32 to vector<16xi32>
      %lt3A_403 = arith.cmpi slt, %xor3A_400, %lt3A_402 : vector<16xi32>
      %add3A_404 = arith.constant 16 : i32
      %add3A_405 = vector.broadcast %add3A_404 : i32 to vector<16xi32>
      %add3A_406 = arith.addi %xor3A_400, %add3A_405 : vector<16xi32>
      %select_n3A_407 = arith.select %lt3A_403, %add3A_406, %xor3A_400 : vector<16xi1>, vector<16xi32>
      %broadcast_in_dim3A_408 = vector.shape_cast %select_n3A_407 : vector<16xi32> to vector<16x1xi32>
      %gather3A_409 = vector.shape_cast %broadcast_in_dim3A_408 : vector<16x1xi32> to vector<16xi32>
      %gather3A_410 = tpu.dynamic_gather %add3A_397[%gather3A_409] in [0] : vector<16xf32>, vector<16xi32> -> vector<16xf32>
      %add3A_411 = arith.addf %add3A_397, %gather3A_410 : vector<16xf32>
      %xor3A_412 = arith.constant 1 : i32
      %xor3A_413 = vector.broadcast %xor3A_412 : i32 to vector<16xi32>
      %xor3A_414 = arith.xori %iota3A, %xor3A_413 : vector<16xi32>
      %lt3A_415 = arith.constant 0 : i32
      %lt3A_416 = vector.broadcast %lt3A_415 : i32 to vector<16xi32>
      %lt3A_417 = arith.cmpi slt, %xor3A_414, %lt3A_416 : vector<16xi32>
      %add3A_418 = arith.constant 16 : i32
      %add3A_419 = vector.broadcast %add3A_418 : i32 to vector<16xi32>
      %add3A_420 = arith.addi %xor3A_414, %add3A_419 : vector<16xi32>
      %select_n3A_421 = arith.select %lt3A_417, %add3A_420, %xor3A_414 : vector<16xi1>, vector<16xi32>
      %broadcast_in_dim3A_422 = vector.shape_cast %select_n3A_421 : vector<16xi32> to vector<16x1xi32>
      %gather3A_423 = vector.shape_cast %broadcast_in_dim3A_422 : vector<16x1xi32> to vector<16xi32>
      %gather3A_424 = tpu.dynamic_gather %add3A_411[%gather3A_423] in [0] : vector<16xf32>, vector<16xi32> -> vector<16xf32>
      %add3A_425 = arith.addf %add3A_411, %gather3A_424 : vector<16xf32>
      %min3A_426 = arith.minimumf %min3A_369, %add3A_425 : vector<16xf32>
      %xor3A_427 = arith.constant 8 : i32
      %xor3A_428 = vector.broadcast %xor3A_427 : i32 to vector<16xi32>
      %xor3A_429 = arith.xori %iota3A, %xor3A_428 : vector<16xi32>
      %lt3A_430 = arith.constant 0 : i32
      %lt3A_431 = vector.broadcast %lt3A_430 : i32 to vector<16xi32>
      %lt3A_432 = arith.cmpi slt, %xor3A_429, %lt3A_431 : vector<16xi32>
      %add3A_433 = arith.constant 16 : i32
      %add3A_434 = vector.broadcast %add3A_433 : i32 to vector<16xi32>
      %add3A_435 = arith.addi %xor3A_429, %add3A_434 : vector<16xi32>
      %select_n3A_436 = arith.select %lt3A_432, %add3A_435, %xor3A_429 : vector<16xi1>, vector<16xi32>
      %broadcast_in_dim3A_437 = vector.shape_cast %select_n3A_436 : vector<16xi32> to vector<16x1xi32>
      %gather3A_438 = vector.shape_cast %broadcast_in_dim3A_437 : vector<16x1xi32> to vector<16xi32>
      %gather3A_439 = tpu.dynamic_gather %scan3A_87#6[%gather3A_438] in [0] : vector<16xf32>, vector<16xi32> -> vector<16xf32>
      %add3A_440 = arith.addf %scan3A_87#6, %gather3A_439 : vector<16xf32>
      %xor3A_441 = arith.constant 4 : i32
      %xor3A_442 = vector.broadcast %xor3A_441 : i32 to vector<16xi32>
      %xor3A_443 = arith.xori %iota3A, %xor3A_442 : vector<16xi32>
      %lt3A_444 = arith.constant 0 : i32
      %lt3A_445 = vector.broadcast %lt3A_444 : i32 to vector<16xi32>
      %lt3A_446 = arith.cmpi slt, %xor3A_443, %lt3A_445 : vector<16xi32>
      %add3A_447 = arith.constant 16 : i32
      %add3A_448 = vector.broadcast %add3A_447 : i32 to vector<16xi32>
      %add3A_449 = arith.addi %xor3A_443, %add3A_448 : vector<16xi32>
      %select_n3A_450 = arith.select %lt3A_446, %add3A_449, %xor3A_443 : vector<16xi1>, vector<16xi32>
      %broadcast_in_dim3A_451 = vector.shape_cast %select_n3A_450 : vector<16xi32> to vector<16x1xi32>
      %gather3A_452 = vector.shape_cast %broadcast_in_dim3A_451 : vector<16x1xi32> to vector<16xi32>
      %gather3A_453 = tpu.dynamic_gather %add3A_440[%gather3A_452] in [0] : vector<16xf32>, vector<16xi32> -> vector<16xf32>
      %add3A_454 = arith.addf %add3A_440, %gather3A_453 : vector<16xf32>
      %xor3A_455 = arith.constant 2 : i32
      %xor3A_456 = vector.broadcast %xor3A_455 : i32 to vector<16xi32>
      %xor3A_457 = arith.xori %iota3A, %xor3A_456 : vector<16xi32>
      %lt3A_458 = arith.constant 0 : i32
      %lt3A_459 = vector.broadcast %lt3A_458 : i32 to vector<16xi32>
      %lt3A_460 = arith.cmpi slt, %xor3A_457, %lt3A_459 : vector<16xi32>
      %add3A_461 = arith.constant 16 : i32
      %add3A_462 = vector.broadcast %add3A_461 : i32 to vector<16xi32>
      %add3A_463 = arith.addi %xor3A_457, %add3A_462 : vector<16xi32>
      %select_n3A_464 = arith.select %lt3A_460, %add3A_463, %xor3A_457 : vector<16xi1>, vector<16xi32>
      %broadcast_in_dim3A_465 = vector.shape_cast %select_n3A_464 : vector<16xi32> to vector<16x1xi32>
      %gather3A_466 = vector.shape_cast %broadcast_in_dim3A_465 : vector<16x1xi32> to vector<16xi32>
      %gather3A_467 = tpu.dynamic_gather %add3A_454[%gather3A_466] in [0] : vector<16xf32>, vector<16xi32> -> vector<16xf32>
      %add3A_468 = arith.addf %add3A_454, %gather3A_467 : vector<16xf32>
      %xor3A_469 = arith.constant 1 : i32
      %xor3A_470 = vector.broadcast %xor3A_469 : i32 to vector<16xi32>
      %xor3A_471 = arith.xori %iota3A, %xor3A_470 : vector<16xi32>
      %lt3A_472 = arith.constant 0 : i32
      %lt3A_473 = vector.broadcast %lt3A_472 : i32 to vector<16xi32>
      %lt3A_474 = arith.cmpi slt, %xor3A_471, %lt3A_473 : vector<16xi32>
      %add3A_475 = arith.constant 16 : i32
      %add3A_476 = vector.broadcast %add3A_475 : i32 to vector<16xi32>
      %add3A_477 = arith.addi %xor3A_471, %add3A_476 : vector<16xi32>
      %select_n3A_478 = arith.select %lt3A_474, %add3A_477, %xor3A_471 : vector<16xi1>, vector<16xi32>
      %broadcast_in_dim3A_479 = vector.shape_cast %select_n3A_478 : vector<16xi32> to vector<16x1xi32>
      %gather3A_480 = vector.shape_cast %broadcast_in_dim3A_479 : vector<16x1xi32> to vector<16xi32>
      %gather3A_481 = tpu.dynamic_gather %add3A_468[%gather3A_480] in [0] : vector<16xf32>, vector<16xi32> -> vector<16xf32>
      %add3A_482 = arith.addf %add3A_468, %gather3A_481 : vector<16xf32>
      %min3A_483 = arith.minimumf %min3A_426, %add3A_482 : vector<16xf32>
      %xor3A_484 = arith.constant 8 : i32
      %xor3A_485 = vector.broadcast %xor3A_484 : i32 to vector<16xi32>
      %xor3A_486 = arith.xori %iota3A, %xor3A_485 : vector<16xi32>
      %lt3A_487 = arith.constant 0 : i32
      %lt3A_488 = vector.broadcast %lt3A_487 : i32 to vector<16xi32>
      %lt3A_489 = arith.cmpi slt, %xor3A_486, %lt3A_488 : vector<16xi32>
      %add3A_490 = arith.constant 16 : i32
      %add3A_491 = vector.broadcast %add3A_490 : i32 to vector<16xi32>
      %add3A_492 = arith.addi %xor3A_486, %add3A_491 : vector<16xi32>
      %select_n3A_493 = arith.select %lt3A_489, %add3A_492, %xor3A_486 : vector<16xi1>, vector<16xi32>
      %broadcast_in_dim3A_494 = vector.shape_cast %select_n3A_493 : vector<16xi32> to vector<16x1xi32>
      %gather3A_495 = vector.shape_cast %broadcast_in_dim3A_494 : vector<16x1xi32> to vector<16xi32>
      %gather3A_496 = tpu.dynamic_gather %scan3A_87#7[%gather3A_495] in [0] : vector<16xf32>, vector<16xi32> -> vector<16xf32>
      %add3A_497 = arith.addf %scan3A_87#7, %gather3A_496 : vector<16xf32>
      %xor3A_498 = arith.constant 4 : i32
      %xor3A_499 = vector.broadcast %xor3A_498 : i32 to vector<16xi32>
      %xor3A_500 = arith.xori %iota3A, %xor3A_499 : vector<16xi32>
      %lt3A_501 = arith.constant 0 : i32
      %lt3A_502 = vector.broadcast %lt3A_501 : i32 to vector<16xi32>
      %lt3A_503 = arith.cmpi slt, %xor3A_500, %lt3A_502 : vector<16xi32>
      %add3A_504 = arith.constant 16 : i32
      %add3A_505 = vector.broadcast %add3A_504 : i32 to vector<16xi32>
      %add3A_506 = arith.addi %xor3A_500, %add3A_505 : vector<16xi32>
      %select_n3A_507 = arith.select %lt3A_503, %add3A_506, %xor3A_500 : vector<16xi1>, vector<16xi32>
      %broadcast_in_dim3A_508 = vector.shape_cast %select_n3A_507 : vector<16xi32> to vector<16x1xi32>
      %gather3A_509 = vector.shape_cast %broadcast_in_dim3A_508 : vector<16x1xi32> to vector<16xi32>
      %gather3A_510 = tpu.dynamic_gather %add3A_497[%gather3A_509] in [0] : vector<16xf32>, vector<16xi32> -> vector<16xf32>
      %add3A_511 = arith.addf %add3A_497, %gather3A_510 : vector<16xf32>
      %xor3A_512 = arith.constant 2 : i32
      %xor3A_513 = vector.broadcast %xor3A_512 : i32 to vector<16xi32>
      %xor3A_514 = arith.xori %iota3A, %xor3A_513 : vector<16xi32>
      %lt3A_515 = arith.constant 0 : i32
      %lt3A_516 = vector.broadcast %lt3A_515 : i32 to vector<16xi32>
      %lt3A_517 = arith.cmpi slt, %xor3A_514, %lt3A_516 : vector<16xi32>
      %add3A_518 = arith.constant 16 : i32
      %add3A_519 = vector.broadcast %add3A_518 : i32 to vector<16xi32>
      %add3A_520 = arith.addi %xor3A_514, %add3A_519 : vector<16xi32>
      %select_n3A_521 = arith.select %lt3A_517, %add3A_520, %xor3A_514 : vector<16xi1>, vector<16xi32>
      %broadcast_in_dim3A_522 = vector.shape_cast %select_n3A_521 : vector<16xi32> to vector<16x1xi32>
      %gather3A_523 = vector.shape_cast %broadcast_in_dim3A_522 : vector<16x1xi32> to vector<16xi32>
      %gather3A_524 = tpu.dynamic_gather %add3A_511[%gather3A_523] in [0] : vector<16xf32>, vector<16xi32> -> vector<16xf32>
      %add3A_525 = arith.addf %add3A_511, %gather3A_524 : vector<16xf32>
      %xor3A_526 = arith.constant 1 : i32
      %xor3A_527 = vector.broadcast %xor3A_526 : i32 to vector<16xi32>
      %xor3A_528 = arith.xori %iota3A, %xor3A_527 : vector<16xi32>
      %lt3A_529 = arith.constant 0 : i32
      %lt3A_530 = vector.broadcast %lt3A_529 : i32 to vector<16xi32>
      %lt3A_531 = arith.cmpi slt, %xor3A_528, %lt3A_530 : vector<16xi32>
      %add3A_532 = arith.constant 16 : i32
      %add3A_533 = vector.broadcast %add3A_532 : i32 to vector<16xi32>
      %add3A_534 = arith.addi %xor3A_528, %add3A_533 : vector<16xi32>
      %select_n3A_535 = arith.select %lt3A_531, %add3A_534, %xor3A_528 : vector<16xi1>, vector<16xi32>
      %broadcast_in_dim3A_536 = vector.shape_cast %select_n3A_535 : vector<16xi32> to vector<16x1xi32>
      %gather3A_537 = vector.shape_cast %broadcast_in_dim3A_536 : vector<16x1xi32> to vector<16xi32>
      %gather3A_538 = tpu.dynamic_gather %add3A_525[%gather3A_537] in [0] : vector<16xf32>, vector<16xi32> -> vector<16xf32>
      %add3A_539 = arith.addf %add3A_525, %gather3A_538 : vector<16xf32>
      %min3A_540 = arith.minimumf %min3A_483, %add3A_539 : vector<16xf32>
      %xor3A_541 = arith.constant 8 : i32
      %xor3A_542 = vector.broadcast %xor3A_541 : i32 to vector<16xi32>
      %xor3A_543 = arith.xori %iota3A, %xor3A_542 : vector<16xi32>
      %lt3A_544 = arith.constant 0 : i32
      %lt3A_545 = vector.broadcast %lt3A_544 : i32 to vector<16xi32>
      %lt3A_546 = arith.cmpi slt, %xor3A_543, %lt3A_545 : vector<16xi32>
      %add3A_547 = arith.constant 16 : i32
      %add3A_548 = vector.broadcast %add3A_547 : i32 to vector<16xi32>
      %add3A_549 = arith.addi %xor3A_543, %add3A_548 : vector<16xi32>
      %select_n3A_550 = arith.select %lt3A_546, %add3A_549, %xor3A_543 : vector<16xi1>, vector<16xi32>
      %broadcast_in_dim3A_551 = vector.shape_cast %select_n3A_550 : vector<16xi32> to vector<16x1xi32>
      %gather3A_552 = vector.shape_cast %broadcast_in_dim3A_551 : vector<16x1xi32> to vector<16xi32>
      %gather3A_553 = tpu.dynamic_gather %scan3A_87#8[%gather3A_552] in [0] : vector<16xf32>, vector<16xi32> -> vector<16xf32>
      %add3A_554 = arith.addf %scan3A_87#8, %gather3A_553 : vector<16xf32>
      %xor3A_555 = arith.constant 4 : i32
      %xor3A_556 = vector.broadcast %xor3A_555 : i32 to vector<16xi32>
      %xor3A_557 = arith.xori %iota3A, %xor3A_556 : vector<16xi32>
      %lt3A_558 = arith.constant 0 : i32
      %lt3A_559 = vector.broadcast %lt3A_558 : i32 to vector<16xi32>
      %lt3A_560 = arith.cmpi slt, %xor3A_557, %lt3A_559 : vector<16xi32>
      %add3A_561 = arith.constant 16 : i32
      %add3A_562 = vector.broadcast %add3A_561 : i32 to vector<16xi32>
      %add3A_563 = arith.addi %xor3A_557, %add3A_562 : vector<16xi32>
      %select_n3A_564 = arith.select %lt3A_560, %add3A_563, %xor3A_557 : vector<16xi1>, vector<16xi32>
      %broadcast_in_dim3A_565 = vector.shape_cast %select_n3A_564 : vector<16xi32> to vector<16x1xi32>
      %gather3A_566 = vector.shape_cast %broadcast_in_dim3A_565 : vector<16x1xi32> to vector<16xi32>
      %gather3A_567 = tpu.dynamic_gather %add3A_554[%gather3A_566] in [0] : vector<16xf32>, vector<16xi32> -> vector<16xf32>
      %add3A_568 = arith.addf %add3A_554, %gather3A_567 : vector<16xf32>
      %xor3A_569 = arith.constant 2 : i32
      %xor3A_570 = vector.broadcast %xor3A_569 : i32 to vector<16xi32>
      %xor3A_571 = arith.xori %iota3A, %xor3A_570 : vector<16xi32>
      %lt3A_572 = arith.constant 0 : i32
      %lt3A_573 = vector.broadcast %lt3A_572 : i32 to vector<16xi32>
      %lt3A_574 = arith.cmpi slt, %xor3A_571, %lt3A_573 : vector<16xi32>
      %add3A_575 = arith.constant 16 : i32
      %add3A_576 = vector.broadcast %add3A_575 : i32 to vector<16xi32>
      %add3A_577 = arith.addi %xor3A_571, %add3A_576 : vector<16xi32>
      %select_n3A_578 = arith.select %lt3A_574, %add3A_577, %xor3A_571 : vector<16xi1>, vector<16xi32>
      %broadcast_in_dim3A_579 = vector.shape_cast %select_n3A_578 : vector<16xi32> to vector<16x1xi32>
      %gather3A_580 = vector.shape_cast %broadcast_in_dim3A_579 : vector<16x1xi32> to vector<16xi32>
      %gather3A_581 = tpu.dynamic_gather %add3A_568[%gather3A_580] in [0] : vector<16xf32>, vector<16xi32> -> vector<16xf32>
      %add3A_582 = arith.addf %add3A_568, %gather3A_581 : vector<16xf32>
      %xor3A_583 = arith.constant 1 : i32
      %xor3A_584 = vector.broadcast %xor3A_583 : i32 to vector<16xi32>
      %xor3A_585 = arith.xori %iota3A, %xor3A_584 : vector<16xi32>
      %lt3A_586 = arith.constant 0 : i32
      %lt3A_587 = vector.broadcast %lt3A_586 : i32 to vector<16xi32>
      %lt3A_588 = arith.cmpi slt, %xor3A_585, %lt3A_587 : vector<16xi32>
      %add3A_589 = arith.constant 16 : i32
      %add3A_590 = vector.broadcast %add3A_589 : i32 to vector<16xi32>
      %add3A_591 = arith.addi %xor3A_585, %add3A_590 : vector<16xi32>
      %select_n3A_592 = arith.select %lt3A_588, %add3A_591, %xor3A_585 : vector<16xi1>, vector<16xi32>
      %broadcast_in_dim3A_593 = vector.shape_cast %select_n3A_592 : vector<16xi32> to vector<16x1xi32>
      %gather3A_594 = vector.shape_cast %broadcast_in_dim3A_593 : vector<16x1xi32> to vector<16xi32>
      %gather3A_595 = tpu.dynamic_gather %add3A_582[%gather3A_594] in [0] : vector<16xf32>, vector<16xi32> -> vector<16xf32>
      %add3A_596 = arith.addf %add3A_582, %gather3A_595 : vector<16xf32>
      %min3A_597 = arith.minimumf %min3A_540, %add3A_596 : vector<16xf32>
      %xor3A_598 = arith.constant 8 : i32
      %xor3A_599 = vector.broadcast %xor3A_598 : i32 to vector<16xi32>
      %xor3A_600 = arith.xori %iota3A, %xor3A_599 : vector<16xi32>
      %lt3A_601 = arith.constant 0 : i32
      %lt3A_602 = vector.broadcast %lt3A_601 : i32 to vector<16xi32>
      %lt3A_603 = arith.cmpi slt, %xor3A_600, %lt3A_602 : vector<16xi32>
      %add3A_604 = arith.constant 16 : i32
      %add3A_605 = vector.broadcast %add3A_604 : i32 to vector<16xi32>
      %add3A_606 = arith.addi %xor3A_600, %add3A_605 : vector<16xi32>
      %select_n3A_607 = arith.select %lt3A_603, %add3A_606, %xor3A_600 : vector<16xi1>, vector<16xi32>
      %broadcast_in_dim3A_608 = vector.shape_cast %select_n3A_607 : vector<16xi32> to vector<16x1xi32>
      %gather3A_609 = vector.shape_cast %broadcast_in_dim3A_608 : vector<16x1xi32> to vector<16xi32>
      %gather3A_610 = tpu.dynamic_gather %scan3A_87#9[%gather3A_609] in [0] : vector<16xf32>, vector<16xi32> -> vector<16xf32>
      %add3A_611 = arith.addf %scan3A_87#9, %gather3A_610 : vector<16xf32>
      %xor3A_612 = arith.constant 4 : i32
      %xor3A_613 = vector.broadcast %xor3A_612 : i32 to vector<16xi32>
      %xor3A_614 = arith.xori %iota3A, %xor3A_613 : vector<16xi32>
      %lt3A_615 = arith.constant 0 : i32
      %lt3A_616 = vector.broadcast %lt3A_615 : i32 to vector<16xi32>
      %lt3A_617 = arith.cmpi slt, %xor3A_614, %lt3A_616 : vector<16xi32>
      %add3A_618 = arith.constant 16 : i32
      %add3A_619 = vector.broadcast %add3A_618 : i32 to vector<16xi32>
      %add3A_620 = arith.addi %xor3A_614, %add3A_619 : vector<16xi32>
      %select_n3A_621 = arith.select %lt3A_617, %add3A_620, %xor3A_614 : vector<16xi1>, vector<16xi32>
      %broadcast_in_dim3A_622 = vector.shape_cast %select_n3A_621 : vector<16xi32> to vector<16x1xi32>
      %gather3A_623 = vector.shape_cast %broadcast_in_dim3A_622 : vector<16x1xi32> to vector<16xi32>
      %gather3A_624 = tpu.dynamic_gather %add3A_611[%gather3A_623] in [0] : vector<16xf32>, vector<16xi32> -> vector<16xf32>
      %add3A_625 = arith.addf %add3A_611, %gather3A_624 : vector<16xf32>
      %xor3A_626 = arith.constant 2 : i32
      %xor3A_627 = vector.broadcast %xor3A_626 : i32 to vector<16xi32>
      %xor3A_628 = arith.xori %iota3A, %xor3A_627 : vector<16xi32>
      %lt3A_629 = arith.constant 0 : i32
      %lt3A_630 = vector.broadcast %lt3A_629 : i32 to vector<16xi32>
      %lt3A_631 = arith.cmpi slt, %xor3A_628, %lt3A_630 : vector<16xi32>
      %add3A_632 = arith.constant 16 : i32
      %add3A_633 = vector.broadcast %add3A_632 : i32 to vector<16xi32>
      %add3A_634 = arith.addi %xor3A_628, %add3A_633 : vector<16xi32>
      %select_n3A_635 = arith.select %lt3A_631, %add3A_634, %xor3A_628 : vector<16xi1>, vector<16xi32>
      %broadcast_in_dim3A_636 = vector.shape_cast %select_n3A_635 : vector<16xi32> to vector<16x1xi32>
      %gather3A_637 = vector.shape_cast %broadcast_in_dim3A_636 : vector<16x1xi32> to vector<16xi32>
      %gather3A_638 = tpu.dynamic_gather %add3A_625[%gather3A_637] in [0] : vector<16xf32>, vector<16xi32> -> vector<16xf32>
      %add3A_639 = arith.addf %add3A_625, %gather3A_638 : vector<16xf32>
      %xor3A_640 = arith.constant 1 : i32
      %xor3A_641 = vector.broadcast %xor3A_640 : i32 to vector<16xi32>
      %xor3A_642 = arith.xori %iota3A, %xor3A_641 : vector<16xi32>
      %lt3A_643 = arith.constant 0 : i32
      %lt3A_644 = vector.broadcast %lt3A_643 : i32 to vector<16xi32>
      %lt3A_645 = arith.cmpi slt, %xor3A_642, %lt3A_644 : vector<16xi32>
      %add3A_646 = arith.constant 16 : i32
      %add3A_647 = vector.broadcast %add3A_646 : i32 to vector<16xi32>
      %add3A_648 = arith.addi %xor3A_642, %add3A_647 : vector<16xi32>
      %select_n3A_649 = arith.select %lt3A_645, %add3A_648, %xor3A_642 : vector<16xi1>, vector<16xi32>
      %broadcast_in_dim3A_650 = vector.shape_cast %select_n3A_649 : vector<16xi32> to vector<16x1xi32>
      %gather3A_651 = vector.shape_cast %broadcast_in_dim3A_650 : vector<16x1xi32> to vector<16xi32>
      %gather3A_652 = tpu.dynamic_gather %add3A_639[%gather3A_651] in [0] : vector<16xf32>, vector<16xi32> -> vector<16xf32>
      %add3A_653 = arith.addf %add3A_639, %gather3A_652 : vector<16xf32>
      %min3A_654 = arith.minimumf %min3A_597, %add3A_653 : vector<16xf32>
      %xor3A_655 = arith.constant 8 : i32
      %xor3A_656 = vector.broadcast %xor3A_655 : i32 to vector<16xi32>
      %xor3A_657 = arith.xori %iota3A, %xor3A_656 : vector<16xi32>
      %lt3A_658 = arith.constant 0 : i32
      %lt3A_659 = vector.broadcast %lt3A_658 : i32 to vector<16xi32>
      %lt3A_660 = arith.cmpi slt, %xor3A_657, %lt3A_659 : vector<16xi32>
      %add3A_661 = arith.constant 16 : i32
      %add3A_662 = vector.broadcast %add3A_661 : i32 to vector<16xi32>
      %add3A_663 = arith.addi %xor3A_657, %add3A_662 : vector<16xi32>
      %select_n3A_664 = arith.select %lt3A_660, %add3A_663, %xor3A_657 : vector<16xi1>, vector<16xi32>
      %broadcast_in_dim3A_665 = vector.shape_cast %select_n3A_664 : vector<16xi32> to vector<16x1xi32>
      %gather3A_666 = vector.shape_cast %broadcast_in_dim3A_665 : vector<16x1xi32> to vector<16xi32>
      %gather3A_667 = tpu.dynamic_gather %scan3A_87#10[%gather3A_666] in [0] : vector<16xf32>, vector<16xi32> -> vector<16xf32>
      %add3A_668 = arith.addf %scan3A_87#10, %gather3A_667 : vector<16xf32>
      %xor3A_669 = arith.constant 4 : i32
      %xor3A_670 = vector.broadcast %xor3A_669 : i32 to vector<16xi32>
      %xor3A_671 = arith.xori %iota3A, %xor3A_670 : vector<16xi32>
      %lt3A_672 = arith.constant 0 : i32
      %lt3A_673 = vector.broadcast %lt3A_672 : i32 to vector<16xi32>
      %lt3A_674 = arith.cmpi slt, %xor3A_671, %lt3A_673 : vector<16xi32>
      %add3A_675 = arith.constant 16 : i32
      %add3A_676 = vector.broadcast %add3A_675 : i32 to vector<16xi32>
      %add3A_677 = arith.addi %xor3A_671, %add3A_676 : vector<16xi32>
      %select_n3A_678 = arith.select %lt3A_674, %add3A_677, %xor3A_671 : vector<16xi1>, vector<16xi32>
      %broadcast_in_dim3A_679 = vector.shape_cast %select_n3A_678 : vector<16xi32> to vector<16x1xi32>
      %gather3A_680 = vector.shape_cast %broadcast_in_dim3A_679 : vector<16x1xi32> to vector<16xi32>
      %gather3A_681 = tpu.dynamic_gather %add3A_668[%gather3A_680] in [0] : vector<16xf32>, vector<16xi32> -> vector<16xf32>
      %add3A_682 = arith.addf %add3A_668, %gather3A_681 : vector<16xf32>
      %xor3A_683 = arith.constant 2 : i32
      %xor3A_684 = vector.broadcast %xor3A_683 : i32 to vector<16xi32>
      %xor3A_685 = arith.xori %iota3A, %xor3A_684 : vector<16xi32>
      %lt3A_686 = arith.constant 0 : i32
      %lt3A_687 = vector.broadcast %lt3A_686 : i32 to vector<16xi32>
      %lt3A_688 = arith.cmpi slt, %xor3A_685, %lt3A_687 : vector<16xi32>
      %add3A_689 = arith.constant 16 : i32
      %add3A_690 = vector.broadcast %add3A_689 : i32 to vector<16xi32>
      %add3A_691 = arith.addi %xor3A_685, %add3A_690 : vector<16xi32>
      %select_n3A_692 = arith.select %lt3A_688, %add3A_691, %xor3A_685 : vector<16xi1>, vector<16xi32>
      %broadcast_in_dim3A_693 = vector.shape_cast %select_n3A_692 : vector<16xi32> to vector<16x1xi32>
      %gather3A_694 = vector.shape_cast %broadcast_in_dim3A_693 : vector<16x1xi32> to vector<16xi32>
      %gather3A_695 = tpu.dynamic_gather %add3A_682[%gather3A_694] in [0] : vector<16xf32>, vector<16xi32> -> vector<16xf32>
      %add3A_696 = arith.addf %add3A_682, %gather3A_695 : vector<16xf32>
      %xor3A_697 = arith.constant 1 : i32
      %xor3A_698 = vector.broadcast %xor3A_697 : i32 to vector<16xi32>
      %xor3A_699 = arith.xori %iota3A, %xor3A_698 : vector<16xi32>
      %lt3A_700 = arith.constant 0 : i32
      %lt3A_701 = vector.broadcast %lt3A_700 : i32 to vector<16xi32>
      %lt3A_702 = arith.cmpi slt, %xor3A_699, %lt3A_701 : vector<16xi32>
      %add3A_703 = arith.constant 16 : i32
      %add3A_704 = vector.broadcast %add3A_703 : i32 to vector<16xi32>
      %add3A_705 = arith.addi %xor3A_699, %add3A_704 : vector<16xi32>
      %select_n3A_706 = arith.select %lt3A_702, %add3A_705, %xor3A_699 : vector<16xi1>, vector<16xi32>
      %broadcast_in_dim3A_707 = vector.shape_cast %select_n3A_706 : vector<16xi32> to vector<16x1xi32>
      %gather3A_708 = vector.shape_cast %broadcast_in_dim3A_707 : vector<16x1xi32> to vector<16xi32>
      %gather3A_709 = tpu.dynamic_gather %add3A_696[%gather3A_708] in [0] : vector<16xf32>, vector<16xi32> -> vector<16xf32>
      %add3A_710 = arith.addf %add3A_696, %gather3A_709 : vector<16xf32>
      %min3A_711 = arith.minimumf %min3A_654, %add3A_710 : vector<16xf32>
      %xor3A_712 = arith.constant 8 : i32
      %xor3A_713 = vector.broadcast %xor3A_712 : i32 to vector<16xi32>
      %xor3A_714 = arith.xori %iota3A, %xor3A_713 : vector<16xi32>
      %lt3A_715 = arith.constant 0 : i32
      %lt3A_716 = vector.broadcast %lt3A_715 : i32 to vector<16xi32>
      %lt3A_717 = arith.cmpi slt, %xor3A_714, %lt3A_716 : vector<16xi32>
      %add3A_718 = arith.constant 16 : i32
      %add3A_719 = vector.broadcast %add3A_718 : i32 to vector<16xi32>
      %add3A_720 = arith.addi %xor3A_714, %add3A_719 : vector<16xi32>
      %select_n3A_721 = arith.select %lt3A_717, %add3A_720, %xor3A_714 : vector<16xi1>, vector<16xi32>
      %broadcast_in_dim3A_722 = vector.shape_cast %select_n3A_721 : vector<16xi32> to vector<16x1xi32>
      %gather3A_723 = vector.shape_cast %broadcast_in_dim3A_722 : vector<16x1xi32> to vector<16xi32>
      %gather3A_724 = tpu.dynamic_gather %scan3A_87#11[%gather3A_723] in [0] : vector<16xf32>, vector<16xi32> -> vector<16xf32>
      %add3A_725 = arith.addf %scan3A_87#11, %gather3A_724 : vector<16xf32>
      %xor3A_726 = arith.constant 4 : i32
      %xor3A_727 = vector.broadcast %xor3A_726 : i32 to vector<16xi32>
      %xor3A_728 = arith.xori %iota3A, %xor3A_727 : vector<16xi32>
      %lt3A_729 = arith.constant 0 : i32
      %lt3A_730 = vector.broadcast %lt3A_729 : i32 to vector<16xi32>
      %lt3A_731 = arith.cmpi slt, %xor3A_728, %lt3A_730 : vector<16xi32>
      %add3A_732 = arith.constant 16 : i32
      %add3A_733 = vector.broadcast %add3A_732 : i32 to vector<16xi32>
      %add3A_734 = arith.addi %xor3A_728, %add3A_733 : vector<16xi32>
      %select_n3A_735 = arith.select %lt3A_731, %add3A_734, %xor3A_728 : vector<16xi1>, vector<16xi32>
      %broadcast_in_dim3A_736 = vector.shape_cast %select_n3A_735 : vector<16xi32> to vector<16x1xi32>
      %gather3A_737 = vector.shape_cast %broadcast_in_dim3A_736 : vector<16x1xi32> to vector<16xi32>
      %gather3A_738 = tpu.dynamic_gather %add3A_725[%gather3A_737] in [0] : vector<16xf32>, vector<16xi32> -> vector<16xf32>
      %add3A_739 = arith.addf %add3A_725, %gather3A_738 : vector<16xf32>
      %xor3A_740 = arith.constant 2 : i32
      %xor3A_741 = vector.broadcast %xor3A_740 : i32 to vector<16xi32>
      %xor3A_742 = arith.xori %iota3A, %xor3A_741 : vector<16xi32>
      %lt3A_743 = arith.constant 0 : i32
      %lt3A_744 = vector.broadcast %lt3A_743 : i32 to vector<16xi32>
      %lt3A_745 = arith.cmpi slt, %xor3A_742, %lt3A_744 : vector<16xi32>
      %add3A_746 = arith.constant 16 : i32
      %add3A_747 = vector.broadcast %add3A_746 : i32 to vector<16xi32>
      %add3A_748 = arith.addi %xor3A_742, %add3A_747 : vector<16xi32>
      %select_n3A_749 = arith.select %lt3A_745, %add3A_748, %xor3A_742 : vector<16xi1>, vector<16xi32>
      %broadcast_in_dim3A_750 = vector.shape_cast %select_n3A_749 : vector<16xi32> to vector<16x1xi32>
      %gather3A_751 = vector.shape_cast %broadcast_in_dim3A_750 : vector<16x1xi32> to vector<16xi32>
      %gather3A_752 = tpu.dynamic_gather %add3A_739[%gather3A_751] in [0] : vector<16xf32>, vector<16xi32> -> vector<16xf32>
      %add3A_753 = arith.addf %add3A_739, %gather3A_752 : vector<16xf32>
      %xor3A_754 = arith.constant 1 : i32
      %xor3A_755 = vector.broadcast %xor3A_754 : i32 to vector<16xi32>
      %xor3A_756 = arith.xori %iota3A, %xor3A_755 : vector<16xi32>
      %lt3A_757 = arith.constant 0 : i32
      %lt3A_758 = vector.broadcast %lt3A_757 : i32 to vector<16xi32>
      %lt3A_759 = arith.cmpi slt, %xor3A_756, %lt3A_758 : vector<16xi32>
      %add3A_760 = arith.constant 16 : i32
      %add3A_761 = vector.broadcast %add3A_760 : i32 to vector<16xi32>
      %add3A_762 = arith.addi %xor3A_756, %add3A_761 : vector<16xi32>
      %select_n3A_763 = arith.select %lt3A_759, %add3A_762, %xor3A_756 : vector<16xi1>, vector<16xi32>
      %broadcast_in_dim3A_764 = vector.shape_cast %select_n3A_763 : vector<16xi32> to vector<16x1xi32>
      %gather3A_765 = vector.shape_cast %broadcast_in_dim3A_764 : vector<16x1xi32> to vector<16xi32>
      %gather3A_766 = tpu.dynamic_gather %add3A_753[%gather3A_765] in [0] : vector<16xf32>, vector<16xi32> -> vector<16xf32>
      %add3A_767 = arith.addf %add3A_753, %gather3A_766 : vector<16xf32>
      %min3A_768 = arith.minimumf %min3A_711, %add3A_767 : vector<16xf32>
      %xor3A_769 = arith.constant 8 : i32
      %xor3A_770 = vector.broadcast %xor3A_769 : i32 to vector<16xi32>
      %xor3A_771 = arith.xori %iota3A, %xor3A_770 : vector<16xi32>
      %lt3A_772 = arith.constant 0 : i32
      %lt3A_773 = vector.broadcast %lt3A_772 : i32 to vector<16xi32>
      %lt3A_774 = arith.cmpi slt, %xor3A_771, %lt3A_773 : vector<16xi32>
      %add3A_775 = arith.constant 16 : i32
      %add3A_776 = vector.broadcast %add3A_775 : i32 to vector<16xi32>
      %add3A_777 = arith.addi %xor3A_771, %add3A_776 : vector<16xi32>
      %select_n3A_778 = arith.select %lt3A_774, %add3A_777, %xor3A_771 : vector<16xi1>, vector<16xi32>
      %broadcast_in_dim3A_779 = vector.shape_cast %select_n3A_778 : vector<16xi32> to vector<16x1xi32>
      %gather3A_780 = vector.shape_cast %broadcast_in_dim3A_779 : vector<16x1xi32> to vector<16xi32>
      %gather3A_781 = tpu.dynamic_gather %scan3A_87#12[%gather3A_780] in [0] : vector<16xf32>, vector<16xi32> -> vector<16xf32>
      %add3A_782 = arith.addf %scan3A_87#12, %gather3A_781 : vector<16xf32>
      %xor3A_783 = arith.constant 4 : i32
      %xor3A_784 = vector.broadcast %xor3A_783 : i32 to vector<16xi32>
      %xor3A_785 = arith.xori %iota3A, %xor3A_784 : vector<16xi32>
      %lt3A_786 = arith.constant 0 : i32
      %lt3A_787 = vector.broadcast %lt3A_786 : i32 to vector<16xi32>
      %lt3A_788 = arith.cmpi slt, %xor3A_785, %lt3A_787 : vector<16xi32>
      %add3A_789 = arith.constant 16 : i32
      %add3A_790 = vector.broadcast %add3A_789 : i32 to vector<16xi32>
      %add3A_791 = arith.addi %xor3A_785, %add3A_790 : vector<16xi32>
      %select_n3A_792 = arith.select %lt3A_788, %add3A_791, %xor3A_785 : vector<16xi1>, vector<16xi32>
      %broadcast_in_dim3A_793 = vector.shape_cast %select_n3A_792 : vector<16xi32> to vector<16x1xi32>
      %gather3A_794 = vector.shape_cast %broadcast_in_dim3A_793 : vector<16x1xi32> to vector<16xi32>
      %gather3A_795 = tpu.dynamic_gather %add3A_782[%gather3A_794] in [0] : vector<16xf32>, vector<16xi32> -> vector<16xf32>
      %add3A_796 = arith.addf %add3A_782, %gather3A_795 : vector<16xf32>
      %xor3A_797 = arith.constant 2 : i32
      %xor3A_798 = vector.broadcast %xor3A_797 : i32 to vector<16xi32>
      %xor3A_799 = arith.xori %iota3A, %xor3A_798 : vector<16xi32>
      %lt3A_800 = arith.constant 0 : i32
      %lt3A_801 = vector.broadcast %lt3A_800 : i32 to vector<16xi32>
      %lt3A_802 = arith.cmpi slt, %xor3A_799, %lt3A_801 : vector<16xi32>
      %add3A_803 = arith.constant 16 : i32
      %add3A_804 = vector.broadcast %add3A_803 : i32 to vector<16xi32>
      %add3A_805 = arith.addi %xor3A_799, %add3A_804 : vector<16xi32>
      %select_n3A_806 = arith.select %lt3A_802, %add3A_805, %xor3A_799 : vector<16xi1>, vector<16xi32>
      %broadcast_in_dim3A_807 = vector.shape_cast %select_n3A_806 : vector<16xi32> to vector<16x1xi32>
      %gather3A_808 = vector.shape_cast %broadcast_in_dim3A_807 : vector<16x1xi32> to vector<16xi32>
      %gather3A_809 = tpu.dynamic_gather %add3A_796[%gather3A_808] in [0] : vector<16xf32>, vector<16xi32> -> vector<16xf32>
      %add3A_810 = arith.addf %add3A_796, %gather3A_809 : vector<16xf32>
      %xor3A_811 = arith.constant 1 : i32
      %xor3A_812 = vector.broadcast %xor3A_811 : i32 to vector<16xi32>
      %xor3A_813 = arith.xori %iota3A, %xor3A_812 : vector<16xi32>
      %lt3A_814 = arith.constant 0 : i32
      %lt3A_815 = vector.broadcast %lt3A_814 : i32 to vector<16xi32>
      %lt3A_816 = arith.cmpi slt, %xor3A_813, %lt3A_815 : vector<16xi32>
      %add3A_817 = arith.constant 16 : i32
      %add3A_818 = vector.broadcast %add3A_817 : i32 to vector<16xi32>
      %add3A_819 = arith.addi %xor3A_813, %add3A_818 : vector<16xi32>
      %select_n3A_820 = arith.select %lt3A_816, %add3A_819, %xor3A_813 : vector<16xi1>, vector<16xi32>
      %broadcast_in_dim3A_821 = vector.shape_cast %select_n3A_820 : vector<16xi32> to vector<16x1xi32>
      %gather3A_822 = vector.shape_cast %broadcast_in_dim3A_821 : vector<16x1xi32> to vector<16xi32>
      %gather3A_823 = tpu.dynamic_gather %add3A_810[%gather3A_822] in [0] : vector<16xf32>, vector<16xi32> -> vector<16xf32>
      %add3A_824 = arith.addf %add3A_810, %gather3A_823 : vector<16xf32>
      %min3A_825 = arith.minimumf %min3A_768, %add3A_824 : vector<16xf32>
      %xor3A_826 = arith.constant 8 : i32
      %xor3A_827 = vector.broadcast %xor3A_826 : i32 to vector<16xi32>
      %xor3A_828 = arith.xori %iota3A, %xor3A_827 : vector<16xi32>
      %lt3A_829 = arith.constant 0 : i32
      %lt3A_830 = vector.broadcast %lt3A_829 : i32 to vector<16xi32>
      %lt3A_831 = arith.cmpi slt, %xor3A_828, %lt3A_830 : vector<16xi32>
      %add3A_832 = arith.constant 16 : i32
      %add3A_833 = vector.broadcast %add3A_832 : i32 to vector<16xi32>
      %add3A_834 = arith.addi %xor3A_828, %add3A_833 : vector<16xi32>
      %select_n3A_835 = arith.select %lt3A_831, %add3A_834, %xor3A_828 : vector<16xi1>, vector<16xi32>
      %broadcast_in_dim3A_836 = vector.shape_cast %select_n3A_835 : vector<16xi32> to vector<16x1xi32>
      %gather3A_837 = vector.shape_cast %broadcast_in_dim3A_836 : vector<16x1xi32> to vector<16xi32>
      %gather3A_838 = tpu.dynamic_gather %scan3A_87#13[%gather3A_837] in [0] : vector<16xf32>, vector<16xi32> -> vector<16xf32>
      %add3A_839 = arith.addf %scan3A_87#13, %gather3A_838 : vector<16xf32>
      %xor3A_840 = arith.constant 4 : i32
      %xor3A_841 = vector.broadcast %xor3A_840 : i32 to vector<16xi32>
      %xor3A_842 = arith.xori %iota3A, %xor3A_841 : vector<16xi32>
      %lt3A_843 = arith.constant 0 : i32
      %lt3A_844 = vector.broadcast %lt3A_843 : i32 to vector<16xi32>
      %lt3A_845 = arith.cmpi slt, %xor3A_842, %lt3A_844 : vector<16xi32>
      %add3A_846 = arith.constant 16 : i32
      %add3A_847 = vector.broadcast %add3A_846 : i32 to vector<16xi32>
      %add3A_848 = arith.addi %xor3A_842, %add3A_847 : vector<16xi32>
      %select_n3A_849 = arith.select %lt3A_845, %add3A_848, %xor3A_842 : vector<16xi1>, vector<16xi32>
      %broadcast_in_dim3A_850 = vector.shape_cast %select_n3A_849 : vector<16xi32> to vector<16x1xi32>
      %gather3A_851 = vector.shape_cast %broadcast_in_dim3A_850 : vector<16x1xi32> to vector<16xi32>
      %gather3A_852 = tpu.dynamic_gather %add3A_839[%gather3A_851] in [0] : vector<16xf32>, vector<16xi32> -> vector<16xf32>
      %add3A_853 = arith.addf %add3A_839, %gather3A_852 : vector<16xf32>
      %xor3A_854 = arith.constant 2 : i32
      %xor3A_855 = vector.broadcast %xor3A_854 : i32 to vector<16xi32>
      %xor3A_856 = arith.xori %iota3A, %xor3A_855 : vector<16xi32>
      %lt3A_857 = arith.constant 0 : i32
      %lt3A_858 = vector.broadcast %lt3A_857 : i32 to vector<16xi32>
      %lt3A_859 = arith.cmpi slt, %xor3A_856, %lt3A_858 : vector<16xi32>
      %add3A_860 = arith.constant 16 : i32
      %add3A_861 = vector.broadcast %add3A_860 : i32 to vector<16xi32>
      %add3A_862 = arith.addi %xor3A_856, %add3A_861 : vector<16xi32>
      %select_n3A_863 = arith.select %lt3A_859, %add3A_862, %xor3A_856 : vector<16xi1>, vector<16xi32>
      %broadcast_in_dim3A_864 = vector.shape_cast %select_n3A_863 : vector<16xi32> to vector<16x1xi32>
      %gather3A_865 = vector.shape_cast %broadcast_in_dim3A_864 : vector<16x1xi32> to vector<16xi32>
      %gather3A_866 = tpu.dynamic_gather %add3A_853[%gather3A_865] in [0] : vector<16xf32>, vector<16xi32> -> vector<16xf32>
      %add3A_867 = arith.addf %add3A_853, %gather3A_866 : vector<16xf32>
      %xor3A_868 = arith.constant 1 : i32
      %xor3A_869 = vector.broadcast %xor3A_868 : i32 to vector<16xi32>
      %xor3A_870 = arith.xori %iota3A, %xor3A_869 : vector<16xi32>
      %lt3A_871 = arith.constant 0 : i32
      %lt3A_872 = vector.broadcast %lt3A_871 : i32 to vector<16xi32>
      %lt3A_873 = arith.cmpi slt, %xor3A_870, %lt3A_872 : vector<16xi32>
      %add3A_874 = arith.constant 16 : i32
      %add3A_875 = vector.broadcast %add3A_874 : i32 to vector<16xi32>
      %add3A_876 = arith.addi %xor3A_870, %add3A_875 : vector<16xi32>
      %select_n3A_877 = arith.select %lt3A_873, %add3A_876, %xor3A_870 : vector<16xi1>, vector<16xi32>
      %broadcast_in_dim3A_878 = vector.shape_cast %select_n3A_877 : vector<16xi32> to vector<16x1xi32>
      %gather3A_879 = vector.shape_cast %broadcast_in_dim3A_878 : vector<16x1xi32> to vector<16xi32>
      %gather3A_880 = tpu.dynamic_gather %add3A_867[%gather3A_879] in [0] : vector<16xf32>, vector<16xi32> -> vector<16xf32>
      %add3A_881 = arith.addf %add3A_867, %gather3A_880 : vector<16xf32>
      %min3A_882 = arith.minimumf %min3A_825, %add3A_881 : vector<16xf32>
      %xor3A_883 = arith.constant 8 : i32
      %xor3A_884 = vector.broadcast %xor3A_883 : i32 to vector<16xi32>
      %xor3A_885 = arith.xori %iota3A, %xor3A_884 : vector<16xi32>
      %lt3A_886 = arith.constant 0 : i32
      %lt3A_887 = vector.broadcast %lt3A_886 : i32 to vector<16xi32>
      %lt3A_888 = arith.cmpi slt, %xor3A_885, %lt3A_887 : vector<16xi32>
      %add3A_889 = arith.constant 16 : i32
      %add3A_890 = vector.broadcast %add3A_889 : i32 to vector<16xi32>
      %add3A_891 = arith.addi %xor3A_885, %add3A_890 : vector<16xi32>
      %select_n3A_892 = arith.select %lt3A_888, %add3A_891, %xor3A_885 : vector<16xi1>, vector<16xi32>
      %broadcast_in_dim3A_893 = vector.shape_cast %select_n3A_892 : vector<16xi32> to vector<16x1xi32>
      %gather3A_894 = vector.shape_cast %broadcast_in_dim3A_893 : vector<16x1xi32> to vector<16xi32>
      %gather3A_895 = tpu.dynamic_gather %scan3A_87#14[%gather3A_894] in [0] : vector<16xf32>, vector<16xi32> -> vector<16xf32>
      %add3A_896 = arith.addf %scan3A_87#14, %gather3A_895 : vector<16xf32>
      %xor3A_897 = arith.constant 4 : i32
      %xor3A_898 = vector.broadcast %xor3A_897 : i32 to vector<16xi32>
      %xor3A_899 = arith.xori %iota3A, %xor3A_898 : vector<16xi32>
      %lt3A_900 = arith.constant 0 : i32
      %lt3A_901 = vector.broadcast %lt3A_900 : i32 to vector<16xi32>
      %lt3A_902 = arith.cmpi slt, %xor3A_899, %lt3A_901 : vector<16xi32>
      %add3A_903 = arith.constant 16 : i32
      %add3A_904 = vector.broadcast %add3A_903 : i32 to vector<16xi32>
      %add3A_905 = arith.addi %xor3A_899, %add3A_904 : vector<16xi32>
      %select_n3A_906 = arith.select %lt3A_902, %add3A_905, %xor3A_899 : vector<16xi1>, vector<16xi32>
      %broadcast_in_dim3A_907 = vector.shape_cast %select_n3A_906 : vector<16xi32> to vector<16x1xi32>
      %gather3A_908 = vector.shape_cast %broadcast_in_dim3A_907 : vector<16x1xi32> to vector<16xi32>
      %gather3A_909 = tpu.dynamic_gather %add3A_896[%gather3A_908] in [0] : vector<16xf32>, vector<16xi32> -> vector<16xf32>
      %add3A_910 = arith.addf %add3A_896, %gather3A_909 : vector<16xf32>
      %xor3A_911 = arith.constant 2 : i32
      %xor3A_912 = vector.broadcast %xor3A_911 : i32 to vector<16xi32>
      %xor3A_913 = arith.xori %iota3A, %xor3A_912 : vector<16xi32>
      %lt3A_914 = arith.constant 0 : i32
      %lt3A_915 = vector.broadcast %lt3A_914 : i32 to vector<16xi32>
      %lt3A_916 = arith.cmpi slt, %xor3A_913, %lt3A_915 : vector<16xi32>
      %add3A_917 = arith.constant 16 : i32
      %add3A_918 = vector.broadcast %add3A_917 : i32 to vector<16xi32>
      %add3A_919 = arith.addi %xor3A_913, %add3A_918 : vector<16xi32>
      %select_n3A_920 = arith.select %lt3A_916, %add3A_919, %xor3A_913 : vector<16xi1>, vector<16xi32>
      %broadcast_in_dim3A_921 = vector.shape_cast %select_n3A_920 : vector<16xi32> to vector<16x1xi32>
      %gather3A_922 = vector.shape_cast %broadcast_in_dim3A_921 : vector<16x1xi32> to vector<16xi32>
      %gather3A_923 = tpu.dynamic_gather %add3A_910[%gather3A_922] in [0] : vector<16xf32>, vector<16xi32> -> vector<16xf32>
      %add3A_924 = arith.addf %add3A_910, %gather3A_923 : vector<16xf32>
      %xor3A_925 = arith.constant 1 : i32
      %xor3A_926 = vector.broadcast %xor3A_925 : i32 to vector<16xi32>
      %xor3A_927 = arith.xori %iota3A, %xor3A_926 : vector<16xi32>
      %lt3A_928 = arith.constant 0 : i32
      %lt3A_929 = vector.broadcast %lt3A_928 : i32 to vector<16xi32>
      %lt3A_930 = arith.cmpi slt, %xor3A_927, %lt3A_929 : vector<16xi32>
      %add3A_931 = arith.constant 16 : i32
      %add3A_932 = vector.broadcast %add3A_931 : i32 to vector<16xi32>
      %add3A_933 = arith.addi %xor3A_927, %add3A_932 : vector<16xi32>
      %select_n3A_934 = arith.select %lt3A_930, %add3A_933, %xor3A_927 : vector<16xi1>, vector<16xi32>
      %broadcast_in_dim3A_935 = vector.shape_cast %select_n3A_934 : vector<16xi32> to vector<16x1xi32>
      %gather3A_936 = vector.shape_cast %broadcast_in_dim3A_935 : vector<16x1xi32> to vector<16xi32>
      %gather3A_937 = tpu.dynamic_gather %add3A_924[%gather3A_936] in [0] : vector<16xf32>, vector<16xi32> -> vector<16xf32>
      %add3A_938 = arith.addf %add3A_924, %gather3A_937 : vector<16xf32>
      %min3A_939 = arith.minimumf %min3A_882, %add3A_938 : vector<16xf32>
      %xor3A_940 = arith.constant 8 : i32
      %xor3A_941 = vector.broadcast %xor3A_940 : i32 to vector<16xi32>
      %xor3A_942 = arith.xori %iota3A, %xor3A_941 : vector<16xi32>
      %lt3A_943 = arith.constant 0 : i32
      %lt3A_944 = vector.broadcast %lt3A_943 : i32 to vector<16xi32>
      %lt3A_945 = arith.cmpi slt, %xor3A_942, %lt3A_944 : vector<16xi32>
      %add3A_946 = arith.constant 16 : i32
      %add3A_947 = vector.broadcast %add3A_946 : i32 to vector<16xi32>
      %add3A_948 = arith.addi %xor3A_942, %add3A_947 : vector<16xi32>
      %select_n3A_949 = arith.select %lt3A_945, %add3A_948, %xor3A_942 : vector<16xi1>, vector<16xi32>
      %broadcast_in_dim3A_950 = vector.shape_cast %select_n3A_949 : vector<16xi32> to vector<16x1xi32>
      %gather3A_951 = vector.shape_cast %broadcast_in_dim3A_950 : vector<16x1xi32> to vector<16xi32>
      %gather3A_952 = tpu.dynamic_gather %scan3A_87#15[%gather3A_951] in [0] : vector<16xf32>, vector<16xi32> -> vector<16xf32>
      %add3A_953 = arith.addf %scan3A_87#15, %gather3A_952 : vector<16xf32>
      %xor3A_954 = arith.constant 4 : i32
      %xor3A_955 = vector.broadcast %xor3A_954 : i32 to vector<16xi32>
      %xor3A_956 = arith.xori %iota3A, %xor3A_955 : vector<16xi32>
      %lt3A_957 = arith.constant 0 : i32
      %lt3A_958 = vector.broadcast %lt3A_957 : i32 to vector<16xi32>
      %lt3A_959 = arith.cmpi slt, %xor3A_956, %lt3A_958 : vector<16xi32>
      %add3A_960 = arith.constant 16 : i32
      %add3A_961 = vector.broadcast %add3A_960 : i32 to vector<16xi32>
      %add3A_962 = arith.addi %xor3A_956, %add3A_961 : vector<16xi32>
      %select_n3A_963 = arith.select %lt3A_959, %add3A_962, %xor3A_956 : vector<16xi1>, vector<16xi32>
      %broadcast_in_dim3A_964 = vector.shape_cast %select_n3A_963 : vector<16xi32> to vector<16x1xi32>
      %gather3A_965 = vector.shape_cast %broadcast_in_dim3A_964 : vector<16x1xi32> to vector<16xi32>
      %gather3A_966 = tpu.dynamic_gather %add3A_953[%gather3A_965] in [0] : vector<16xf32>, vector<16xi32> -> vector<16xf32>
      %add3A_967 = arith.addf %add3A_953, %gather3A_966 : vector<16xf32>
      %xor3A_968 = arith.constant 2 : i32
      %xor3A_969 = vector.broadcast %xor3A_968 : i32 to vector<16xi32>
      %xor3A_970 = arith.xori %iota3A, %xor3A_969 : vector<16xi32>
      %lt3A_971 = arith.constant 0 : i32
      %lt3A_972 = vector.broadcast %lt3A_971 : i32 to vector<16xi32>
      %lt3A_973 = arith.cmpi slt, %xor3A_970, %lt3A_972 : vector<16xi32>
      %add3A_974 = arith.constant 16 : i32
      %add3A_975 = vector.broadcast %add3A_974 : i32 to vector<16xi32>
      %add3A_976 = arith.addi %xor3A_970, %add3A_975 : vector<16xi32>
      %select_n3A_977 = arith.select %lt3A_973, %add3A_976, %xor3A_970 : vector<16xi1>, vector<16xi32>
      %broadcast_in_dim3A_978 = vector.shape_cast %select_n3A_977 : vector<16xi32> to vector<16x1xi32>
      %gather3A_979 = vector.shape_cast %broadcast_in_dim3A_978 : vector<16x1xi32> to vector<16xi32>
      %gather3A_980 = tpu.dynamic_gather %add3A_967[%gather3A_979] in [0] : vector<16xf32>, vector<16xi32> -> vector<16xf32>
      %add3A_981 = arith.addf %add3A_967, %gather3A_980 : vector<16xf32>
      %xor3A_982 = arith.constant 1 : i32
      %xor3A_983 = vector.broadcast %xor3A_982 : i32 to vector<16xi32>
      %xor3A_984 = arith.xori %iota3A, %xor3A_983 : vector<16xi32>
      %lt3A_985 = arith.constant 0 : i32
      %lt3A_986 = vector.broadcast %lt3A_985 : i32 to vector<16xi32>
      %lt3A_987 = arith.cmpi slt, %xor3A_984, %lt3A_986 : vector<16xi32>
      %add3A_988 = arith.constant 16 : i32
      %add3A_989 = vector.broadcast %add3A_988 : i32 to vector<16xi32>
      %add3A_990 = arith.addi %xor3A_984, %add3A_989 : vector<16xi32>
      %select_n3A_991 = arith.select %lt3A_987, %add3A_990, %xor3A_984 : vector<16xi1>, vector<16xi32>
      %broadcast_in_dim3A_992 = vector.shape_cast %select_n3A_991 : vector<16xi32> to vector<16x1xi32>
      %gather3A_993 = vector.shape_cast %broadcast_in_dim3A_992 : vector<16x1xi32> to vector<16xi32>
      %gather3A_994 = tpu.dynamic_gather %add3A_981[%gather3A_993] in [0] : vector<16xf32>, vector<16xi32> -> vector<16xf32>
      %add3A_995 = arith.addf %add3A_981, %gather3A_994 : vector<16xf32>
      %min3A_996 = arith.minimumf %min3A_939, %add3A_995 : vector<16xf32>
      %mul3A_997 = arith.constant 2 : i32
      %mul3A_998 = arith.muli %scan3A_26, %mul3A_997 : i32
      %add3A_999 = arith.constant 1 : i32
      %add3A_1000 = arith.addi %mul3A_998, %add3A_999 : i32
      %add3A_1001 = arith.constant 1 : i32
      %add3A_1002 = arith.addi %add3A_1000, %add3A_1001 : i32
      %lt3A_1003 = arith.constant 4 : i32
      %lt3A_1004 = arith.cmpi slt, %add3A_1002, %lt3A_1003 : i32
      %convert_element_type3A_1005 = arith.extui %lt3A_1004 : i1 to i32
      %cond3A_1006 = arith.constant 0 : i32
      %cond3A_1007 = arith.cmpi ne, %convert_element_type3A_1005, %cond3A_1006 : i32
      scf.if %cond3A_1007 {
        %mul3A_1974 = arith.constant 16 : i32
        %mul3A_1975 = arith.muli %add3A_1002, %mul3A_1974 : i32
        %add3A_1976 = arith.addi %add3A_4, %mul3A_1975 : i32
        %dma_start3A_1977 = arith.constant 0 : i32
        %dma_start3A_1978 = arith.constant 0 : i32
        %dma_start3A_1979 = arith.constant 0 : i32
        %dma_start3A_1980 = tpu.memref_slice %arg6[%dma_start3A_1977, %dma_start3A_1978, %dma_start3A_1979] : memref<2x16x2048xf32, #tpu.memory_space<vmem>> -> memref<1x16x2048xf32, #tpu.memory_space<vmem>>
        %dma_start3A_1981 = tpu.memref_squeeze %dma_start3A_1980 : memref<1x16x2048xf32, #tpu.memory_space<vmem>> -> memref<16x2048xf32, #tpu.memory_space<vmem>>
        %dma_start3A_1982 = arith.constant 0 : i32
        %dma_start3A_1983 = tpu.memref_slice %arg2[%add3A_1976, %dma_start3A_1982] : memref<16384x2048xf32, #tpu.memory_space<hbm>> -> memref<16x2048xf32, #tpu.memory_space<hbm>>
        %dma_start3A_1984 = arith.constant 0 : i32
        %dma_start3A_1985 = arith.constant 0 : i32
        %dma_start3A_1986 = tpu.memref_slice %arg6[%dma_start3A_1977, %dma_start3A_1984, %dma_start3A_1985] : memref<2x16x2048xf32, #tpu.memory_space<vmem>> -> memref<1x16x2048xf32, #tpu.memory_space<vmem>>
        %dma_start3A_1987 = tpu.memref_squeeze %dma_start3A_1986 : memref<1x16x2048xf32, #tpu.memory_space<vmem>> -> memref<16x2048xf32, #tpu.memory_space<vmem>>
        %dma_start3A_1988 = arith.constant 0 : i32
        %dma_start3A_1989 = tpu.memref_slice %arg2[%add3A_1976, %dma_start3A_1988] : memref<16384x2048xf32, #tpu.memory_space<hbm>> -> memref<16x2048xf32, #tpu.memory_space<hbm>>
        tpu.enqueue_dma source(%dma_start3A_1989 : memref<16x2048xf32, #tpu.memory_space<hbm>>) target(%dma_start3A_1987 : memref<16x2048xf32, #tpu.memory_space<vmem>>) target_semaphore(%arg8 : memref<!tpu.dma_semaphore, #tpu.memory_space<semaphore_mem>>)
      } else {
      }
      %mul3A_1008 = arith.constant 16 : i32
      %mul3A_1009 = arith.muli %add3A_1000, %mul3A_1008 : i32
      %add3A_1010 = arith.addi %add3A_4, %mul3A_1009 : i32
      %dma_wait3A_1011 = arith.constant 1 : i32
      %dma_wait3A_1012 = arith.constant 0 : i32
      %dma_wait3A_1013 = arith.constant 0 : i32
      %dma_wait3A_1014 = tpu.memref_slice %arg6[%dma_wait3A_1011, %dma_wait3A_1012, %dma_wait3A_1013] : memref<2x16x2048xf32, #tpu.memory_space<vmem>> -> memref<1x16x2048xf32, #tpu.memory_space<vmem>>
      %dma_wait3A_1015 = tpu.memref_squeeze %dma_wait3A_1014 : memref<1x16x2048xf32, #tpu.memory_space<vmem>> -> memref<16x2048xf32, #tpu.memory_space<vmem>>
      %dma_wait3A_1016 = arith.constant 0 : i32
      %dma_wait3A_1017 = tpu.memref_slice %arg2[%add3A_1010, %dma_wait3A_1016] : memref<16384x2048xf32, #tpu.memory_space<hbm>> -> memref<16x2048xf32, #tpu.memory_space<hbm>>
      %dma_wait3A_1018 = arith.constant 0 : i32
      %dma_wait3A_1019 = arith.constant 0 : i32
      %dma_wait3A_1020 = tpu.memref_slice %arg6[%dma_wait3A_1011, %dma_wait3A_1018, %dma_wait3A_1019] : memref<2x16x2048xf32, #tpu.memory_space<vmem>> -> memref<1x16x2048xf32, #tpu.memory_space<vmem>>
      %dma_wait3A_1021 = tpu.memref_squeeze %dma_wait3A_1020 : memref<1x16x2048xf32, #tpu.memory_space<vmem>> -> memref<16x2048xf32, #tpu.memory_space<vmem>>
      %dma_wait3A_1022 = arith.constant 0 : i32
      %dma_wait3A_1023 = tpu.memref_slice %arg2[%add3A_1010, %dma_wait3A_1022] : memref<16384x2048xf32, #tpu.memory_space<hbm>> -> memref<16x2048xf32, #tpu.memory_space<hbm>>
      tpu.wait_dma2 semaphore(%arg9 : memref<!tpu.dma_semaphore, #tpu.memory_space<semaphore_mem>>) src(%dma_wait3A_1023 : memref<16x2048xf32, #tpu.memory_space<hbm>>) dst(%dma_wait3A_1021 : memref<16x2048xf32, #tpu.memory_space<vmem>>)
      %broadcast_in_dim3A_1024 = arith.constant 0.000000e+00 : f32
      %broadcast_in_dim3A_1025 = vector.broadcast %broadcast_in_dim3A_1024 : f32 to vector<16xf32>
      %broadcast_in_dim3A_1026 = arith.constant 0.000000e+00 : f32
      %broadcast_in_dim3A_1027 = vector.broadcast %broadcast_in_dim3A_1026 : f32 to vector<16xf32>
      %broadcast_in_dim3A_1028 = arith.constant 0.000000e+00 : f32
      %broadcast_in_dim3A_1029 = vector.broadcast %broadcast_in_dim3A_1028 : f32 to vector<16xf32>
      %broadcast_in_dim3A_1030 = arith.constant 0.000000e+00 : f32
      %broadcast_in_dim3A_1031 = vector.broadcast %broadcast_in_dim3A_1030 : f32 to vector<16xf32>
      %broadcast_in_dim3A_1032 = arith.constant 0.000000e+00 : f32
      %broadcast_in_dim3A_1033 = vector.broadcast %broadcast_in_dim3A_1032 : f32 to vector<16xf32>
      %broadcast_in_dim3A_1034 = arith.constant 0.000000e+00 : f32
      %broadcast_in_dim3A_1035 = vector.broadcast %broadcast_in_dim3A_1034 : f32 to vector<16xf32>
      %broadcast_in_dim3A_1036 = arith.constant 0.000000e+00 : f32
      %broadcast_in_dim3A_1037 = vector.broadcast %broadcast_in_dim3A_1036 : f32 to vector<16xf32>
      %broadcast_in_dim3A_1038 = arith.constant 0.000000e+00 : f32
      %broadcast_in_dim3A_1039 = vector.broadcast %broadcast_in_dim3A_1038 : f32 to vector<16xf32>
      %broadcast_in_dim3A_1040 = arith.constant 0.000000e+00 : f32
      %broadcast_in_dim3A_1041 = vector.broadcast %broadcast_in_dim3A_1040 : f32 to vector<16xf32>
      %broadcast_in_dim3A_1042 = arith.constant 0.000000e+00 : f32
      %broadcast_in_dim3A_1043 = vector.broadcast %broadcast_in_dim3A_1042 : f32 to vector<16xf32>
      %broadcast_in_dim3A_1044 = arith.constant 0.000000e+00 : f32
      %broadcast_in_dim3A_1045 = vector.broadcast %broadcast_in_dim3A_1044 : f32 to vector<16xf32>
      %broadcast_in_dim3A_1046 = arith.constant 0.000000e+00 : f32
      %broadcast_in_dim3A_1047 = vector.broadcast %broadcast_in_dim3A_1046 : f32 to vector<16xf32>
      %broadcast_in_dim3A_1048 = arith.constant 0.000000e+00 : f32
      %broadcast_in_dim3A_1049 = vector.broadcast %broadcast_in_dim3A_1048 : f32 to vector<16xf32>
      %broadcast_in_dim3A_1050 = arith.constant 0.000000e+00 : f32
      %broadcast_in_dim3A_1051 = vector.broadcast %broadcast_in_dim3A_1050 : f32 to vector<16xf32>
      %broadcast_in_dim3A_1052 = arith.constant 0.000000e+00 : f32
      %broadcast_in_dim3A_1053 = vector.broadcast %broadcast_in_dim3A_1052 : f32 to vector<16xf32>
      %broadcast_in_dim3A_1054 = arith.constant 0.000000e+00 : f32
      %broadcast_in_dim3A_1055 = vector.broadcast %broadcast_in_dim3A_1054 : f32 to vector<16xf32>
      %scan3A_1056 = arith.constant 0 : i32
      %scan3A_1057 = arith.constant 128 : i32
      %scan3A_1058 = arith.addi %scan3A_1056, %scan3A_1057 : i32
      %scan3A_1059 = arith.constant 1 : i32
      %scan3A_1060:16 = scf.for %scan3A_1974 = %scan3A_1056 to %scan3A_1058 step %scan3A_1059 iter_args(%scan3A_1975 = %broadcast_in_dim3A_1025, %scan3A_1976 = %broadcast_in_dim3A_1027, %scan3A_1977 = %broadcast_in_dim3A_1029, %scan3A_1978 = %broadcast_in_dim3A_1031, %scan3A_1979 = %broadcast_in_dim3A_1033, %scan3A_1980 = %broadcast_in_dim3A_1035, %scan3A_1981 = %broadcast_in_dim3A_1037, %scan3A_1982 = %broadcast_in_dim3A_1039, %scan3A_1983 = %broadcast_in_dim3A_1041, %scan3A_1984 = %broadcast_in_dim3A_1043, %scan3A_1985 = %broadcast_in_dim3A_1045, %scan3A_1986 = %broadcast_in_dim3A_1047, %scan3A_1987 = %broadcast_in_dim3A_1049, %scan3A_1988 = %broadcast_in_dim3A_1051, %scan3A_1989 = %broadcast_in_dim3A_1053, %scan3A_1990 = %broadcast_in_dim3A_1055) -> (vector<16xf32>, vector<16xf32>, vector<16xf32>, vector<16xf32>, vector<16xf32>, vector<16xf32>, vector<16xf32>, vector<16xf32>, vector<16xf32>, vector<16xf32>, vector<16xf32>, vector<16xf32>, vector<16xf32>, vector<16xf32>, vector<16xf32>, vector<16xf32>)  : i32 {
        %mul3A_1991 = arith.constant 16 : i32
        %mul3A_1992 = arith.muli %scan3A_1974, %mul3A_1991 : i32
        %get3A = arith.index_cast %mul3A_1992 : i32 to index
        %get3A_1993 = tpu.vector_load %arg5[%get3A] {strides = array<i32>} : memref<2048xf32, #tpu.memory_space<vmem>>, vector<16xf32>,
        %get3A_1994 = vector.shape_cast %get3A_1993 : vector<16xf32> to vector<16xf32>
        %mul3A_1995 = arith.constant 16 : i32
        %mul3A_1996 = arith.muli %scan3A_1974, %mul3A_1995 : i32
        %get3A_1997 = arith.constant 1 : i32
        %get3A_1998 = arith.constant 0 : i32
        %get3A_1999 = arith.index_cast %get3A_1997 : i32 to index
        %get3A_2000 = arith.index_cast %get3A_1998 : i32 to index
        %get3A_2001 = arith.index_cast %mul3A_1996 : i32 to index
        %get3A_2002 = tpu.vector_load %arg6[%get3A_1999, %get3A_2000, %get3A_2001] {strides = array<i32>} : memref<2x16x2048xf32, #tpu.memory_space<vmem>>, vector<1x1x16xf32>,
        %get3A_2003 = vector.shape_cast %get3A_2002 : vector<1x1x16xf32> to vector<16xf32>
        %sub3A = arith.subf %get3A_2003, %get3A_1994 : vector<16xf32>
        %abs3A = math.absf %sub3A : vector<16xf32>
        %add3A_2004 = arith.addf %scan3A_1975, %abs3A : vector<16xf32>
        %mul3A_2005 = arith.constant 16 : i32
        %mul3A_2006 = arith.muli %scan3A_1974, %mul3A_2005 : i32
        %get3A_2007 = arith.constant 1 : i32
        %get3A_2008 = arith.constant 1 : i32
        %get3A_2009 = arith.index_cast %get3A_2007 : i32 to index
        %get3A_2010 = arith.index_cast %get3A_2008 : i32 to index
        %get3A_2011 = arith.index_cast %mul3A_2006 : i32 to index
        %get3A_2012 = tpu.vector_load %arg6[%get3A_2009, %get3A_2010, %get3A_2011] {strides = array<i32>} : memref<2x16x2048xf32, #tpu.memory_space<vmem>>, vector<1x1x16xf32>,
        %get3A_2013 = vector.shape_cast %get3A_2012 : vector<1x1x16xf32> to vector<16xf32>
        %sub3A_2014 = arith.subf %get3A_2013, %get3A_1994 : vector<16xf32>
        %abs3A_2015 = math.absf %sub3A_2014 : vector<16xf32>
        %add3A_2016 = arith.addf %scan3A_1976, %abs3A_2015 : vector<16xf32>
        %mul3A_2017 = arith.constant 16 : i32
        %mul3A_2018 = arith.muli %scan3A_1974, %mul3A_2017 : i32
        %get3A_2019 = arith.constant 1 : i32
        %get3A_2020 = arith.constant 2 : i32
        %get3A_2021 = arith.index_cast %get3A_2019 : i32 to index
        %get3A_2022 = arith.index_cast %get3A_2020 : i32 to index
        %get3A_2023 = arith.index_cast %mul3A_2018 : i32 to index
        %get3A_2024 = tpu.vector_load %arg6[%get3A_2021, %get3A_2022, %get3A_2023] {strides = array<i32>} : memref<2x16x2048xf32, #tpu.memory_space<vmem>>, vector<1x1x16xf32>,
        %get3A_2025 = vector.shape_cast %get3A_2024 : vector<1x1x16xf32> to vector<16xf32>
        %sub3A_2026 = arith.subf %get3A_2025, %get3A_1994 : vector<16xf32>
        %abs3A_2027 = math.absf %sub3A_2026 : vector<16xf32>
        %add3A_2028 = arith.addf %scan3A_1977, %abs3A_2027 : vector<16xf32>
        %mul3A_2029 = arith.constant 16 : i32
        %mul3A_2030 = arith.muli %scan3A_1974, %mul3A_2029 : i32
        %get3A_2031 = arith.constant 1 : i32
        %get3A_2032 = arith.constant 3 : i32
        %get3A_2033 = arith.index_cast %get3A_2031 : i32 to index
        %get3A_2034 = arith.index_cast %get3A_2032 : i32 to index
        %get3A_2035 = arith.index_cast %mul3A_2030 : i32 to index
        %get3A_2036 = tpu.vector_load %arg6[%get3A_2033, %get3A_2034, %get3A_2035] {strides = array<i32>} : memref<2x16x2048xf32, #tpu.memory_space<vmem>>, vector<1x1x16xf32>,
        %get3A_2037 = vector.shape_cast %get3A_2036 : vector<1x1x16xf32> to vector<16xf32>
        %sub3A_2038 = arith.subf %get3A_2037, %get3A_1994 : vector<16xf32>
        %abs3A_2039 = math.absf %sub3A_2038 : vector<16xf32>
        %add3A_2040 = arith.addf %scan3A_1978, %abs3A_2039 : vector<16xf32>
        %mul3A_2041 = arith.constant 16 : i32
        %mul3A_2042 = arith.muli %scan3A_1974, %mul3A_2041 : i32
        %get3A_2043 = arith.constant 1 : i32
        %get3A_2044 = arith.constant 4 : i32
        %get3A_2045 = arith.index_cast %get3A_2043 : i32 to index
        %get3A_2046 = arith.index_cast %get3A_2044 : i32 to index
        %get3A_2047 = arith.index_cast %mul3A_2042 : i32 to index
        %get3A_2048 = tpu.vector_load %arg6[%get3A_2045, %get3A_2046, %get3A_2047] {strides = array<i32>} : memref<2x16x2048xf32, #tpu.memory_space<vmem>>, vector<1x1x16xf32>,
        %get3A_2049 = vector.shape_cast %get3A_2048 : vector<1x1x16xf32> to vector<16xf32>
        %sub3A_2050 = arith.subf %get3A_2049, %get3A_1994 : vector<16xf32>
        %abs3A_2051 = math.absf %sub3A_2050 : vector<16xf32>
        %add3A_2052 = arith.addf %scan3A_1979, %abs3A_2051 : vector<16xf32>
        %mul3A_2053 = arith.constant 16 : i32
        %mul3A_2054 = arith.muli %scan3A_1974, %mul3A_2053 : i32
        %get3A_2055 = arith.constant 1 : i32
        %get3A_2056 = arith.constant 5 : i32
        %get3A_2057 = arith.index_cast %get3A_2055 : i32 to index
        %get3A_2058 = arith.index_cast %get3A_2056 : i32 to index
        %get3A_2059 = arith.index_cast %mul3A_2054 : i32 to index
        %get3A_2060 = tpu.vector_load %arg6[%get3A_2057, %get3A_2058, %get3A_2059] {strides = array<i32>} : memref<2x16x2048xf32, #tpu.memory_space<vmem>>, vector<1x1x16xf32>,
        %get3A_2061 = vector.shape_cast %get3A_2060 : vector<1x1x16xf32> to vector<16xf32>
        %sub3A_2062 = arith.subf %get3A_2061, %get3A_1994 : vector<16xf32>
        %abs3A_2063 = math.absf %sub3A_2062 : vector<16xf32>
        %add3A_2064 = arith.addf %scan3A_1980, %abs3A_2063 : vector<16xf32>
        %mul3A_2065 = arith.constant 16 : i32
        %mul3A_2066 = arith.muli %scan3A_1974, %mul3A_2065 : i32
        %get3A_2067 = arith.constant 1 : i32
        %get3A_2068 = arith.constant 6 : i32
        %get3A_2069 = arith.index_cast %get3A_2067 : i32 to index
        %get3A_2070 = arith.index_cast %get3A_2068 : i32 to index
        %get3A_2071 = arith.index_cast %mul3A_2066 : i32 to index
        %get3A_2072 = tpu.vector_load %arg6[%get3A_2069, %get3A_2070, %get3A_2071] {strides = array<i32>} : memref<2x16x2048xf32, #tpu.memory_space<vmem>>, vector<1x1x16xf32>,
        %get3A_2073 = vector.shape_cast %get3A_2072 : vector<1x1x16xf32> to vector<16xf32>
        %sub3A_2074 = arith.subf %get3A_2073, %get3A_1994 : vector<16xf32>
        %abs3A_2075 = math.absf %sub3A_2074 : vector<16xf32>
        %add3A_2076 = arith.addf %scan3A_1981, %abs3A_2075 : vector<16xf32>
        %mul3A_2077 = arith.constant 16 : i32
        %mul3A_2078 = arith.muli %scan3A_1974, %mul3A_2077 : i32
        %get3A_2079 = arith.constant 1 : i32
        %get3A_2080 = arith.constant 7 : i32
        %get3A_2081 = arith.index_cast %get3A_2079 : i32 to index
        %get3A_2082 = arith.index_cast %get3A_2080 : i32 to index
        %get3A_2083 = arith.index_cast %mul3A_2078 : i32 to index
        %get3A_2084 = tpu.vector_load %arg6[%get3A_2081, %get3A_2082, %get3A_2083] {strides = array<i32>} : memref<2x16x2048xf32, #tpu.memory_space<vmem>>, vector<1x1x16xf32>,
        %get3A_2085 = vector.shape_cast %get3A_2084 : vector<1x1x16xf32> to vector<16xf32>
        %sub3A_2086 = arith.subf %get3A_2085, %get3A_1994 : vector<16xf32>
        %abs3A_2087 = math.absf %sub3A_2086 : vector<16xf32>
        %add3A_2088 = arith.addf %scan3A_1982, %abs3A_2087 : vector<16xf32>
        %mul3A_2089 = arith.constant 16 : i32
        %mul3A_2090 = arith.muli %scan3A_1974, %mul3A_2089 : i32
        %get3A_2091 = arith.constant 1 : i32
        %get3A_2092 = arith.constant 8 : i32
        %get3A_2093 = arith.index_cast %get3A_2091 : i32 to index
        %get3A_2094 = arith.index_cast %get3A_2092 : i32 to index
        %get3A_2095 = arith.index_cast %mul3A_2090 : i32 to index
        %get3A_2096 = tpu.vector_load %arg6[%get3A_2093, %get3A_2094, %get3A_2095] {strides = array<i32>} : memref<2x16x2048xf32, #tpu.memory_space<vmem>>, vector<1x1x16xf32>,
        %get3A_2097 = vector.shape_cast %get3A_2096 : vector<1x1x16xf32> to vector<16xf32>
        %sub3A_2098 = arith.subf %get3A_2097, %get3A_1994 : vector<16xf32>
        %abs3A_2099 = math.absf %sub3A_2098 : vector<16xf32>
        %add3A_2100 = arith.addf %scan3A_1983, %abs3A_2099 : vector<16xf32>
        %mul3A_2101 = arith.constant 16 : i32
        %mul3A_2102 = arith.muli %scan3A_1974, %mul3A_2101 : i32
        %get3A_2103 = arith.constant 1 : i32
        %get3A_2104 = arith.constant 9 : i32
        %get3A_2105 = arith.index_cast %get3A_2103 : i32 to index
        %get3A_2106 = arith.index_cast %get3A_2104 : i32 to index
        %get3A_2107 = arith.index_cast %mul3A_2102 : i32 to index
        %get3A_2108 = tpu.vector_load %arg6[%get3A_2105, %get3A_2106, %get3A_2107] {strides = array<i32>} : memref<2x16x2048xf32, #tpu.memory_space<vmem>>, vector<1x1x16xf32>,
        %get3A_2109 = vector.shape_cast %get3A_2108 : vector<1x1x16xf32> to vector<16xf32>
        %sub3A_2110 = arith.subf %get3A_2109, %get3A_1994 : vector<16xf32>
        %abs3A_2111 = math.absf %sub3A_2110 : vector<16xf32>
        %add3A_2112 = arith.addf %scan3A_1984, %abs3A_2111 : vector<16xf32>
        %mul3A_2113 = arith.constant 16 : i32
        %mul3A_2114 = arith.muli %scan3A_1974, %mul3A_2113 : i32
        %get3A_2115 = arith.constant 1 : i32
        %get3A_2116 = arith.constant 10 : i32
        %get3A_2117 = arith.index_cast %get3A_2115 : i32 to index
        %get3A_2118 = arith.index_cast %get3A_2116 : i32 to index
        %get3A_2119 = arith.index_cast %mul3A_2114 : i32 to index
        %get3A_2120 = tpu.vector_load %arg6[%get3A_2117, %get3A_2118, %get3A_2119] {strides = array<i32>} : memref<2x16x2048xf32, #tpu.memory_space<vmem>>, vector<1x1x16xf32>,
        %get3A_2121 = vector.shape_cast %get3A_2120 : vector<1x1x16xf32> to vector<16xf32>
        %sub3A_2122 = arith.subf %get3A_2121, %get3A_1994 : vector<16xf32>
        %abs3A_2123 = math.absf %sub3A_2122 : vector<16xf32>
        %add3A_2124 = arith.addf %scan3A_1985, %abs3A_2123 : vector<16xf32>
        %mul3A_2125 = arith.constant 16 : i32
        %mul3A_2126 = arith.muli %scan3A_1974, %mul3A_2125 : i32
        %get3A_2127 = arith.constant 1 : i32
        %get3A_2128 = arith.constant 11 : i32
        %get3A_2129 = arith.index_cast %get3A_2127 : i32 to index
        %get3A_2130 = arith.index_cast %get3A_2128 : i32 to index
        %get3A_2131 = arith.index_cast %mul3A_2126 : i32 to index
        %get3A_2132 = tpu.vector_load %arg6[%get3A_2129, %get3A_2130, %get3A_2131] {strides = array<i32>} : memref<2x16x2048xf32, #tpu.memory_space<vmem>>, vector<1x1x16xf32>,
        %get3A_2133 = vector.shape_cast %get3A_2132 : vector<1x1x16xf32> to vector<16xf32>
        %sub3A_2134 = arith.subf %get3A_2133, %get3A_1994 : vector<16xf32>
        %abs3A_2135 = math.absf %sub3A_2134 : vector<16xf32>
        %add3A_2136 = arith.addf %scan3A_1986, %abs3A_2135 : vector<16xf32>
        %mul3A_2137 = arith.constant 16 : i32
        %mul3A_2138 = arith.muli %scan3A_1974, %mul3A_2137 : i32
        %get3A_2139 = arith.constant 1 : i32
        %get3A_2140 = arith.constant 12 : i32
        %get3A_2141 = arith.index_cast %get3A_2139 : i32 to index
        %get3A_2142 = arith.index_cast %get3A_2140 : i32 to index
        %get3A_2143 = arith.index_cast %mul3A_2138 : i32 to index
        %get3A_2144 = tpu.vector_load %arg6[%get3A_2141, %get3A_2142, %get3A_2143] {strides = array<i32>} : memref<2x16x2048xf32, #tpu.memory_space<vmem>>, vector<1x1x16xf32>,
        %get3A_2145 = vector.shape_cast %get3A_2144 : vector<1x1x16xf32> to vector<16xf32>
        %sub3A_2146 = arith.subf %get3A_2145, %get3A_1994 : vector<16xf32>
        %abs3A_2147 = math.absf %sub3A_2146 : vector<16xf32>
        %add3A_2148 = arith.addf %scan3A_1987, %abs3A_2147 : vector<16xf32>
        %mul3A_2149 = arith.constant 16 : i32
        %mul3A_2150 = arith.muli %scan3A_1974, %mul3A_2149 : i32
        %get3A_2151 = arith.constant 1 : i32
        %get3A_2152 = arith.constant 13 : i32
        %get3A_2153 = arith.index_cast %get3A_2151 : i32 to index
        %get3A_2154 = arith.index_cast %get3A_2152 : i32 to index
        %get3A_2155 = arith.index_cast %mul3A_2150 : i32 to index
        %get3A_2156 = tpu.vector_load %arg6[%get3A_2153, %get3A_2154, %get3A_2155] {strides = array<i32>} : memref<2x16x2048xf32, #tpu.memory_space<vmem>>, vector<1x1x16xf32>,
        %get3A_2157 = vector.shape_cast %get3A_2156 : vector<1x1x16xf32> to vector<16xf32>
        %sub3A_2158 = arith.subf %get3A_2157, %get3A_1994 : vector<16xf32>
        %abs3A_2159 = math.absf %sub3A_2158 : vector<16xf32>
        %add3A_2160 = arith.addf %scan3A_1988, %abs3A_2159 : vector<16xf32>
        %mul3A_2161 = arith.constant 16 : i32
        %mul3A_2162 = arith.muli %scan3A_1974, %mul3A_2161 : i32
        %get3A_2163 = arith.constant 1 : i32
        %get3A_2164 = arith.constant 14 : i32
        %get3A_2165 = arith.index_cast %get3A_2163 : i32 to index
        %get3A_2166 = arith.index_cast %get3A_2164 : i32 to index
        %get3A_2167 = arith.index_cast %mul3A_2162 : i32 to index
        %get3A_2168 = tpu.vector_load %arg6[%get3A_2165, %get3A_2166, %get3A_2167] {strides = array<i32>} : memref<2x16x2048xf32, #tpu.memory_space<vmem>>, vector<1x1x16xf32>,
        %get3A_2169 = vector.shape_cast %get3A_2168 : vector<1x1x16xf32> to vector<16xf32>
        %sub3A_2170 = arith.subf %get3A_2169, %get3A_1994 : vector<16xf32>
        %abs3A_2171 = math.absf %sub3A_2170 : vector<16xf32>
        %add3A_2172 = arith.addf %scan3A_1989, %abs3A_2171 : vector<16xf32>
        %mul3A_2173 = arith.constant 16 : i32
        %mul3A_2174 = arith.muli %scan3A_1974, %mul3A_2173 : i32
        %get3A_2175 = arith.constant 1 : i32
        %get3A_2176 = arith.constant 15 : i32
        %get3A_2177 = arith.index_cast %get3A_2175 : i32 to index
        %get3A_2178 = arith.index_cast %get3A_2176 : i32 to index
        %get3A_2179 = arith.index_cast %mul3A_2174 : i32 to index
        %get3A_2180 = tpu.vector_load %arg6[%get3A_2177, %get3A_2178, %get3A_2179] {strides = array<i32>} : memref<2x16x2048xf32, #tpu.memory_space<vmem>>, vector<1x1x16xf32>,
        %get3A_2181 = vector.shape_cast %get3A_2180 : vector<1x1x16xf32> to vector<16xf32>
        %sub3A_2182 = arith.subf %get3A_2181, %get3A_1994 : vector<16xf32>
        %abs3A_2183 = math.absf %sub3A_2182 : vector<16xf32>
        %add3A_2184 = arith.addf %scan3A_1990, %abs3A_2183 : vector<16xf32>
        scf.yield %add3A_2004, %add3A_2016, %add3A_2028, %add3A_2040, %add3A_2052, %add3A_2064, %add3A_2076, %add3A_2088, %add3A_2100, %add3A_2112, %add3A_2124, %add3A_2136, %add3A_2148, %add3A_2160, %add3A_2172, %add3A_2184 : vector<16xf32>, vector<16xf32>, vector<16xf32>, vector<16xf32>, vector<16xf32>, vector<16xf32>, vector<16xf32>, vector<16xf32>, vector<16xf32>, vector<16xf32>, vector<16xf32>, vector<16xf32>, vector<16xf32>, vector<16xf32>, vector<16xf32>, vector<16xf32>
      }
      %scan3A_1061 = arith.constant 128 : i32
      %xor3A_1062 = arith.constant 8 : i32
      %xor3A_1063 = vector.broadcast %xor3A_1062 : i32 to vector<16xi32>
      %xor3A_1064 = arith.xori %iota3A, %xor3A_1063 : vector<16xi32>
      %lt3A_1065 = arith.constant 0 : i32
      %lt3A_1066 = vector.broadcast %lt3A_1065 : i32 to vector<16xi32>
      %lt3A_1067 = arith.cmpi slt, %xor3A_1064, %lt3A_1066 : vector<16xi32>
      %add3A_1068 = arith.constant 16 : i32
      %add3A_1069 = vector.broadcast %add3A_1068 : i32 to vector<16xi32>
      %add3A_1070 = arith.addi %xor3A_1064, %add3A_1069 : vector<16xi32>
      %select_n3A_1071 = arith.select %lt3A_1067, %add3A_1070, %xor3A_1064 : vector<16xi1>, vector<16xi32>
      %broadcast_in_dim3A_1072 = vector.shape_cast %select_n3A_1071 : vector<16xi32> to vector<16x1xi32>
      %gather3A_1073 = vector.shape_cast %broadcast_in_dim3A_1072 : vector<16x1xi32> to vector<16xi32>
      %gather3A_1074 = tpu.dynamic_gather %scan3A_1060#0[%gather3A_1073] in [0] : vector<16xf32>, vector<16xi32> -> vector<16xf32>
      %add3A_1075 = arith.addf %scan3A_1060#0, %gather3A_1074 : vector<16xf32>
      %xor3A_1076 = arith.constant 4 : i32
      %xor3A_1077 = vector.broadcast %xor3A_1076 : i32 to vector<16xi32>
      %xor3A_1078 = arith.xori %iota3A, %xor3A_1077 : vector<16xi32>
      %lt3A_1079 = arith.constant 0 : i32
      %lt3A_1080 = vector.broadcast %lt3A_1079 : i32 to vector<16xi32>
      %lt3A_1081 = arith.cmpi slt, %xor3A_1078, %lt3A_1080 : vector<16xi32>
      %add3A_1082 = arith.constant 16 : i32
      %add3A_1083 = vector.broadcast %add3A_1082 : i32 to vector<16xi32>
      %add3A_1084 = arith.addi %xor3A_1078, %add3A_1083 : vector<16xi32>
      %select_n3A_1085 = arith.select %lt3A_1081, %add3A_1084, %xor3A_1078 : vector<16xi1>, vector<16xi32>
      %broadcast_in_dim3A_1086 = vector.shape_cast %select_n3A_1085 : vector<16xi32> to vector<16x1xi32>
      %gather3A_1087 = vector.shape_cast %broadcast_in_dim3A_1086 : vector<16x1xi32> to vector<16xi32>
      %gather3A_1088 = tpu.dynamic_gather %add3A_1075[%gather3A_1087] in [0] : vector<16xf32>, vector<16xi32> -> vector<16xf32>
      %add3A_1089 = arith.addf %add3A_1075, %gather3A_1088 : vector<16xf32>
      %xor3A_1090 = arith.constant 2 : i32
      %xor3A_1091 = vector.broadcast %xor3A_1090 : i32 to vector<16xi32>
      %xor3A_1092 = arith.xori %iota3A, %xor3A_1091 : vector<16xi32>
      %lt3A_1093 = arith.constant 0 : i32
      %lt3A_1094 = vector.broadcast %lt3A_1093 : i32 to vector<16xi32>
      %lt3A_1095 = arith.cmpi slt, %xor3A_1092, %lt3A_1094 : vector<16xi32>
      %add3A_1096 = arith.constant 16 : i32
      %add3A_1097 = vector.broadcast %add3A_1096 : i32 to vector<16xi32>
      %add3A_1098 = arith.addi %xor3A_1092, %add3A_1097 : vector<16xi32>
      %select_n3A_1099 = arith.select %lt3A_1095, %add3A_1098, %xor3A_1092 : vector<16xi1>, vector<16xi32>
      %broadcast_in_dim3A_1100 = vector.shape_cast %select_n3A_1099 : vector<16xi32> to vector<16x1xi32>
      %gather3A_1101 = vector.shape_cast %broadcast_in_dim3A_1100 : vector<16x1xi32> to vector<16xi32>
      %gather3A_1102 = tpu.dynamic_gather %add3A_1089[%gather3A_1101] in [0] : vector<16xf32>, vector<16xi32> -> vector<16xf32>
      %add3A_1103 = arith.addf %add3A_1089, %gather3A_1102 : vector<16xf32>
      %xor3A_1104 = arith.constant 1 : i32
      %xor3A_1105 = vector.broadcast %xor3A_1104 : i32 to vector<16xi32>
      %xor3A_1106 = arith.xori %iota3A, %xor3A_1105 : vector<16xi32>
      %lt3A_1107 = arith.constant 0 : i32
      %lt3A_1108 = vector.broadcast %lt3A_1107 : i32 to vector<16xi32>
      %lt3A_1109 = arith.cmpi slt, %xor3A_1106, %lt3A_1108 : vector<16xi32>
      %add3A_1110 = arith.constant 16 : i32
      %add3A_1111 = vector.broadcast %add3A_1110 : i32 to vector<16xi32>
      %add3A_1112 = arith.addi %xor3A_1106, %add3A_1111 : vector<16xi32>
      %select_n3A_1113 = arith.select %lt3A_1109, %add3A_1112, %xor3A_1106 : vector<16xi1>, vector<16xi32>
      %broadcast_in_dim3A_1114 = vector.shape_cast %select_n3A_1113 : vector<16xi32> to vector<16x1xi32>
      %gather3A_1115 = vector.shape_cast %broadcast_in_dim3A_1114 : vector<16x1xi32> to vector<16xi32>
      %gather3A_1116 = tpu.dynamic_gather %add3A_1103[%gather3A_1115] in [0] : vector<16xf32>, vector<16xi32> -> vector<16xf32>
      %add3A_1117 = arith.addf %add3A_1103, %gather3A_1116 : vector<16xf32>
      %min3A_1118 = arith.minimumf %min3A_996, %add3A_1117 : vector<16xf32>
      %xor3A_1119 = arith.constant 8 : i32
      %xor3A_1120 = vector.broadcast %xor3A_1119 : i32 to vector<16xi32>
      %xor3A_1121 = arith.xori %iota3A, %xor3A_1120 : vector<16xi32>
      %lt3A_1122 = arith.constant 0 : i32
      %lt3A_1123 = vector.broadcast %lt3A_1122 : i32 to vector<16xi32>
      %lt3A_1124 = arith.cmpi slt, %xor3A_1121, %lt3A_1123 : vector<16xi32>
      %add3A_1125 = arith.constant 16 : i32
      %add3A_1126 = vector.broadcast %add3A_1125 : i32 to vector<16xi32>
      %add3A_1127 = arith.addi %xor3A_1121, %add3A_1126 : vector<16xi32>
      %select_n3A_1128 = arith.select %lt3A_1124, %add3A_1127, %xor3A_1121 : vector<16xi1>, vector<16xi32>
      %broadcast_in_dim3A_1129 = vector.shape_cast %select_n3A_1128 : vector<16xi32> to vector<16x1xi32>
      %gather3A_1130 = vector.shape_cast %broadcast_in_dim3A_1129 : vector<16x1xi32> to vector<16xi32>
      %gather3A_1131 = tpu.dynamic_gather %scan3A_1060#1[%gather3A_1130] in [0] : vector<16xf32>, vector<16xi32> -> vector<16xf32>
      %add3A_1132 = arith.addf %scan3A_1060#1, %gather3A_1131 : vector<16xf32>
      %xor3A_1133 = arith.constant 4 : i32
      %xor3A_1134 = vector.broadcast %xor3A_1133 : i32 to vector<16xi32>
      %xor3A_1135 = arith.xori %iota3A, %xor3A_1134 : vector<16xi32>
      %lt3A_1136 = arith.constant 0 : i32
      %lt3A_1137 = vector.broadcast %lt3A_1136 : i32 to vector<16xi32>
      %lt3A_1138 = arith.cmpi slt, %xor3A_1135, %lt3A_1137 : vector<16xi32>
      %add3A_1139 = arith.constant 16 : i32
      %add3A_1140 = vector.broadcast %add3A_1139 : i32 to vector<16xi32>
      %add3A_1141 = arith.addi %xor3A_1135, %add3A_1140 : vector<16xi32>
      %select_n3A_1142 = arith.select %lt3A_1138, %add3A_1141, %xor3A_1135 : vector<16xi1>, vector<16xi32>
      %broadcast_in_dim3A_1143 = vector.shape_cast %select_n3A_1142 : vector<16xi32> to vector<16x1xi32>
      %gather3A_1144 = vector.shape_cast %broadcast_in_dim3A_1143 : vector<16x1xi32> to vector<16xi32>
      %gather3A_1145 = tpu.dynamic_gather %add3A_1132[%gather3A_1144] in [0] : vector<16xf32>, vector<16xi32> -> vector<16xf32>
      %add3A_1146 = arith.addf %add3A_1132, %gather3A_1145 : vector<16xf32>
      %xor3A_1147 = arith.constant 2 : i32
      %xor3A_1148 = vector.broadcast %xor3A_1147 : i32 to vector<16xi32>
      %xor3A_1149 = arith.xori %iota3A, %xor3A_1148 : vector<16xi32>
      %lt3A_1150 = arith.constant 0 : i32
      %lt3A_1151 = vector.broadcast %lt3A_1150 : i32 to vector<16xi32>
      %lt3A_1152 = arith.cmpi slt, %xor3A_1149, %lt3A_1151 : vector<16xi32>
      %add3A_1153 = arith.constant 16 : i32
      %add3A_1154 = vector.broadcast %add3A_1153 : i32 to vector<16xi32>
      %add3A_1155 = arith.addi %xor3A_1149, %add3A_1154 : vector<16xi32>
      %select_n3A_1156 = arith.select %lt3A_1152, %add3A_1155, %xor3A_1149 : vector<16xi1>, vector<16xi32>
      %broadcast_in_dim3A_1157 = vector.shape_cast %select_n3A_1156 : vector<16xi32> to vector<16x1xi32>
      %gather3A_1158 = vector.shape_cast %broadcast_in_dim3A_1157 : vector<16x1xi32> to vector<16xi32>
      %gather3A_1159 = tpu.dynamic_gather %add3A_1146[%gather3A_1158] in [0] : vector<16xf32>, vector<16xi32> -> vector<16xf32>
      %add3A_1160 = arith.addf %add3A_1146, %gather3A_1159 : vector<16xf32>
      %xor3A_1161 = arith.constant 1 : i32
      %xor3A_1162 = vector.broadcast %xor3A_1161 : i32 to vector<16xi32>
      %xor3A_1163 = arith.xori %iota3A, %xor3A_1162 : vector<16xi32>
      %lt3A_1164 = arith.constant 0 : i32
      %lt3A_1165 = vector.broadcast %lt3A_1164 : i32 to vector<16xi32>
      %lt3A_1166 = arith.cmpi slt, %xor3A_1163, %lt3A_1165 : vector<16xi32>
      %add3A_1167 = arith.constant 16 : i32
      %add3A_1168 = vector.broadcast %add3A_1167 : i32 to vector<16xi32>
      %add3A_1169 = arith.addi %xor3A_1163, %add3A_1168 : vector<16xi32>
      %select_n3A_1170 = arith.select %lt3A_1166, %add3A_1169, %xor3A_1163 : vector<16xi1>, vector<16xi32>
      %broadcast_in_dim3A_1171 = vector.shape_cast %select_n3A_1170 : vector<16xi32> to vector<16x1xi32>
      %gather3A_1172 = vector.shape_cast %broadcast_in_dim3A_1171 : vector<16x1xi32> to vector<16xi32>
      %gather3A_1173 = tpu.dynamic_gather %add3A_1160[%gather3A_1172] in [0] : vector<16xf32>, vector<16xi32> -> vector<16xf32>
      %add3A_1174 = arith.addf %add3A_1160, %gather3A_1173 : vector<16xf32>
      %min3A_1175 = arith.minimumf %min3A_1118, %add3A_1174 : vector<16xf32>
      %xor3A_1176 = arith.constant 8 : i32
      %xor3A_1177 = vector.broadcast %xor3A_1176 : i32 to vector<16xi32>
      %xor3A_1178 = arith.xori %iota3A, %xor3A_1177 : vector<16xi32>
      %lt3A_1179 = arith.constant 0 : i32
      %lt3A_1180 = vector.broadcast %lt3A_1179 : i32 to vector<16xi32>
      %lt3A_1181 = arith.cmpi slt, %xor3A_1178, %lt3A_1180 : vector<16xi32>
      %add3A_1182 = arith.constant 16 : i32
      %add3A_1183 = vector.broadcast %add3A_1182 : i32 to vector<16xi32>
      %add3A_1184 = arith.addi %xor3A_1178, %add3A_1183 : vector<16xi32>
      %select_n3A_1185 = arith.select %lt3A_1181, %add3A_1184, %xor3A_1178 : vector<16xi1>, vector<16xi32>
      %broadcast_in_dim3A_1186 = vector.shape_cast %select_n3A_1185 : vector<16xi32> to vector<16x1xi32>
      %gather3A_1187 = vector.shape_cast %broadcast_in_dim3A_1186 : vector<16x1xi32> to vector<16xi32>
      %gather3A_1188 = tpu.dynamic_gather %scan3A_1060#2[%gather3A_1187] in [0] : vector<16xf32>, vector<16xi32> -> vector<16xf32>
      %add3A_1189 = arith.addf %scan3A_1060#2, %gather3A_1188 : vector<16xf32>
      %xor3A_1190 = arith.constant 4 : i32
      %xor3A_1191 = vector.broadcast %xor3A_1190 : i32 to vector<16xi32>
      %xor3A_1192 = arith.xori %iota3A, %xor3A_1191 : vector<16xi32>
      %lt3A_1193 = arith.constant 0 : i32
      %lt3A_1194 = vector.broadcast %lt3A_1193 : i32 to vector<16xi32>
      %lt3A_1195 = arith.cmpi slt, %xor3A_1192, %lt3A_1194 : vector<16xi32>
      %add3A_1196 = arith.constant 16 : i32
      %add3A_1197 = vector.broadcast %add3A_1196 : i32 to vector<16xi32>
      %add3A_1198 = arith.addi %xor3A_1192, %add3A_1197 : vector<16xi32>
      %select_n3A_1199 = arith.select %lt3A_1195, %add3A_1198, %xor3A_1192 : vector<16xi1>, vector<16xi32>
      %broadcast_in_dim3A_1200 = vector.shape_cast %select_n3A_1199 : vector<16xi32> to vector<16x1xi32>
      %gather3A_1201 = vector.shape_cast %broadcast_in_dim3A_1200 : vector<16x1xi32> to vector<16xi32>
      %gather3A_1202 = tpu.dynamic_gather %add3A_1189[%gather3A_1201] in [0] : vector<16xf32>, vector<16xi32> -> vector<16xf32>
      %add3A_1203 = arith.addf %add3A_1189, %gather3A_1202 : vector<16xf32>
      %xor3A_1204 = arith.constant 2 : i32
      %xor3A_1205 = vector.broadcast %xor3A_1204 : i32 to vector<16xi32>
      %xor3A_1206 = arith.xori %iota3A, %xor3A_1205 : vector<16xi32>
      %lt3A_1207 = arith.constant 0 : i32
      %lt3A_1208 = vector.broadcast %lt3A_1207 : i32 to vector<16xi32>
      %lt3A_1209 = arith.cmpi slt, %xor3A_1206, %lt3A_1208 : vector<16xi32>
      %add3A_1210 = arith.constant 16 : i32
      %add3A_1211 = vector.broadcast %add3A_1210 : i32 to vector<16xi32>
      %add3A_1212 = arith.addi %xor3A_1206, %add3A_1211 : vector<16xi32>
      %select_n3A_1213 = arith.select %lt3A_1209, %add3A_1212, %xor3A_1206 : vector<16xi1>, vector<16xi32>
      %broadcast_in_dim3A_1214 = vector.shape_cast %select_n3A_1213 : vector<16xi32> to vector<16x1xi32>
      %gather3A_1215 = vector.shape_cast %broadcast_in_dim3A_1214 : vector<16x1xi32> to vector<16xi32>
      %gather3A_1216 = tpu.dynamic_gather %add3A_1203[%gather3A_1215] in [0] : vector<16xf32>, vector<16xi32> -> vector<16xf32>
      %add3A_1217 = arith.addf %add3A_1203, %gather3A_1216 : vector<16xf32>
      %xor3A_1218 = arith.constant 1 : i32
      %xor3A_1219 = vector.broadcast %xor3A_1218 : i32 to vector<16xi32>
      %xor3A_1220 = arith.xori %iota3A, %xor3A_1219 : vector<16xi32>
      %lt3A_1221 = arith.constant 0 : i32
      %lt3A_1222 = vector.broadcast %lt3A_1221 : i32 to vector<16xi32>
      %lt3A_1223 = arith.cmpi slt, %xor3A_1220, %lt3A_1222 : vector<16xi32>
      %add3A_1224 = arith.constant 16 : i32
      %add3A_1225 = vector.broadcast %add3A_1224 : i32 to vector<16xi32>
      %add3A_1226 = arith.addi %xor3A_1220, %add3A_1225 : vector<16xi32>
      %select_n3A_1227 = arith.select %lt3A_1223, %add3A_1226, %xor3A_1220 : vector<16xi1>, vector<16xi32>
      %broadcast_in_dim3A_1228 = vector.shape_cast %select_n3A_1227 : vector<16xi32> to vector<16x1xi32>
      %gather3A_1229 = vector.shape_cast %broadcast_in_dim3A_1228 : vector<16x1xi32> to vector<16xi32>
      %gather3A_1230 = tpu.dynamic_gather %add3A_1217[%gather3A_1229] in [0] : vector<16xf32>, vector<16xi32> -> vector<16xf32>
      %add3A_1231 = arith.addf %add3A_1217, %gather3A_1230 : vector<16xf32>
      %min3A_1232 = arith.minimumf %min3A_1175, %add3A_1231 : vector<16xf32>
      %xor3A_1233 = arith.constant 8 : i32
      %xor3A_1234 = vector.broadcast %xor3A_1233 : i32 to vector<16xi32>
      %xor3A_1235 = arith.xori %iota3A, %xor3A_1234 : vector<16xi32>
      %lt3A_1236 = arith.constant 0 : i32
      %lt3A_1237 = vector.broadcast %lt3A_1236 : i32 to vector<16xi32>
      %lt3A_1238 = arith.cmpi slt, %xor3A_1235, %lt3A_1237 : vector<16xi32>
      %add3A_1239 = arith.constant 16 : i32
      %add3A_1240 = vector.broadcast %add3A_1239 : i32 to vector<16xi32>
      %add3A_1241 = arith.addi %xor3A_1235, %add3A_1240 : vector<16xi32>
      %select_n3A_1242 = arith.select %lt3A_1238, %add3A_1241, %xor3A_1235 : vector<16xi1>, vector<16xi32>
      %broadcast_in_dim3A_1243 = vector.shape_cast %select_n3A_1242 : vector<16xi32> to vector<16x1xi32>
      %gather3A_1244 = vector.shape_cast %broadcast_in_dim3A_1243 : vector<16x1xi32> to vector<16xi32>
      %gather3A_1245 = tpu.dynamic_gather %scan3A_1060#3[%gather3A_1244] in [0] : vector<16xf32>, vector<16xi32> -> vector<16xf32>
      %add3A_1246 = arith.addf %scan3A_1060#3, %gather3A_1245 : vector<16xf32>
      %xor3A_1247 = arith.constant 4 : i32
      %xor3A_1248 = vector.broadcast %xor3A_1247 : i32 to vector<16xi32>
      %xor3A_1249 = arith.xori %iota3A, %xor3A_1248 : vector<16xi32>
      %lt3A_1250 = arith.constant 0 : i32
      %lt3A_1251 = vector.broadcast %lt3A_1250 : i32 to vector<16xi32>
      %lt3A_1252 = arith.cmpi slt, %xor3A_1249, %lt3A_1251 : vector<16xi32>
      %add3A_1253 = arith.constant 16 : i32
      %add3A_1254 = vector.broadcast %add3A_1253 : i32 to vector<16xi32>
      %add3A_1255 = arith.addi %xor3A_1249, %add3A_1254 : vector<16xi32>
      %select_n3A_1256 = arith.select %lt3A_1252, %add3A_1255, %xor3A_1249 : vector<16xi1>, vector<16xi32>
      %broadcast_in_dim3A_1257 = vector.shape_cast %select_n3A_1256 : vector<16xi32> to vector<16x1xi32>
      %gather3A_1258 = vector.shape_cast %broadcast_in_dim3A_1257 : vector<16x1xi32> to vector<16xi32>
      %gather3A_1259 = tpu.dynamic_gather %add3A_1246[%gather3A_1258] in [0] : vector<16xf32>, vector<16xi32> -> vector<16xf32>
      %add3A_1260 = arith.addf %add3A_1246, %gather3A_1259 : vector<16xf32>
      %xor3A_1261 = arith.constant 2 : i32
      %xor3A_1262 = vector.broadcast %xor3A_1261 : i32 to vector<16xi32>
      %xor3A_1263 = arith.xori %iota3A, %xor3A_1262 : vector<16xi32>
      %lt3A_1264 = arith.constant 0 : i32
      %lt3A_1265 = vector.broadcast %lt3A_1264 : i32 to vector<16xi32>
      %lt3A_1266 = arith.cmpi slt, %xor3A_1263, %lt3A_1265 : vector<16xi32>
      %add3A_1267 = arith.constant 16 : i32
      %add3A_1268 = vector.broadcast %add3A_1267 : i32 to vector<16xi32>
      %add3A_1269 = arith.addi %xor3A_1263, %add3A_1268 : vector<16xi32>
      %select_n3A_1270 = arith.select %lt3A_1266, %add3A_1269, %xor3A_1263 : vector<16xi1>, vector<16xi32>
      %broadcast_in_dim3A_1271 = vector.shape_cast %select_n3A_1270 : vector<16xi32> to vector<16x1xi32>
      %gather3A_1272 = vector.shape_cast %broadcast_in_dim3A_1271 : vector<16x1xi32> to vector<16xi32>
      %gather3A_1273 = tpu.dynamic_gather %add3A_1260[%gather3A_1272] in [0] : vector<16xf32>, vector<16xi32> -> vector<16xf32>
      %add3A_1274 = arith.addf %add3A_1260, %gather3A_1273 : vector<16xf32>
      %xor3A_1275 = arith.constant 1 : i32
      %xor3A_1276 = vector.broadcast %xor3A_1275 : i32 to vector<16xi32>
      %xor3A_1277 = arith.xori %iota3A, %xor3A_1276 : vector<16xi32>
      %lt3A_1278 = arith.constant 0 : i32
      %lt3A_1279 = vector.broadcast %lt3A_1278 : i32 to vector<16xi32>
      %lt3A_1280 = arith.cmpi slt, %xor3A_1277, %lt3A_1279 : vector<16xi32>
      %add3A_1281 = arith.constant 16 : i32
      %add3A_1282 = vector.broadcast %add3A_1281 : i32 to vector<16xi32>
      %add3A_1283 = arith.addi %xor3A_1277, %add3A_1282 : vector<16xi32>
      %select_n3A_1284 = arith.select %lt3A_1280, %add3A_1283, %xor3A_1277 : vector<16xi1>, vector<16xi32>
      %broadcast_in_dim3A_1285 = vector.shape_cast %select_n3A_1284 : vector<16xi32> to vector<16x1xi32>
      %gather3A_1286 = vector.shape_cast %broadcast_in_dim3A_1285 : vector<16x1xi32> to vector<16xi32>
      %gather3A_1287 = tpu.dynamic_gather %add3A_1274[%gather3A_1286] in [0] : vector<16xf32>, vector<16xi32> -> vector<16xf32>
      %add3A_1288 = arith.addf %add3A_1274, %gather3A_1287 : vector<16xf32>
      %min3A_1289 = arith.minimumf %min3A_1232, %add3A_1288 : vector<16xf32>
      %xor3A_1290 = arith.constant 8 : i32
      %xor3A_1291 = vector.broadcast %xor3A_1290 : i32 to vector<16xi32>
      %xor3A_1292 = arith.xori %iota3A, %xor3A_1291 : vector<16xi32>
      %lt3A_1293 = arith.constant 0 : i32
      %lt3A_1294 = vector.broadcast %lt3A_1293 : i32 to vector<16xi32>
      %lt3A_1295 = arith.cmpi slt, %xor3A_1292, %lt3A_1294 : vector<16xi32>
      %add3A_1296 = arith.constant 16 : i32
      %add3A_1297 = vector.broadcast %add3A_1296 : i32 to vector<16xi32>
      %add3A_1298 = arith.addi %xor3A_1292, %add3A_1297 : vector<16xi32>
      %select_n3A_1299 = arith.select %lt3A_1295, %add3A_1298, %xor3A_1292 : vector<16xi1>, vector<16xi32>
      %broadcast_in_dim3A_1300 = vector.shape_cast %select_n3A_1299 : vector<16xi32> to vector<16x1xi32>
      %gather3A_1301 = vector.shape_cast %broadcast_in_dim3A_1300 : vector<16x1xi32> to vector<16xi32>
      %gather3A_1302 = tpu.dynamic_gather %scan3A_1060#4[%gather3A_1301] in [0] : vector<16xf32>, vector<16xi32> -> vector<16xf32>
      %add3A_1303 = arith.addf %scan3A_1060#4, %gather3A_1302 : vector<16xf32>
      %xor3A_1304 = arith.constant 4 : i32
      %xor3A_1305 = vector.broadcast %xor3A_1304 : i32 to vector<16xi32>
      %xor3A_1306 = arith.xori %iota3A, %xor3A_1305 : vector<16xi32>
      %lt3A_1307 = arith.constant 0 : i32
      %lt3A_1308 = vector.broadcast %lt3A_1307 : i32 to vector<16xi32>
      %lt3A_1309 = arith.cmpi slt, %xor3A_1306, %lt3A_1308 : vector<16xi32>
      %add3A_1310 = arith.constant 16 : i32
      %add3A_1311 = vector.broadcast %add3A_1310 : i32 to vector<16xi32>
      %add3A_1312 = arith.addi %xor3A_1306, %add3A_1311 : vector<16xi32>
      %select_n3A_1313 = arith.select %lt3A_1309, %add3A_1312, %xor3A_1306 : vector<16xi1>, vector<16xi32>
      %broadcast_in_dim3A_1314 = vector.shape_cast %select_n3A_1313 : vector<16xi32> to vector<16x1xi32>
      %gather3A_1315 = vector.shape_cast %broadcast_in_dim3A_1314 : vector<16x1xi32> to vector<16xi32>
      %gather3A_1316 = tpu.dynamic_gather %add3A_1303[%gather3A_1315] in [0] : vector<16xf32>, vector<16xi32> -> vector<16xf32>
      %add3A_1317 = arith.addf %add3A_1303, %gather3A_1316 : vector<16xf32>
      %xor3A_1318 = arith.constant 2 : i32
      %xor3A_1319 = vector.broadcast %xor3A_1318 : i32 to vector<16xi32>
      %xor3A_1320 = arith.xori %iota3A, %xor3A_1319 : vector<16xi32>
      %lt3A_1321 = arith.constant 0 : i32
      %lt3A_1322 = vector.broadcast %lt3A_1321 : i32 to vector<16xi32>
      %lt3A_1323 = arith.cmpi slt, %xor3A_1320, %lt3A_1322 : vector<16xi32>
      %add3A_1324 = arith.constant 16 : i32
      %add3A_1325 = vector.broadcast %add3A_1324 : i32 to vector<16xi32>
      %add3A_1326 = arith.addi %xor3A_1320, %add3A_1325 : vector<16xi32>
      %select_n3A_1327 = arith.select %lt3A_1323, %add3A_1326, %xor3A_1320 : vector<16xi1>, vector<16xi32>
      %broadcast_in_dim3A_1328 = vector.shape_cast %select_n3A_1327 : vector<16xi32> to vector<16x1xi32>
      %gather3A_1329 = vector.shape_cast %broadcast_in_dim3A_1328 : vector<16x1xi32> to vector<16xi32>
      %gather3A_1330 = tpu.dynamic_gather %add3A_1317[%gather3A_1329] in [0] : vector<16xf32>, vector<16xi32> -> vector<16xf32>
      %add3A_1331 = arith.addf %add3A_1317, %gather3A_1330 : vector<16xf32>
      %xor3A_1332 = arith.constant 1 : i32
      %xor3A_1333 = vector.broadcast %xor3A_1332 : i32 to vector<16xi32>
      %xor3A_1334 = arith.xori %iota3A, %xor3A_1333 : vector<16xi32>
      %lt3A_1335 = arith.constant 0 : i32
      %lt3A_1336 = vector.broadcast %lt3A_1335 : i32 to vector<16xi32>
      %lt3A_1337 = arith.cmpi slt, %xor3A_1334, %lt3A_1336 : vector<16xi32>
      %add3A_1338 = arith.constant 16 : i32
      %add3A_1339 = vector.broadcast %add3A_1338 : i32 to vector<16xi32>
      %add3A_1340 = arith.addi %xor3A_1334, %add3A_1339 : vector<16xi32>
      %select_n3A_1341 = arith.select %lt3A_1337, %add3A_1340, %xor3A_1334 : vector<16xi1>, vector<16xi32>
      %broadcast_in_dim3A_1342 = vector.shape_cast %select_n3A_1341 : vector<16xi32> to vector<16x1xi32>
      %gather3A_1343 = vector.shape_cast %broadcast_in_dim3A_1342 : vector<16x1xi32> to vector<16xi32>
      %gather3A_1344 = tpu.dynamic_gather %add3A_1331[%gather3A_1343] in [0] : vector<16xf32>, vector<16xi32> -> vector<16xf32>
      %add3A_1345 = arith.addf %add3A_1331, %gather3A_1344 : vector<16xf32>
      %min3A_1346 = arith.minimumf %min3A_1289, %add3A_1345 : vector<16xf32>
      %xor3A_1347 = arith.constant 8 : i32
      %xor3A_1348 = vector.broadcast %xor3A_1347 : i32 to vector<16xi32>
      %xor3A_1349 = arith.xori %iota3A, %xor3A_1348 : vector<16xi32>
      %lt3A_1350 = arith.constant 0 : i32
      %lt3A_1351 = vector.broadcast %lt3A_1350 : i32 to vector<16xi32>
      %lt3A_1352 = arith.cmpi slt, %xor3A_1349, %lt3A_1351 : vector<16xi32>
      %add3A_1353 = arith.constant 16 : i32
      %add3A_1354 = vector.broadcast %add3A_1353 : i32 to vector<16xi32>
      %add3A_1355 = arith.addi %xor3A_1349, %add3A_1354 : vector<16xi32>
      %select_n3A_1356 = arith.select %lt3A_1352, %add3A_1355, %xor3A_1349 : vector<16xi1>, vector<16xi32>
      %broadcast_in_dim3A_1357 = vector.shape_cast %select_n3A_1356 : vector<16xi32> to vector<16x1xi32>
      %gather3A_1358 = vector.shape_cast %broadcast_in_dim3A_1357 : vector<16x1xi32> to vector<16xi32>
      %gather3A_1359 = tpu.dynamic_gather %scan3A_1060#5[%gather3A_1358] in [0] : vector<16xf32>, vector<16xi32> -> vector<16xf32>
      %add3A_1360 = arith.addf %scan3A_1060#5, %gather3A_1359 : vector<16xf32>
      %xor3A_1361 = arith.constant 4 : i32
      %xor3A_1362 = vector.broadcast %xor3A_1361 : i32 to vector<16xi32>
      %xor3A_1363 = arith.xori %iota3A, %xor3A_1362 : vector<16xi32>
      %lt3A_1364 = arith.constant 0 : i32
      %lt3A_1365 = vector.broadcast %lt3A_1364 : i32 to vector<16xi32>
      %lt3A_1366 = arith.cmpi slt, %xor3A_1363, %lt3A_1365 : vector<16xi32>
      %add3A_1367 = arith.constant 16 : i32
      %add3A_1368 = vector.broadcast %add3A_1367 : i32 to vector<16xi32>
      %add3A_1369 = arith.addi %xor3A_1363, %add3A_1368 : vector<16xi32>
      %select_n3A_1370 = arith.select %lt3A_1366, %add3A_1369, %xor3A_1363 : vector<16xi1>, vector<16xi32>
      %broadcast_in_dim3A_1371 = vector.shape_cast %select_n3A_1370 : vector<16xi32> to vector<16x1xi32>
      %gather3A_1372 = vector.shape_cast %broadcast_in_dim3A_1371 : vector<16x1xi32> to vector<16xi32>
      %gather3A_1373 = tpu.dynamic_gather %add3A_1360[%gather3A_1372] in [0] : vector<16xf32>, vector<16xi32> -> vector<16xf32>
      %add3A_1374 = arith.addf %add3A_1360, %gather3A_1373 : vector<16xf32>
      %xor3A_1375 = arith.constant 2 : i32
      %xor3A_1376 = vector.broadcast %xor3A_1375 : i32 to vector<16xi32>
      %xor3A_1377 = arith.xori %iota3A, %xor3A_1376 : vector<16xi32>
      %lt3A_1378 = arith.constant 0 : i32
      %lt3A_1379 = vector.broadcast %lt3A_1378 : i32 to vector<16xi32>
      %lt3A_1380 = arith.cmpi slt, %xor3A_1377, %lt3A_1379 : vector<16xi32>
      %add3A_1381 = arith.constant 16 : i32
      %add3A_1382 = vector.broadcast %add3A_1381 : i32 to vector<16xi32>
      %add3A_1383 = arith.addi %xor3A_1377, %add3A_1382 : vector<16xi32>
      %select_n3A_1384 = arith.select %lt3A_1380, %add3A_1383, %xor3A_1377 : vector<16xi1>, vector<16xi32>
      %broadcast_in_dim3A_1385 = vector.shape_cast %select_n3A_1384 : vector<16xi32> to vector<16x1xi32>
      %gather3A_1386 = vector.shape_cast %broadcast_in_dim3A_1385 : vector<16x1xi32> to vector<16xi32>
      %gather3A_1387 = tpu.dynamic_gather %add3A_1374[%gather3A_1386] in [0] : vector<16xf32>, vector<16xi32> -> vector<16xf32>
      %add3A_1388 = arith.addf %add3A_1374, %gather3A_1387 : vector<16xf32>
      %xor3A_1389 = arith.constant 1 : i32
      %xor3A_1390 = vector.broadcast %xor3A_1389 : i32 to vector<16xi32>
      %xor3A_1391 = arith.xori %iota3A, %xor3A_1390 : vector<16xi32>
      %lt3A_1392 = arith.constant 0 : i32
      %lt3A_1393 = vector.broadcast %lt3A_1392 : i32 to vector<16xi32>
      %lt3A_1394 = arith.cmpi slt, %xor3A_1391, %lt3A_1393 : vector<16xi32>
      %add3A_1395 = arith.constant 16 : i32
      %add3A_1396 = vector.broadcast %add3A_1395 : i32 to vector<16xi32>
      %add3A_1397 = arith.addi %xor3A_1391, %add3A_1396 : vector<16xi32>
      %select_n3A_1398 = arith.select %lt3A_1394, %add3A_1397, %xor3A_1391 : vector<16xi1>, vector<16xi32>
      %broadcast_in_dim3A_1399 = vector.shape_cast %select_n3A_1398 : vector<16xi32> to vector<16x1xi32>
      %gather3A_1400 = vector.shape_cast %broadcast_in_dim3A_1399 : vector<16x1xi32> to vector<16xi32>
      %gather3A_1401 = tpu.dynamic_gather %add3A_1388[%gather3A_1400] in [0] : vector<16xf32>, vector<16xi32> -> vector<16xf32>
      %add3A_1402 = arith.addf %add3A_1388, %gather3A_1401 : vector<16xf32>
      %min3A_1403 = arith.minimumf %min3A_1346, %add3A_1402 : vector<16xf32>
      %xor3A_1404 = arith.constant 8 : i32
      %xor3A_1405 = vector.broadcast %xor3A_1404 : i32 to vector<16xi32>
      %xor3A_1406 = arith.xori %iota3A, %xor3A_1405 : vector<16xi32>
      %lt3A_1407 = arith.constant 0 : i32
      %lt3A_1408 = vector.broadcast %lt3A_1407 : i32 to vector<16xi32>
      %lt3A_1409 = arith.cmpi slt, %xor3A_1406, %lt3A_1408 : vector<16xi32>
      %add3A_1410 = arith.constant 16 : i32
      %add3A_1411 = vector.broadcast %add3A_1410 : i32 to vector<16xi32>
      %add3A_1412 = arith.addi %xor3A_1406, %add3A_1411 : vector<16xi32>
      %select_n3A_1413 = arith.select %lt3A_1409, %add3A_1412, %xor3A_1406 : vector<16xi1>, vector<16xi32>
      %broadcast_in_dim3A_1414 = vector.shape_cast %select_n3A_1413 : vector<16xi32> to vector<16x1xi32>
      %gather3A_1415 = vector.shape_cast %broadcast_in_dim3A_1414 : vector<16x1xi32> to vector<16xi32>
      %gather3A_1416 = tpu.dynamic_gather %scan3A_1060#6[%gather3A_1415] in [0] : vector<16xf32>, vector<16xi32> -> vector<16xf32>
      %add3A_1417 = arith.addf %scan3A_1060#6, %gather3A_1416 : vector<16xf32>
      %xor3A_1418 = arith.constant 4 : i32
      %xor3A_1419 = vector.broadcast %xor3A_1418 : i32 to vector<16xi32>
      %xor3A_1420 = arith.xori %iota3A, %xor3A_1419 : vector<16xi32>
      %lt3A_1421 = arith.constant 0 : i32
      %lt3A_1422 = vector.broadcast %lt3A_1421 : i32 to vector<16xi32>
      %lt3A_1423 = arith.cmpi slt, %xor3A_1420, %lt3A_1422 : vector<16xi32>
      %add3A_1424 = arith.constant 16 : i32
      %add3A_1425 = vector.broadcast %add3A_1424 : i32 to vector<16xi32>
      %add3A_1426 = arith.addi %xor3A_1420, %add3A_1425 : vector<16xi32>
      %select_n3A_1427 = arith.select %lt3A_1423, %add3A_1426, %xor3A_1420 : vector<16xi1>, vector<16xi32>
      %broadcast_in_dim3A_1428 = vector.shape_cast %select_n3A_1427 : vector<16xi32> to vector<16x1xi32>
      %gather3A_1429 = vector.shape_cast %broadcast_in_dim3A_1428 : vector<16x1xi32> to vector<16xi32>
      %gather3A_1430 = tpu.dynamic_gather %add3A_1417[%gather3A_1429] in [0] : vector<16xf32>, vector<16xi32> -> vector<16xf32>
      %add3A_1431 = arith.addf %add3A_1417, %gather3A_1430 : vector<16xf32>
      %xor3A_1432 = arith.constant 2 : i32
      %xor3A_1433 = vector.broadcast %xor3A_1432 : i32 to vector<16xi32>
      %xor3A_1434 = arith.xori %iota3A, %xor3A_1433 : vector<16xi32>
      %lt3A_1435 = arith.constant 0 : i32
      %lt3A_1436 = vector.broadcast %lt3A_1435 : i32 to vector<16xi32>
      %lt3A_1437 = arith.cmpi slt, %xor3A_1434, %lt3A_1436 : vector<16xi32>
      %add3A_1438 = arith.constant 16 : i32
      %add3A_1439 = vector.broadcast %add3A_1438 : i32 to vector<16xi32>
      %add3A_1440 = arith.addi %xor3A_1434, %add3A_1439 : vector<16xi32>
      %select_n3A_1441 = arith.select %lt3A_1437, %add3A_1440, %xor3A_1434 : vector<16xi1>, vector<16xi32>
      %broadcast_in_dim3A_1442 = vector.shape_cast %select_n3A_1441 : vector<16xi32> to vector<16x1xi32>
      %gather3A_1443 = vector.shape_cast %broadcast_in_dim3A_1442 : vector<16x1xi32> to vector<16xi32>
      %gather3A_1444 = tpu.dynamic_gather %add3A_1431[%gather3A_1443] in [0] : vector<16xf32>, vector<16xi32> -> vector<16xf32>
      %add3A_1445 = arith.addf %add3A_1431, %gather3A_1444 : vector<16xf32>
      %xor3A_1446 = arith.constant 1 : i32
      %xor3A_1447 = vector.broadcast %xor3A_1446 : i32 to vector<16xi32>
      %xor3A_1448 = arith.xori %iota3A, %xor3A_1447 : vector<16xi32>
      %lt3A_1449 = arith.constant 0 : i32
      %lt3A_1450 = vector.broadcast %lt3A_1449 : i32 to vector<16xi32>
      %lt3A_1451 = arith.cmpi slt, %xor3A_1448, %lt3A_1450 : vector<16xi32>
      %add3A_1452 = arith.constant 16 : i32
      %add3A_1453 = vector.broadcast %add3A_1452 : i32 to vector<16xi32>
      %add3A_1454 = arith.addi %xor3A_1448, %add3A_1453 : vector<16xi32>
      %select_n3A_1455 = arith.select %lt3A_1451, %add3A_1454, %xor3A_1448 : vector<16xi1>, vector<16xi32>
      %broadcast_in_dim3A_1456 = vector.shape_cast %select_n3A_1455 : vector<16xi32> to vector<16x1xi32>
      %gather3A_1457 = vector.shape_cast %broadcast_in_dim3A_1456 : vector<16x1xi32> to vector<16xi32>
      %gather3A_1458 = tpu.dynamic_gather %add3A_1445[%gather3A_1457] in [0] : vector<16xf32>, vector<16xi32> -> vector<16xf32>
      %add3A_1459 = arith.addf %add3A_1445, %gather3A_1458 : vector<16xf32>
      %min3A_1460 = arith.minimumf %min3A_1403, %add3A_1459 : vector<16xf32>
      %xor3A_1461 = arith.constant 8 : i32
      %xor3A_1462 = vector.broadcast %xor3A_1461 : i32 to vector<16xi32>
      %xor3A_1463 = arith.xori %iota3A, %xor3A_1462 : vector<16xi32>
      %lt3A_1464 = arith.constant 0 : i32
      %lt3A_1465 = vector.broadcast %lt3A_1464 : i32 to vector<16xi32>
      %lt3A_1466 = arith.cmpi slt, %xor3A_1463, %lt3A_1465 : vector<16xi32>
      %add3A_1467 = arith.constant 16 : i32
      %add3A_1468 = vector.broadcast %add3A_1467 : i32 to vector<16xi32>
      %add3A_1469 = arith.addi %xor3A_1463, %add3A_1468 : vector<16xi32>
      %select_n3A_1470 = arith.select %lt3A_1466, %add3A_1469, %xor3A_1463 : vector<16xi1>, vector<16xi32>
      %broadcast_in_dim3A_1471 = vector.shape_cast %select_n3A_1470 : vector<16xi32> to vector<16x1xi32>
      %gather3A_1472 = vector.shape_cast %broadcast_in_dim3A_1471 : vector<16x1xi32> to vector<16xi32>
      %gather3A_1473 = tpu.dynamic_gather %scan3A_1060#7[%gather3A_1472] in [0] : vector<16xf32>, vector<16xi32> -> vector<16xf32>
      %add3A_1474 = arith.addf %scan3A_1060#7, %gather3A_1473 : vector<16xf32>
      %xor3A_1475 = arith.constant 4 : i32
      %xor3A_1476 = vector.broadcast %xor3A_1475 : i32 to vector<16xi32>
      %xor3A_1477 = arith.xori %iota3A, %xor3A_1476 : vector<16xi32>
      %lt3A_1478 = arith.constant 0 : i32
      %lt3A_1479 = vector.broadcast %lt3A_1478 : i32 to vector<16xi32>
      %lt3A_1480 = arith.cmpi slt, %xor3A_1477, %lt3A_1479 : vector<16xi32>
      %add3A_1481 = arith.constant 16 : i32
      %add3A_1482 = vector.broadcast %add3A_1481 : i32 to vector<16xi32>
      %add3A_1483 = arith.addi %xor3A_1477, %add3A_1482 : vector<16xi32>
      %select_n3A_1484 = arith.select %lt3A_1480, %add3A_1483, %xor3A_1477 : vector<16xi1>, vector<16xi32>
      %broadcast_in_dim3A_1485 = vector.shape_cast %select_n3A_1484 : vector<16xi32> to vector<16x1xi32>
      %gather3A_1486 = vector.shape_cast %broadcast_in_dim3A_1485 : vector<16x1xi32> to vector<16xi32>
      %gather3A_1487 = tpu.dynamic_gather %add3A_1474[%gather3A_1486] in [0] : vector<16xf32>, vector<16xi32> -> vector<16xf32>
      %add3A_1488 = arith.addf %add3A_1474, %gather3A_1487 : vector<16xf32>
      %xor3A_1489 = arith.constant 2 : i32
      %xor3A_1490 = vector.broadcast %xor3A_1489 : i32 to vector<16xi32>
      %xor3A_1491 = arith.xori %iota3A, %xor3A_1490 : vector<16xi32>
      %lt3A_1492 = arith.constant 0 : i32
      %lt3A_1493 = vector.broadcast %lt3A_1492 : i32 to vector<16xi32>
      %lt3A_1494 = arith.cmpi slt, %xor3A_1491, %lt3A_1493 : vector<16xi32>
      %add3A_1495 = arith.constant 16 : i32
      %add3A_1496 = vector.broadcast %add3A_1495 : i32 to vector<16xi32>
      %add3A_1497 = arith.addi %xor3A_1491, %add3A_1496 : vector<16xi32>
      %select_n3A_1498 = arith.select %lt3A_1494, %add3A_1497, %xor3A_1491 : vector<16xi1>, vector<16xi32>
      %broadcast_in_dim3A_1499 = vector.shape_cast %select_n3A_1498 : vector<16xi32> to vector<16x1xi32>
      %gather3A_1500 = vector.shape_cast %broadcast_in_dim3A_1499 : vector<16x1xi32> to vector<16xi32>
      %gather3A_1501 = tpu.dynamic_gather %add3A_1488[%gather3A_1500] in [0] : vector<16xf32>, vector<16xi32> -> vector<16xf32>
      %add3A_1502 = arith.addf %add3A_1488, %gather3A_1501 : vector<16xf32>
      %xor3A_1503 = arith.constant 1 : i32
      %xor3A_1504 = vector.broadcast %xor3A_1503 : i32 to vector<16xi32>
      %xor3A_1505 = arith.xori %iota3A, %xor3A_1504 : vector<16xi32>
      %lt3A_1506 = arith.constant 0 : i32
      %lt3A_1507 = vector.broadcast %lt3A_1506 : i32 to vector<16xi32>
      %lt3A_1508 = arith.cmpi slt, %xor3A_1505, %lt3A_1507 : vector<16xi32>
      %add3A_1509 = arith.constant 16 : i32
      %add3A_1510 = vector.broadcast %add3A_1509 : i32 to vector<16xi32>
      %add3A_1511 = arith.addi %xor3A_1505, %add3A_1510 : vector<16xi32>
      %select_n3A_1512 = arith.select %lt3A_1508, %add3A_1511, %xor3A_1505 : vector<16xi1>, vector<16xi32>
      %broadcast_in_dim3A_1513 = vector.shape_cast %select_n3A_1512 : vector<16xi32> to vector<16x1xi32>
      %gather3A_1514 = vector.shape_cast %broadcast_in_dim3A_1513 : vector<16x1xi32> to vector<16xi32>
      %gather3A_1515 = tpu.dynamic_gather %add3A_1502[%gather3A_1514] in [0] : vector<16xf32>, vector<16xi32> -> vector<16xf32>
      %add3A_1516 = arith.addf %add3A_1502, %gather3A_1515 : vector<16xf32>
      %min3A_1517 = arith.minimumf %min3A_1460, %add3A_1516 : vector<16xf32>
      %xor3A_1518 = arith.constant 8 : i32
      %xor3A_1519 = vector.broadcast %xor3A_1518 : i32 to vector<16xi32>
      %xor3A_1520 = arith.xori %iota3A, %xor3A_1519 : vector<16xi32>
      %lt3A_1521 = arith.constant 0 : i32
      %lt3A_1522 = vector.broadcast %lt3A_1521 : i32 to vector<16xi32>
      %lt3A_1523 = arith.cmpi slt, %xor3A_1520, %lt3A_1522 : vector<16xi32>
      %add3A_1524 = arith.constant 16 : i32
      %add3A_1525 = vector.broadcast %add3A_1524 : i32 to vector<16xi32>
      %add3A_1526 = arith.addi %xor3A_1520, %add3A_1525 : vector<16xi32>
      %select_n3A_1527 = arith.select %lt3A_1523, %add3A_1526, %xor3A_1520 : vector<16xi1>, vector<16xi32>
      %broadcast_in_dim3A_1528 = vector.shape_cast %select_n3A_1527 : vector<16xi32> to vector<16x1xi32>
      %gather3A_1529 = vector.shape_cast %broadcast_in_dim3A_1528 : vector<16x1xi32> to vector<16xi32>
      %gather3A_1530 = tpu.dynamic_gather %scan3A_1060#8[%gather3A_1529] in [0] : vector<16xf32>, vector<16xi32> -> vector<16xf32>
      %add3A_1531 = arith.addf %scan3A_1060#8, %gather3A_1530 : vector<16xf32>
      %xor3A_1532 = arith.constant 4 : i32
      %xor3A_1533 = vector.broadcast %xor3A_1532 : i32 to vector<16xi32>
      %xor3A_1534 = arith.xori %iota3A, %xor3A_1533 : vector<16xi32>
      %lt3A_1535 = arith.constant 0 : i32
      %lt3A_1536 = vector.broadcast %lt3A_1535 : i32 to vector<16xi32>
      %lt3A_1537 = arith.cmpi slt, %xor3A_1534, %lt3A_1536 : vector<16xi32>
      %add3A_1538 = arith.constant 16 : i32
      %add3A_1539 = vector.broadcast %add3A_1538 : i32 to vector<16xi32>
      %add3A_1540 = arith.addi %xor3A_1534, %add3A_1539 : vector<16xi32>
      %select_n3A_1541 = arith.select %lt3A_1537, %add3A_1540, %xor3A_1534 : vector<16xi1>, vector<16xi32>
      %broadcast_in_dim3A_1542 = vector.shape_cast %select_n3A_1541 : vector<16xi32> to vector<16x1xi32>
      %gather3A_1543 = vector.shape_cast %broadcast_in_dim3A_1542 : vector<16x1xi32> to vector<16xi32>
      %gather3A_1544 = tpu.dynamic_gather %add3A_1531[%gather3A_1543] in [0] : vector<16xf32>, vector<16xi32> -> vector<16xf32>
      %add3A_1545 = arith.addf %add3A_1531, %gather3A_1544 : vector<16xf32>
      %xor3A_1546 = arith.constant 2 : i32
      %xor3A_1547 = vector.broadcast %xor3A_1546 : i32 to vector<16xi32>
      %xor3A_1548 = arith.xori %iota3A, %xor3A_1547 : vector<16xi32>
      %lt3A_1549 = arith.constant 0 : i32
      %lt3A_1550 = vector.broadcast %lt3A_1549 : i32 to vector<16xi32>
      %lt3A_1551 = arith.cmpi slt, %xor3A_1548, %lt3A_1550 : vector<16xi32>
      %add3A_1552 = arith.constant 16 : i32
      %add3A_1553 = vector.broadcast %add3A_1552 : i32 to vector<16xi32>
      %add3A_1554 = arith.addi %xor3A_1548, %add3A_1553 : vector<16xi32>
      %select_n3A_1555 = arith.select %lt3A_1551, %add3A_1554, %xor3A_1548 : vector<16xi1>, vector<16xi32>
      %broadcast_in_dim3A_1556 = vector.shape_cast %select_n3A_1555 : vector<16xi32> to vector<16x1xi32>
      %gather3A_1557 = vector.shape_cast %broadcast_in_dim3A_1556 : vector<16x1xi32> to vector<16xi32>
      %gather3A_1558 = tpu.dynamic_gather %add3A_1545[%gather3A_1557] in [0] : vector<16xf32>, vector<16xi32> -> vector<16xf32>
      %add3A_1559 = arith.addf %add3A_1545, %gather3A_1558 : vector<16xf32>
      %xor3A_1560 = arith.constant 1 : i32
      %xor3A_1561 = vector.broadcast %xor3A_1560 : i32 to vector<16xi32>
      %xor3A_1562 = arith.xori %iota3A, %xor3A_1561 : vector<16xi32>
      %lt3A_1563 = arith.constant 0 : i32
      %lt3A_1564 = vector.broadcast %lt3A_1563 : i32 to vector<16xi32>
      %lt3A_1565 = arith.cmpi slt, %xor3A_1562, %lt3A_1564 : vector<16xi32>
      %add3A_1566 = arith.constant 16 : i32
      %add3A_1567 = vector.broadcast %add3A_1566 : i32 to vector<16xi32>
      %add3A_1568 = arith.addi %xor3A_1562, %add3A_1567 : vector<16xi32>
      %select_n3A_1569 = arith.select %lt3A_1565, %add3A_1568, %xor3A_1562 : vector<16xi1>, vector<16xi32>
      %broadcast_in_dim3A_1570 = vector.shape_cast %select_n3A_1569 : vector<16xi32> to vector<16x1xi32>
      %gather3A_1571 = vector.shape_cast %broadcast_in_dim3A_1570 : vector<16x1xi32> to vector<16xi32>
      %gather3A_1572 = tpu.dynamic_gather %add3A_1559[%gather3A_1571] in [0] : vector<16xf32>, vector<16xi32> -> vector<16xf32>
      %add3A_1573 = arith.addf %add3A_1559, %gather3A_1572 : vector<16xf32>
      %min3A_1574 = arith.minimumf %min3A_1517, %add3A_1573 : vector<16xf32>
      %xor3A_1575 = arith.constant 8 : i32
      %xor3A_1576 = vector.broadcast %xor3A_1575 : i32 to vector<16xi32>
      %xor3A_1577 = arith.xori %iota3A, %xor3A_1576 : vector<16xi32>
      %lt3A_1578 = arith.constant 0 : i32
      %lt3A_1579 = vector.broadcast %lt3A_1578 : i32 to vector<16xi32>
      %lt3A_1580 = arith.cmpi slt, %xor3A_1577, %lt3A_1579 : vector<16xi32>
      %add3A_1581 = arith.constant 16 : i32
      %add3A_1582 = vector.broadcast %add3A_1581 : i32 to vector<16xi32>
      %add3A_1583 = arith.addi %xor3A_1577, %add3A_1582 : vector<16xi32>
      %select_n3A_1584 = arith.select %lt3A_1580, %add3A_1583, %xor3A_1577 : vector<16xi1>, vector<16xi32>
      %broadcast_in_dim3A_1585 = vector.shape_cast %select_n3A_1584 : vector<16xi32> to vector<16x1xi32>
      %gather3A_1586 = vector.shape_cast %broadcast_in_dim3A_1585 : vector<16x1xi32> to vector<16xi32>
      %gather3A_1587 = tpu.dynamic_gather %scan3A_1060#9[%gather3A_1586] in [0] : vector<16xf32>, vector<16xi32> -> vector<16xf32>
      %add3A_1588 = arith.addf %scan3A_1060#9, %gather3A_1587 : vector<16xf32>
      %xor3A_1589 = arith.constant 4 : i32
      %xor3A_1590 = vector.broadcast %xor3A_1589 : i32 to vector<16xi32>
      %xor3A_1591 = arith.xori %iota3A, %xor3A_1590 : vector<16xi32>
      %lt3A_1592 = arith.constant 0 : i32
      %lt3A_1593 = vector.broadcast %lt3A_1592 : i32 to vector<16xi32>
      %lt3A_1594 = arith.cmpi slt, %xor3A_1591, %lt3A_1593 : vector<16xi32>
      %add3A_1595 = arith.constant 16 : i32
      %add3A_1596 = vector.broadcast %add3A_1595 : i32 to vector<16xi32>
      %add3A_1597 = arith.addi %xor3A_1591, %add3A_1596 : vector<16xi32>
      %select_n3A_1598 = arith.select %lt3A_1594, %add3A_1597, %xor3A_1591 : vector<16xi1>, vector<16xi32>
      %broadcast_in_dim3A_1599 = vector.shape_cast %select_n3A_1598 : vector<16xi32> to vector<16x1xi32>
      %gather3A_1600 = vector.shape_cast %broadcast_in_dim3A_1599 : vector<16x1xi32> to vector<16xi32>
      %gather3A_1601 = tpu.dynamic_gather %add3A_1588[%gather3A_1600] in [0] : vector<16xf32>, vector<16xi32> -> vector<16xf32>
      %add3A_1602 = arith.addf %add3A_1588, %gather3A_1601 : vector<16xf32>
      %xor3A_1603 = arith.constant 2 : i32
      %xor3A_1604 = vector.broadcast %xor3A_1603 : i32 to vector<16xi32>
      %xor3A_1605 = arith.xori %iota3A, %xor3A_1604 : vector<16xi32>
      %lt3A_1606 = arith.constant 0 : i32
      %lt3A_1607 = vector.broadcast %lt3A_1606 : i32 to vector<16xi32>
      %lt3A_1608 = arith.cmpi slt, %xor3A_1605, %lt3A_1607 : vector<16xi32>
      %add3A_1609 = arith.constant 16 : i32
      %add3A_1610 = vector.broadcast %add3A_1609 : i32 to vector<16xi32>
      %add3A_1611 = arith.addi %xor3A_1605, %add3A_1610 : vector<16xi32>
      %select_n3A_1612 = arith.select %lt3A_1608, %add3A_1611, %xor3A_1605 : vector<16xi1>, vector<16xi32>
      %broadcast_in_dim3A_1613 = vector.shape_cast %select_n3A_1612 : vector<16xi32> to vector<16x1xi32>
      %gather3A_1614 = vector.shape_cast %broadcast_in_dim3A_1613 : vector<16x1xi32> to vector<16xi32>
      %gather3A_1615 = tpu.dynamic_gather %add3A_1602[%gather3A_1614] in [0] : vector<16xf32>, vector<16xi32> -> vector<16xf32>
      %add3A_1616 = arith.addf %add3A_1602, %gather3A_1615 : vector<16xf32>
      %xor3A_1617 = arith.constant 1 : i32
      %xor3A_1618 = vector.broadcast %xor3A_1617 : i32 to vector<16xi32>
      %xor3A_1619 = arith.xori %iota3A, %xor3A_1618 : vector<16xi32>
      %lt3A_1620 = arith.constant 0 : i32
      %lt3A_1621 = vector.broadcast %lt3A_1620 : i32 to vector<16xi32>
      %lt3A_1622 = arith.cmpi slt, %xor3A_1619, %lt3A_1621 : vector<16xi32>
      %add3A_1623 = arith.constant 16 : i32
      %add3A_1624 = vector.broadcast %add3A_1623 : i32 to vector<16xi32>
      %add3A_1625 = arith.addi %xor3A_1619, %add3A_1624 : vector<16xi32>
      %select_n3A_1626 = arith.select %lt3A_1622, %add3A_1625, %xor3A_1619 : vector<16xi1>, vector<16xi32>
      %broadcast_in_dim3A_1627 = vector.shape_cast %select_n3A_1626 : vector<16xi32> to vector<16x1xi32>
      %gather3A_1628 = vector.shape_cast %broadcast_in_dim3A_1627 : vector<16x1xi32> to vector<16xi32>
      %gather3A_1629 = tpu.dynamic_gather %add3A_1616[%gather3A_1628] in [0] : vector<16xf32>, vector<16xi32> -> vector<16xf32>
      %add3A_1630 = arith.addf %add3A_1616, %gather3A_1629 : vector<16xf32>
      %min3A_1631 = arith.minimumf %min3A_1574, %add3A_1630 : vector<16xf32>
      %xor3A_1632 = arith.constant 8 : i32
      %xor3A_1633 = vector.broadcast %xor3A_1632 : i32 to vector<16xi32>
      %xor3A_1634 = arith.xori %iota3A, %xor3A_1633 : vector<16xi32>
      %lt3A_1635 = arith.constant 0 : i32
      %lt3A_1636 = vector.broadcast %lt3A_1635 : i32 to vector<16xi32>
      %lt3A_1637 = arith.cmpi slt, %xor3A_1634, %lt3A_1636 : vector<16xi32>
      %add3A_1638 = arith.constant 16 : i32
      %add3A_1639 = vector.broadcast %add3A_1638 : i32 to vector<16xi32>
      %add3A_1640 = arith.addi %xor3A_1634, %add3A_1639 : vector<16xi32>
      %select_n3A_1641 = arith.select %lt3A_1637, %add3A_1640, %xor3A_1634 : vector<16xi1>, vector<16xi32>
      %broadcast_in_dim3A_1642 = vector.shape_cast %select_n3A_1641 : vector<16xi32> to vector<16x1xi32>
      %gather3A_1643 = vector.shape_cast %broadcast_in_dim3A_1642 : vector<16x1xi32> to vector<16xi32>
      %gather3A_1644 = tpu.dynamic_gather %scan3A_1060#10[%gather3A_1643] in [0] : vector<16xf32>, vector<16xi32> -> vector<16xf32>
      %add3A_1645 = arith.addf %scan3A_1060#10, %gather3A_1644 : vector<16xf32>
      %xor3A_1646 = arith.constant 4 : i32
      %xor3A_1647 = vector.broadcast %xor3A_1646 : i32 to vector<16xi32>
      %xor3A_1648 = arith.xori %iota3A, %xor3A_1647 : vector<16xi32>
      %lt3A_1649 = arith.constant 0 : i32
      %lt3A_1650 = vector.broadcast %lt3A_1649 : i32 to vector<16xi32>
      %lt3A_1651 = arith.cmpi slt, %xor3A_1648, %lt3A_1650 : vector<16xi32>
      %add3A_1652 = arith.constant 16 : i32
      %add3A_1653 = vector.broadcast %add3A_1652 : i32 to vector<16xi32>
      %add3A_1654 = arith.addi %xor3A_1648, %add3A_1653 : vector<16xi32>
      %select_n3A_1655 = arith.select %lt3A_1651, %add3A_1654, %xor3A_1648 : vector<16xi1>, vector<16xi32>
      %broadcast_in_dim3A_1656 = vector.shape_cast %select_n3A_1655 : vector<16xi32> to vector<16x1xi32>
      %gather3A_1657 = vector.shape_cast %broadcast_in_dim3A_1656 : vector<16x1xi32> to vector<16xi32>
      %gather3A_1658 = tpu.dynamic_gather %add3A_1645[%gather3A_1657] in [0] : vector<16xf32>, vector<16xi32> -> vector<16xf32>
      %add3A_1659 = arith.addf %add3A_1645, %gather3A_1658 : vector<16xf32>
      %xor3A_1660 = arith.constant 2 : i32
      %xor3A_1661 = vector.broadcast %xor3A_1660 : i32 to vector<16xi32>
      %xor3A_1662 = arith.xori %iota3A, %xor3A_1661 : vector<16xi32>
      %lt3A_1663 = arith.constant 0 : i32
      %lt3A_1664 = vector.broadcast %lt3A_1663 : i32 to vector<16xi32>
      %lt3A_1665 = arith.cmpi slt, %xor3A_1662, %lt3A_1664 : vector<16xi32>
      %add3A_1666 = arith.constant 16 : i32
      %add3A_1667 = vector.broadcast %add3A_1666 : i32 to vector<16xi32>
      %add3A_1668 = arith.addi %xor3A_1662, %add3A_1667 : vector<16xi32>
      %select_n3A_1669 = arith.select %lt3A_1665, %add3A_1668, %xor3A_1662 : vector<16xi1>, vector<16xi32>
      %broadcast_in_dim3A_1670 = vector.shape_cast %select_n3A_1669 : vector<16xi32> to vector<16x1xi32>
      %gather3A_1671 = vector.shape_cast %broadcast_in_dim3A_1670 : vector<16x1xi32> to vector<16xi32>
      %gather3A_1672 = tpu.dynamic_gather %add3A_1659[%gather3A_1671] in [0] : vector<16xf32>, vector<16xi32> -> vector<16xf32>
      %add3A_1673 = arith.addf %add3A_1659, %gather3A_1672 : vector<16xf32>
      %xor3A_1674 = arith.constant 1 : i32
      %xor3A_1675 = vector.broadcast %xor3A_1674 : i32 to vector<16xi32>
      %xor3A_1676 = arith.xori %iota3A, %xor3A_1675 : vector<16xi32>
      %lt3A_1677 = arith.constant 0 : i32
      %lt3A_1678 = vector.broadcast %lt3A_1677 : i32 to vector<16xi32>
      %lt3A_1679 = arith.cmpi slt, %xor3A_1676, %lt3A_1678 : vector<16xi32>
      %add3A_1680 = arith.constant 16 : i32
      %add3A_1681 = vector.broadcast %add3A_1680 : i32 to vector<16xi32>
      %add3A_1682 = arith.addi %xor3A_1676, %add3A_1681 : vector<16xi32>
      %select_n3A_1683 = arith.select %lt3A_1679, %add3A_1682, %xor3A_1676 : vector<16xi1>, vector<16xi32>
      %broadcast_in_dim3A_1684 = vector.shape_cast %select_n3A_1683 : vector<16xi32> to vector<16x1xi32>
      %gather3A_1685 = vector.shape_cast %broadcast_in_dim3A_1684 : vector<16x1xi32> to vector<16xi32>
      %gather3A_1686 = tpu.dynamic_gather %add3A_1673[%gather3A_1685] in [0] : vector<16xf32>, vector<16xi32> -> vector<16xf32>
      %add3A_1687 = arith.addf %add3A_1673, %gather3A_1686 : vector<16xf32>
      %min3A_1688 = arith.minimumf %min3A_1631, %add3A_1687 : vector<16xf32>
      %xor3A_1689 = arith.constant 8 : i32
      %xor3A_1690 = vector.broadcast %xor3A_1689 : i32 to vector<16xi32>
      %xor3A_1691 = arith.xori %iota3A, %xor3A_1690 : vector<16xi32>
      %lt3A_1692 = arith.constant 0 : i32
      %lt3A_1693 = vector.broadcast %lt3A_1692 : i32 to vector<16xi32>
      %lt3A_1694 = arith.cmpi slt, %xor3A_1691, %lt3A_1693 : vector<16xi32>
      %add3A_1695 = arith.constant 16 : i32
      %add3A_1696 = vector.broadcast %add3A_1695 : i32 to vector<16xi32>
      %add3A_1697 = arith.addi %xor3A_1691, %add3A_1696 : vector<16xi32>
      %select_n3A_1698 = arith.select %lt3A_1694, %add3A_1697, %xor3A_1691 : vector<16xi1>, vector<16xi32>
      %broadcast_in_dim3A_1699 = vector.shape_cast %select_n3A_1698 : vector<16xi32> to vector<16x1xi32>
      %gather3A_1700 = vector.shape_cast %broadcast_in_dim3A_1699 : vector<16x1xi32> to vector<16xi32>
      %gather3A_1701 = tpu.dynamic_gather %scan3A_1060#11[%gather3A_1700] in [0] : vector<16xf32>, vector<16xi32> -> vector<16xf32>
      %add3A_1702 = arith.addf %scan3A_1060#11, %gather3A_1701 : vector<16xf32>
      %xor3A_1703 = arith.constant 4 : i32
      %xor3A_1704 = vector.broadcast %xor3A_1703 : i32 to vector<16xi32>
      %xor3A_1705 = arith.xori %iota3A, %xor3A_1704 : vector<16xi32>
      %lt3A_1706 = arith.constant 0 : i32
      %lt3A_1707 = vector.broadcast %lt3A_1706 : i32 to vector<16xi32>
      %lt3A_1708 = arith.cmpi slt, %xor3A_1705, %lt3A_1707 : vector<16xi32>
      %add3A_1709 = arith.constant 16 : i32
      %add3A_1710 = vector.broadcast %add3A_1709 : i32 to vector<16xi32>
      %add3A_1711 = arith.addi %xor3A_1705, %add3A_1710 : vector<16xi32>
      %select_n3A_1712 = arith.select %lt3A_1708, %add3A_1711, %xor3A_1705 : vector<16xi1>, vector<16xi32>
      %broadcast_in_dim3A_1713 = vector.shape_cast %select_n3A_1712 : vector<16xi32> to vector<16x1xi32>
      %gather3A_1714 = vector.shape_cast %broadcast_in_dim3A_1713 : vector<16x1xi32> to vector<16xi32>
      %gather3A_1715 = tpu.dynamic_gather %add3A_1702[%gather3A_1714] in [0] : vector<16xf32>, vector<16xi32> -> vector<16xf32>
      %add3A_1716 = arith.addf %add3A_1702, %gather3A_1715 : vector<16xf32>
      %xor3A_1717 = arith.constant 2 : i32
      %xor3A_1718 = vector.broadcast %xor3A_1717 : i32 to vector<16xi32>
      %xor3A_1719 = arith.xori %iota3A, %xor3A_1718 : vector<16xi32>
      %lt3A_1720 = arith.constant 0 : i32
      %lt3A_1721 = vector.broadcast %lt3A_1720 : i32 to vector<16xi32>
      %lt3A_1722 = arith.cmpi slt, %xor3A_1719, %lt3A_1721 : vector<16xi32>
      %add3A_1723 = arith.constant 16 : i32
      %add3A_1724 = vector.broadcast %add3A_1723 : i32 to vector<16xi32>
      %add3A_1725 = arith.addi %xor3A_1719, %add3A_1724 : vector<16xi32>
      %select_n3A_1726 = arith.select %lt3A_1722, %add3A_1725, %xor3A_1719 : vector<16xi1>, vector<16xi32>
      %broadcast_in_dim3A_1727 = vector.shape_cast %select_n3A_1726 : vector<16xi32> to vector<16x1xi32>
      %gather3A_1728 = vector.shape_cast %broadcast_in_dim3A_1727 : vector<16x1xi32> to vector<16xi32>
      %gather3A_1729 = tpu.dynamic_gather %add3A_1716[%gather3A_1728] in [0] : vector<16xf32>, vector<16xi32> -> vector<16xf32>
      %add3A_1730 = arith.addf %add3A_1716, %gather3A_1729 : vector<16xf32>
      %xor3A_1731 = arith.constant 1 : i32
      %xor3A_1732 = vector.broadcast %xor3A_1731 : i32 to vector<16xi32>
      %xor3A_1733 = arith.xori %iota3A, %xor3A_1732 : vector<16xi32>
      %lt3A_1734 = arith.constant 0 : i32
      %lt3A_1735 = vector.broadcast %lt3A_1734 : i32 to vector<16xi32>
      %lt3A_1736 = arith.cmpi slt, %xor3A_1733, %lt3A_1735 : vector<16xi32>
      %add3A_1737 = arith.constant 16 : i32
      %add3A_1738 = vector.broadcast %add3A_1737 : i32 to vector<16xi32>
      %add3A_1739 = arith.addi %xor3A_1733, %add3A_1738 : vector<16xi32>
      %select_n3A_1740 = arith.select %lt3A_1736, %add3A_1739, %xor3A_1733 : vector<16xi1>, vector<16xi32>
      %broadcast_in_dim3A_1741 = vector.shape_cast %select_n3A_1740 : vector<16xi32> to vector<16x1xi32>
      %gather3A_1742 = vector.shape_cast %broadcast_in_dim3A_1741 : vector<16x1xi32> to vector<16xi32>
      %gather3A_1743 = tpu.dynamic_gather %add3A_1730[%gather3A_1742] in [0] : vector<16xf32>, vector<16xi32> -> vector<16xf32>
      %add3A_1744 = arith.addf %add3A_1730, %gather3A_1743 : vector<16xf32>
      %min3A_1745 = arith.minimumf %min3A_1688, %add3A_1744 : vector<16xf32>
      %xor3A_1746 = arith.constant 8 : i32
      %xor3A_1747 = vector.broadcast %xor3A_1746 : i32 to vector<16xi32>
      %xor3A_1748 = arith.xori %iota3A, %xor3A_1747 : vector<16xi32>
      %lt3A_1749 = arith.constant 0 : i32
      %lt3A_1750 = vector.broadcast %lt3A_1749 : i32 to vector<16xi32>
      %lt3A_1751 = arith.cmpi slt, %xor3A_1748, %lt3A_1750 : vector<16xi32>
      %add3A_1752 = arith.constant 16 : i32
      %add3A_1753 = vector.broadcast %add3A_1752 : i32 to vector<16xi32>
      %add3A_1754 = arith.addi %xor3A_1748, %add3A_1753 : vector<16xi32>
      %select_n3A_1755 = arith.select %lt3A_1751, %add3A_1754, %xor3A_1748 : vector<16xi1>, vector<16xi32>
      %broadcast_in_dim3A_1756 = vector.shape_cast %select_n3A_1755 : vector<16xi32> to vector<16x1xi32>
      %gather3A_1757 = vector.shape_cast %broadcast_in_dim3A_1756 : vector<16x1xi32> to vector<16xi32>
      %gather3A_1758 = tpu.dynamic_gather %scan3A_1060#12[%gather3A_1757] in [0] : vector<16xf32>, vector<16xi32> -> vector<16xf32>
      %add3A_1759 = arith.addf %scan3A_1060#12, %gather3A_1758 : vector<16xf32>
      %xor3A_1760 = arith.constant 4 : i32
      %xor3A_1761 = vector.broadcast %xor3A_1760 : i32 to vector<16xi32>
      %xor3A_1762 = arith.xori %iota3A, %xor3A_1761 : vector<16xi32>
      %lt3A_1763 = arith.constant 0 : i32
      %lt3A_1764 = vector.broadcast %lt3A_1763 : i32 to vector<16xi32>
      %lt3A_1765 = arith.cmpi slt, %xor3A_1762, %lt3A_1764 : vector<16xi32>
      %add3A_1766 = arith.constant 16 : i32
      %add3A_1767 = vector.broadcast %add3A_1766 : i32 to vector<16xi32>
      %add3A_1768 = arith.addi %xor3A_1762, %add3A_1767 : vector<16xi32>
      %select_n3A_1769 = arith.select %lt3A_1765, %add3A_1768, %xor3A_1762 : vector<16xi1>, vector<16xi32>
      %broadcast_in_dim3A_1770 = vector.shape_cast %select_n3A_1769 : vector<16xi32> to vector<16x1xi32>
      %gather3A_1771 = vector.shape_cast %broadcast_in_dim3A_1770 : vector<16x1xi32> to vector<16xi32>
      %gather3A_1772 = tpu.dynamic_gather %add3A_1759[%gather3A_1771] in [0] : vector<16xf32>, vector<16xi32> -> vector<16xf32>
      %add3A_1773 = arith.addf %add3A_1759, %gather3A_1772 : vector<16xf32>
      %xor3A_1774 = arith.constant 2 : i32
      %xor3A_1775 = vector.broadcast %xor3A_1774 : i32 to vector<16xi32>
      %xor3A_1776 = arith.xori %iota3A, %xor3A_1775 : vector<16xi32>
      %lt3A_1777 = arith.constant 0 : i32
      %lt3A_1778 = vector.broadcast %lt3A_1777 : i32 to vector<16xi32>
      %lt3A_1779 = arith.cmpi slt, %xor3A_1776, %lt3A_1778 : vector<16xi32>
      %add3A_1780 = arith.constant 16 : i32
      %add3A_1781 = vector.broadcast %add3A_1780 : i32 to vector<16xi32>
      %add3A_1782 = arith.addi %xor3A_1776, %add3A_1781 : vector<16xi32>
      %select_n3A_1783 = arith.select %lt3A_1779, %add3A_1782, %xor3A_1776 : vector<16xi1>, vector<16xi32>
      %broadcast_in_dim3A_1784 = vector.shape_cast %select_n3A_1783 : vector<16xi32> to vector<16x1xi32>
      %gather3A_1785 = vector.shape_cast %broadcast_in_dim3A_1784 : vector<16x1xi32> to vector<16xi32>
      %gather3A_1786 = tpu.dynamic_gather %add3A_1773[%gather3A_1785] in [0] : vector<16xf32>, vector<16xi32> -> vector<16xf32>
      %add3A_1787 = arith.addf %add3A_1773, %gather3A_1786 : vector<16xf32>
      %xor3A_1788 = arith.constant 1 : i32
      %xor3A_1789 = vector.broadcast %xor3A_1788 : i32 to vector<16xi32>
      %xor3A_1790 = arith.xori %iota3A, %xor3A_1789 : vector<16xi32>
      %lt3A_1791 = arith.constant 0 : i32
      %lt3A_1792 = vector.broadcast %lt3A_1791 : i32 to vector<16xi32>
      %lt3A_1793 = arith.cmpi slt, %xor3A_1790, %lt3A_1792 : vector<16xi32>
      %add3A_1794 = arith.constant 16 : i32
      %add3A_1795 = vector.broadcast %add3A_1794 : i32 to vector<16xi32>
      %add3A_1796 = arith.addi %xor3A_1790, %add3A_1795 : vector<16xi32>
      %select_n3A_1797 = arith.select %lt3A_1793, %add3A_1796, %xor3A_1790 : vector<16xi1>, vector<16xi32>
      %broadcast_in_dim3A_1798 = vector.shape_cast %select_n3A_1797 : vector<16xi32> to vector<16x1xi32>
      %gather3A_1799 = vector.shape_cast %broadcast_in_dim3A_1798 : vector<16x1xi32> to vector<16xi32>
      %gather3A_1800 = tpu.dynamic_gather %add3A_1787[%gather3A_1799] in [0] : vector<16xf32>, vector<16xi32> -> vector<16xf32>
      %add3A_1801 = arith.addf %add3A_1787, %gather3A_1800 : vector<16xf32>
      %min3A_1802 = arith.minimumf %min3A_1745, %add3A_1801 : vector<16xf32>
      %xor3A_1803 = arith.constant 8 : i32
      %xor3A_1804 = vector.broadcast %xor3A_1803 : i32 to vector<16xi32>
      %xor3A_1805 = arith.xori %iota3A, %xor3A_1804 : vector<16xi32>
      %lt3A_1806 = arith.constant 0 : i32
      %lt3A_1807 = vector.broadcast %lt3A_1806 : i32 to vector<16xi32>
      %lt3A_1808 = arith.cmpi slt, %xor3A_1805, %lt3A_1807 : vector<16xi32>
      %add3A_1809 = arith.constant 16 : i32
      %add3A_1810 = vector.broadcast %add3A_1809 : i32 to vector<16xi32>
      %add3A_1811 = arith.addi %xor3A_1805, %add3A_1810 : vector<16xi32>
      %select_n3A_1812 = arith.select %lt3A_1808, %add3A_1811, %xor3A_1805 : vector<16xi1>, vector<16xi32>
      %broadcast_in_dim3A_1813 = vector.shape_cast %select_n3A_1812 : vector<16xi32> to vector<16x1xi32>
      %gather3A_1814 = vector.shape_cast %broadcast_in_dim3A_1813 : vector<16x1xi32> to vector<16xi32>
      %gather3A_1815 = tpu.dynamic_gather %scan3A_1060#13[%gather3A_1814] in [0] : vector<16xf32>, vector<16xi32> -> vector<16xf32>
      %add3A_1816 = arith.addf %scan3A_1060#13, %gather3A_1815 : vector<16xf32>
      %xor3A_1817 = arith.constant 4 : i32
      %xor3A_1818 = vector.broadcast %xor3A_1817 : i32 to vector<16xi32>
      %xor3A_1819 = arith.xori %iota3A, %xor3A_1818 : vector<16xi32>
      %lt3A_1820 = arith.constant 0 : i32
      %lt3A_1821 = vector.broadcast %lt3A_1820 : i32 to vector<16xi32>
      %lt3A_1822 = arith.cmpi slt, %xor3A_1819, %lt3A_1821 : vector<16xi32>
      %add3A_1823 = arith.constant 16 : i32
      %add3A_1824 = vector.broadcast %add3A_1823 : i32 to vector<16xi32>
      %add3A_1825 = arith.addi %xor3A_1819, %add3A_1824 : vector<16xi32>
      %select_n3A_1826 = arith.select %lt3A_1822, %add3A_1825, %xor3A_1819 : vector<16xi1>, vector<16xi32>
      %broadcast_in_dim3A_1827 = vector.shape_cast %select_n3A_1826 : vector<16xi32> to vector<16x1xi32>
      %gather3A_1828 = vector.shape_cast %broadcast_in_dim3A_1827 : vector<16x1xi32> to vector<16xi32>
      %gather3A_1829 = tpu.dynamic_gather %add3A_1816[%gather3A_1828] in [0] : vector<16xf32>, vector<16xi32> -> vector<16xf32>
      %add3A_1830 = arith.addf %add3A_1816, %gather3A_1829 : vector<16xf32>
      %xor3A_1831 = arith.constant 2 : i32
      %xor3A_1832 = vector.broadcast %xor3A_1831 : i32 to vector<16xi32>
      %xor3A_1833 = arith.xori %iota3A, %xor3A_1832 : vector<16xi32>
      %lt3A_1834 = arith.constant 0 : i32
      %lt3A_1835 = vector.broadcast %lt3A_1834 : i32 to vector<16xi32>
      %lt3A_1836 = arith.cmpi slt, %xor3A_1833, %lt3A_1835 : vector<16xi32>
      %add3A_1837 = arith.constant 16 : i32
      %add3A_1838 = vector.broadcast %add3A_1837 : i32 to vector<16xi32>
      %add3A_1839 = arith.addi %xor3A_1833, %add3A_1838 : vector<16xi32>
      %select_n3A_1840 = arith.select %lt3A_1836, %add3A_1839, %xor3A_1833 : vector<16xi1>, vector<16xi32>
      %broadcast_in_dim3A_1841 = vector.shape_cast %select_n3A_1840 : vector<16xi32> to vector<16x1xi32>
      %gather3A_1842 = vector.shape_cast %broadcast_in_dim3A_1841 : vector<16x1xi32> to vector<16xi32>
      %gather3A_1843 = tpu.dynamic_gather %add3A_1830[%gather3A_1842] in [0] : vector<16xf32>, vector<16xi32> -> vector<16xf32>
      %add3A_1844 = arith.addf %add3A_1830, %gather3A_1843 : vector<16xf32>
      %xor3A_1845 = arith.constant 1 : i32
      %xor3A_1846 = vector.broadcast %xor3A_1845 : i32 to vector<16xi32>
      %xor3A_1847 = arith.xori %iota3A, %xor3A_1846 : vector<16xi32>
      %lt3A_1848 = arith.constant 0 : i32
      %lt3A_1849 = vector.broadcast %lt3A_1848 : i32 to vector<16xi32>
      %lt3A_1850 = arith.cmpi slt, %xor3A_1847, %lt3A_1849 : vector<16xi32>
      %add3A_1851 = arith.constant 16 : i32
      %add3A_1852 = vector.broadcast %add3A_1851 : i32 to vector<16xi32>
      %add3A_1853 = arith.addi %xor3A_1847, %add3A_1852 : vector<16xi32>
      %select_n3A_1854 = arith.select %lt3A_1850, %add3A_1853, %xor3A_1847 : vector<16xi1>, vector<16xi32>
      %broadcast_in_dim3A_1855 = vector.shape_cast %select_n3A_1854 : vector<16xi32> to vector<16x1xi32>
      %gather3A_1856 = vector.shape_cast %broadcast_in_dim3A_1855 : vector<16x1xi32> to vector<16xi32>
      %gather3A_1857 = tpu.dynamic_gather %add3A_1844[%gather3A_1856] in [0] : vector<16xf32>, vector<16xi32> -> vector<16xf32>
      %add3A_1858 = arith.addf %add3A_1844, %gather3A_1857 : vector<16xf32>
      %min3A_1859 = arith.minimumf %min3A_1802, %add3A_1858 : vector<16xf32>
      %xor3A_1860 = arith.constant 8 : i32
      %xor3A_1861 = vector.broadcast %xor3A_1860 : i32 to vector<16xi32>
      %xor3A_1862 = arith.xori %iota3A, %xor3A_1861 : vector<16xi32>
      %lt3A_1863 = arith.constant 0 : i32
      %lt3A_1864 = vector.broadcast %lt3A_1863 : i32 to vector<16xi32>
      %lt3A_1865 = arith.cmpi slt, %xor3A_1862, %lt3A_1864 : vector<16xi32>
      %add3A_1866 = arith.constant 16 : i32
      %add3A_1867 = vector.broadcast %add3A_1866 : i32 to vector<16xi32>
      %add3A_1868 = arith.addi %xor3A_1862, %add3A_1867 : vector<16xi32>
      %select_n3A_1869 = arith.select %lt3A_1865, %add3A_1868, %xor3A_1862 : vector<16xi1>, vector<16xi32>
      %broadcast_in_dim3A_1870 = vector.shape_cast %select_n3A_1869 : vector<16xi32> to vector<16x1xi32>
      %gather3A_1871 = vector.shape_cast %broadcast_in_dim3A_1870 : vector<16x1xi32> to vector<16xi32>
      %gather3A_1872 = tpu.dynamic_gather %scan3A_1060#14[%gather3A_1871] in [0] : vector<16xf32>, vector<16xi32> -> vector<16xf32>
      %add3A_1873 = arith.addf %scan3A_1060#14, %gather3A_1872 : vector<16xf32>
      %xor3A_1874 = arith.constant 4 : i32
      %xor3A_1875 = vector.broadcast %xor3A_1874 : i32 to vector<16xi32>
      %xor3A_1876 = arith.xori %iota3A, %xor3A_1875 : vector<16xi32>
      %lt3A_1877 = arith.constant 0 : i32
      %lt3A_1878 = vector.broadcast %lt3A_1877 : i32 to vector<16xi32>
      %lt3A_1879 = arith.cmpi slt, %xor3A_1876, %lt3A_1878 : vector<16xi32>
      %add3A_1880 = arith.constant 16 : i32
      %add3A_1881 = vector.broadcast %add3A_1880 : i32 to vector<16xi32>
      %add3A_1882 = arith.addi %xor3A_1876, %add3A_1881 : vector<16xi32>
      %select_n3A_1883 = arith.select %lt3A_1879, %add3A_1882, %xor3A_1876 : vector<16xi1>, vector<16xi32>
      %broadcast_in_dim3A_1884 = vector.shape_cast %select_n3A_1883 : vector<16xi32> to vector<16x1xi32>
      %gather3A_1885 = vector.shape_cast %broadcast_in_dim3A_1884 : vector<16x1xi32> to vector<16xi32>
      %gather3A_1886 = tpu.dynamic_gather %add3A_1873[%gather3A_1885] in [0] : vector<16xf32>, vector<16xi32> -> vector<16xf32>
      %add3A_1887 = arith.addf %add3A_1873, %gather3A_1886 : vector<16xf32>
      %xor3A_1888 = arith.constant 2 : i32
      %xor3A_1889 = vector.broadcast %xor3A_1888 : i32 to vector<16xi32>
      %xor3A_1890 = arith.xori %iota3A, %xor3A_1889 : vector<16xi32>
      %lt3A_1891 = arith.constant 0 : i32
      %lt3A_1892 = vector.broadcast %lt3A_1891 : i32 to vector<16xi32>
      %lt3A_1893 = arith.cmpi slt, %xor3A_1890, %lt3A_1892 : vector<16xi32>
      %add3A_1894 = arith.constant 16 : i32
      %add3A_1895 = vector.broadcast %add3A_1894 : i32 to vector<16xi32>
      %add3A_1896 = arith.addi %xor3A_1890, %add3A_1895 : vector<16xi32>
      %select_n3A_1897 = arith.select %lt3A_1893, %add3A_1896, %xor3A_1890 : vector<16xi1>, vector<16xi32>
      %broadcast_in_dim3A_1898 = vector.shape_cast %select_n3A_1897 : vector<16xi32> to vector<16x1xi32>
      %gather3A_1899 = vector.shape_cast %broadcast_in_dim3A_1898 : vector<16x1xi32> to vector<16xi32>
      %gather3A_1900 = tpu.dynamic_gather %add3A_1887[%gather3A_1899] in [0] : vector<16xf32>, vector<16xi32> -> vector<16xf32>
      %add3A_1901 = arith.addf %add3A_1887, %gather3A_1900 : vector<16xf32>
      %xor3A_1902 = arith.constant 1 : i32
      %xor3A_1903 = vector.broadcast %xor3A_1902 : i32 to vector<16xi32>
      %xor3A_1904 = arith.xori %iota3A, %xor3A_1903 : vector<16xi32>
      %lt3A_1905 = arith.constant 0 : i32
      %lt3A_1906 = vector.broadcast %lt3A_1905 : i32 to vector<16xi32>
      %lt3A_1907 = arith.cmpi slt, %xor3A_1904, %lt3A_1906 : vector<16xi32>
      %add3A_1908 = arith.constant 16 : i32
      %add3A_1909 = vector.broadcast %add3A_1908 : i32 to vector<16xi32>
      %add3A_1910 = arith.addi %xor3A_1904, %add3A_1909 : vector<16xi32>
      %select_n3A_1911 = arith.select %lt3A_1907, %add3A_1910, %xor3A_1904 : vector<16xi1>, vector<16xi32>
      %broadcast_in_dim3A_1912 = vector.shape_cast %select_n3A_1911 : vector<16xi32> to vector<16x1xi32>
      %gather3A_1913 = vector.shape_cast %broadcast_in_dim3A_1912 : vector<16x1xi32> to vector<16xi32>
      %gather3A_1914 = tpu.dynamic_gather %add3A_1901[%gather3A_1913] in [0] : vector<16xf32>, vector<16xi32> -> vector<16xf32>
      %add3A_1915 = arith.addf %add3A_1901, %gather3A_1914 : vector<16xf32>
      %min3A_1916 = arith.minimumf %min3A_1859, %add3A_1915 : vector<16xf32>
      %xor3A_1917 = arith.constant 8 : i32
      %xor3A_1918 = vector.broadcast %xor3A_1917 : i32 to vector<16xi32>
      %xor3A_1919 = arith.xori %iota3A, %xor3A_1918 : vector<16xi32>
      %lt3A_1920 = arith.constant 0 : i32
      %lt3A_1921 = vector.broadcast %lt3A_1920 : i32 to vector<16xi32>
      %lt3A_1922 = arith.cmpi slt, %xor3A_1919, %lt3A_1921 : vector<16xi32>
      %add3A_1923 = arith.constant 16 : i32
      %add3A_1924 = vector.broadcast %add3A_1923 : i32 to vector<16xi32>
      %add3A_1925 = arith.addi %xor3A_1919, %add3A_1924 : vector<16xi32>
      %select_n3A_1926 = arith.select %lt3A_1922, %add3A_1925, %xor3A_1919 : vector<16xi1>, vector<16xi32>
      %broadcast_in_dim3A_1927 = vector.shape_cast %select_n3A_1926 : vector<16xi32> to vector<16x1xi32>
      %gather3A_1928 = vector.shape_cast %broadcast_in_dim3A_1927 : vector<16x1xi32> to vector<16xi32>
      %gather3A_1929 = tpu.dynamic_gather %scan3A_1060#15[%gather3A_1928] in [0] : vector<16xf32>, vector<16xi32> -> vector<16xf32>
      %add3A_1930 = arith.addf %scan3A_1060#15, %gather3A_1929 : vector<16xf32>
      %xor3A_1931 = arith.constant 4 : i32
      %xor3A_1932 = vector.broadcast %xor3A_1931 : i32 to vector<16xi32>
      %xor3A_1933 = arith.xori %iota3A, %xor3A_1932 : vector<16xi32>
      %lt3A_1934 = arith.constant 0 : i32
      %lt3A_1935 = vector.broadcast %lt3A_1934 : i32 to vector<16xi32>
      %lt3A_1936 = arith.cmpi slt, %xor3A_1933, %lt3A_1935 : vector<16xi32>
      %add3A_1937 = arith.constant 16 : i32
      %add3A_1938 = vector.broadcast %add3A_1937 : i32 to vector<16xi32>
      %add3A_1939 = arith.addi %xor3A_1933, %add3A_1938 : vector<16xi32>
      %select_n3A_1940 = arith.select %lt3A_1936, %add3A_1939, %xor3A_1933 : vector<16xi1>, vector<16xi32>
      %broadcast_in_dim3A_1941 = vector.shape_cast %select_n3A_1940 : vector<16xi32> to vector<16x1xi32>
      %gather3A_1942 = vector.shape_cast %broadcast_in_dim3A_1941 : vector<16x1xi32> to vector<16xi32>
      %gather3A_1943 = tpu.dynamic_gather %add3A_1930[%gather3A_1942] in [0] : vector<16xf32>, vector<16xi32> -> vector<16xf32>
      %add3A_1944 = arith.addf %add3A_1930, %gather3A_1943 : vector<16xf32>
      %xor3A_1945 = arith.constant 2 : i32
      %xor3A_1946 = vector.broadcast %xor3A_1945 : i32 to vector<16xi32>
      %xor3A_1947 = arith.xori %iota3A, %xor3A_1946 : vector<16xi32>
      %lt3A_1948 = arith.constant 0 : i32
      %lt3A_1949 = vector.broadcast %lt3A_1948 : i32 to vector<16xi32>
      %lt3A_1950 = arith.cmpi slt, %xor3A_1947, %lt3A_1949 : vector<16xi32>
      %add3A_1951 = arith.constant 16 : i32
      %add3A_1952 = vector.broadcast %add3A_1951 : i32 to vector<16xi32>
      %add3A_1953 = arith.addi %xor3A_1947, %add3A_1952 : vector<16xi32>
      %select_n3A_1954 = arith.select %lt3A_1950, %add3A_1953, %xor3A_1947 : vector<16xi1>, vector<16xi32>
      %broadcast_in_dim3A_1955 = vector.shape_cast %select_n3A_1954 : vector<16xi32> to vector<16x1xi32>
      %gather3A_1956 = vector.shape_cast %broadcast_in_dim3A_1955 : vector<16x1xi32> to vector<16xi32>
      %gather3A_1957 = tpu.dynamic_gather %add3A_1944[%gather3A_1956] in [0] : vector<16xf32>, vector<16xi32> -> vector<16xf32>
      %add3A_1958 = arith.addf %add3A_1944, %gather3A_1957 : vector<16xf32>
      %xor3A_1959 = arith.constant 1 : i32
      %xor3A_1960 = vector.broadcast %xor3A_1959 : i32 to vector<16xi32>
      %xor3A_1961 = arith.xori %iota3A, %xor3A_1960 : vector<16xi32>
      %lt3A_1962 = arith.constant 0 : i32
      %lt3A_1963 = vector.broadcast %lt3A_1962 : i32 to vector<16xi32>
      %lt3A_1964 = arith.cmpi slt, %xor3A_1961, %lt3A_1963 : vector<16xi32>
      %add3A_1965 = arith.constant 16 : i32
      %add3A_1966 = vector.broadcast %add3A_1965 : i32 to vector<16xi32>
      %add3A_1967 = arith.addi %xor3A_1961, %add3A_1966 : vector<16xi32>
      %select_n3A_1968 = arith.select %lt3A_1964, %add3A_1967, %xor3A_1961 : vector<16xi1>, vector<16xi32>
      %broadcast_in_dim3A_1969 = vector.shape_cast %select_n3A_1968 : vector<16xi32> to vector<16x1xi32>
      %gather3A_1970 = vector.shape_cast %broadcast_in_dim3A_1969 : vector<16x1xi32> to vector<16xi32>
      %gather3A_1971 = tpu.dynamic_gather %add3A_1958[%gather3A_1970] in [0] : vector<16xf32>, vector<16xi32> -> vector<16xf32>
      %add3A_1972 = arith.addf %add3A_1958, %gather3A_1971 : vector<16xf32>
      %min3A_1973 = arith.minimumf %min3A_1916, %add3A_1972 : vector<16xf32>
      scf.yield %min3A_1973 : vector<16xf32>
    }
    %scan3A_22 = arith.constant 2 : i32
    %swap3A = arith.constant 0 : index
    %swap3A_23 = tpu.vector_load %arg7[%swap3A] {strides = array<i32>} : memref<16xf32, #tpu.memory_space<vmem>>, vector<16xf32>,
    %swap3A_24 = vector.shape_cast %swap3A_23 : vector<16xf32> to vector<16xf32>
    %swap3A_25 = vector.shape_cast %scan3A_21 : vector<16xf32> to vector<16xf32>
    tpu.vector_store %arg7[%swap3A], %swap3A_25 {strides = array<i32>} : memref<16xf32, #tpu.memory_space<vmem>>, vector<16xf32>,
    "tpu.region"() ({
      %run_scoped3A = tpu.sem_alloc : memref<!tpu.dma_semaphore, #tpu.memory_space<semaphore_mem>>
      %dma_start3A_26 = arith.constant 0 : i32
      %dma_start3A_27 = tpu.memref_slice %arg4[%add3A, %dma_start3A_26] : memref<32x16xf32, #tpu.memory_space<hbm>> -> memref<1x16xf32, #tpu.memory_space<hbm>>
      %dma_start3A_28 = tpu.memref_squeeze %dma_start3A_27 : memref<1x16xf32, #tpu.memory_space<hbm>> -> memref<16xf32, #tpu.memory_space<hbm>>
      %dma_start3A_29 = arith.constant 0 : i32
      %dma_start3A_30 = tpu.memref_slice %arg4[%add3A, %dma_start3A_29] : memref<32x16xf32, #tpu.memory_space<hbm>> -> memref<1x16xf32, #tpu.memory_space<hbm>>
      %dma_start3A_31 = tpu.memref_squeeze %dma_start3A_30 : memref<1x16xf32, #tpu.memory_space<hbm>> -> memref<16xf32, #tpu.memory_space<hbm>>
      tpu.enqueue_dma source(%arg7 : memref<16xf32, #tpu.memory_space<vmem>>) target(%dma_start3A_31 : memref<16xf32, #tpu.memory_space<hbm>>) target_semaphore(%run_scoped3A : memref<!tpu.dma_semaphore, #tpu.memory_space<semaphore_mem>>)
      %dma_wait3A = arith.constant 0 : i32
      %dma_wait3A_32 = tpu.memref_slice %arg4[%add3A, %dma_wait3A] : memref<32x16xf32, #tpu.memory_space<hbm>> -> memref<1x16xf32, #tpu.memory_space<hbm>>
      %dma_wait3A_33 = tpu.memref_squeeze %dma_wait3A_32 : memref<1x16xf32, #tpu.memory_space<hbm>> -> memref<16xf32, #tpu.memory_space<hbm>>
      %dma_wait3A_34 = arith.constant 0 : i32
      %dma_wait3A_35 = tpu.memref_slice %arg4[%add3A, %dma_wait3A_34] : memref<32x16xf32, #tpu.memory_space<hbm>> -> memref<1x16xf32, #tpu.memory_space<hbm>>
      %dma_wait3A_36 = tpu.memref_squeeze %dma_wait3A_35 : memref<1x16xf32, #tpu.memory_space<hbm>> -> memref<16xf32, #tpu.memory_space<hbm>>
      tpu.wait_dma2 semaphore(%run_scoped3A : memref<!tpu.dma_semaphore, #tpu.memory_space<semaphore_mem>>) src(%arg7 : memref<16xf32, #tpu.memory_space<vmem>>) dst(%dma_wait3A_36 : memref<16xf32, #tpu.memory_space<hbm>>)
      tpu.yield
    }) : () -> ()
    return
  }
}

module attributes {stable_mosaic.version = 14 : i64} {
  func.func @_lambda_(%arg0: memref<1x1024xf32, #tpu.memory_space<vmem>>, %arg1: memref<1x1024xf32, #tpu.memory_space<vmem>>, %arg2: memref<1x1024xf32, #tpu.memory_space<vmem>>, %arg3: memref<1024x2048xf32, #tpu.memory_space<vmem>>, %arg4: memref<1x2048xf32, #tpu.memory_space<vmem>>, %arg5: memref<1x2048xf32, #tpu.memory_space<vmem>>) attributes {dimension_semantics = [], scalar_prefetch = 0 : i64, scratch_operands = 0 : i64, tpu.core_type = #tpu.core_type<tc>} {
    %get3A = arith.constant 0 : index
    %get3A_0 = arith.constant 0 : index
    %get3A_1 = vector.load %arg0[%get3A, %get3A_0] : memref<1x1024xf32, #tpu.memory_space<vmem>>, vector<1x1024xf32>
    %get3A_2 = arith.constant 0 : index
    %get3A_3 = arith.constant 0 : index
    %get3A_4 = vector.load %arg1[%get3A_2, %get3A_3] : memref<1x1024xf32, #tpu.memory_space<vmem>>, vector<1x1024xf32>
    %get3A_5 = arith.constant 0 : index
    %get3A_6 = arith.constant 0 : index
    %get3A_7 = vector.load %arg2[%get3A_5, %get3A_6] : memref<1x1024xf32, #tpu.memory_space<vmem>>, vector<1x1024xf32>
    %sub3A = arith.subf %get3A_1, %get3A_4 : vector<1x1024xf32>
    %add3A = arith.constant 1.000000e-07 : f32
    %add3A_8 = vector.broadcast %add3A : f32 to vector<1x1024xf32>
    %add3A_9 = arith.addf %get3A_7, %add3A_8 : vector<1x1024xf32>
    %div3A = arith.divf %sub3A, %add3A_9 : vector<1x1024xf32>
    %eq3A = arith.constant 0.000000e+00 : f32
    %eq3A_10 = vector.broadcast %eq3A : f32 to vector<1x1024xf32>
    %eq3A_11 = arith.cmpf oeq, %get3A_7, %eq3A_10 : vector<1x1024xf32>
    %broadcast_in_dim3A = arith.constant 0.000000e+00 : f32
    %broadcast_in_dim3A_12 = vector.broadcast %broadcast_in_dim3A : f32 to vector<1x1024xf32>
    %select_n3A = arith.select %eq3A_11, %broadcast_in_dim3A_12, %div3A : vector<1x1024xi1>, vector<1x1024xf32>
    %get3A_13 = arith.constant 0 : index
    %get3A_14 = arith.constant 0 : index
    %get3A_15 = vector.load %arg3[%get3A_13, %get3A_14] : memref<1024x2048xf32, #tpu.memory_space<vmem>>, vector<1024x2048xf32>
    %dot_general3A = arith.constant dense<0.000000e+00> : vector<1x2048xf32>
    %dot_general3A_16 = tpu.matmul %select_n3A, %get3A_15, %dot_general3A {dimension_numbers = #tpu.dot_dimension_numbers<[1], [0], [0], [1], [0, 0, 1, 1], [], []>, transpose_lhs_hint = false} : vector<1x1024xf32>, vector<1024x2048xf32>, vector<1x2048xf32> -> vector<1x2048xf32>
    %get3A_17 = arith.constant 0 : index
    %get3A_18 = arith.constant 0 : index
    %get3A_19 = vector.load %arg4[%get3A_17, %get3A_18] : memref<1x2048xf32, #tpu.memory_space<vmem>>, vector<1x2048xf32>
    %add3A_20 = arith.addf %dot_general3A_16, %get3A_19 : vector<1x2048xf32>
    %reduce_max3A = arith.constant dense<0xFF800000> : vector<1xf32>
    %reduce_max3A_21 = vector.multi_reduction <maximumf>, %add3A_20, %reduce_max3A [1] : vector<1x2048xf32> to vector<1xf32>
    %broadcast_in_dim3A_22 = vector.shape_cast %reduce_max3A_21 : vector<1xf32> to vector<1x1xf32>
    %sub3A_23 = vector.broadcast %broadcast_in_dim3A_22 : vector<1x1xf32> to vector<1x2048xf32>
    %sub3A_24 = arith.subf %add3A_20, %sub3A_23 : vector<1x2048xf32>
    %exp3A = math.exp %sub3A_24 : vector<1x2048xf32>
    %reduce_sum3A = arith.constant dense<0.000000e+00> : vector<1xf32>
    %reduce_sum3A_25 = vector.multi_reduction <add>, %exp3A, %reduce_sum3A [1] : vector<1x2048xf32> to vector<1xf32>
    %broadcast_in_dim3A_26 = vector.shape_cast %reduce_sum3A_25 : vector<1xf32> to vector<1x1xf32>
    %log3A = math.log %broadcast_in_dim3A_26 : vector<1x1xf32>
    %sub3A_27 = vector.broadcast %log3A : vector<1x1xf32> to vector<1x2048xf32>
    %sub3A_28 = arith.subf %sub3A_24, %sub3A_27 : vector<1x2048xf32>
    %swap3A = arith.constant 0 : index
    %swap3A_29 = arith.constant 0 : index
    %swap3A_30 = vector.load %arg5[%swap3A, %swap3A_29] : memref<1x2048xf32, #tpu.memory_space<vmem>>, vector<1x2048xf32>
    tpu.vector_store %arg5[%swap3A, %swap3A_29], %sub3A_28 {strides = array<i32>} : memref<1x2048xf32, #tpu.memory_space<vmem>>, vector<1x2048xf32>,
    return
  }
}

module attributes {stable_mosaic.version = 14 : i64} {
  func.func @_tc_scan_only(%arg0: i32, %arg1: memref<1x2048xf32, #tpu.memory_space<vmem>>, %arg2: memref<1024x2048xf32, #tpu.memory_space<vmem>>, %arg3: memref<1x1xf32, #tpu.memory_space<smem>>, %arg4: memref<1x1xf32, #tpu.memory_space<smem>>) attributes {dimension_semantics = [#tpu.dimension_semantics<arbitrary>], iteration_bounds = array<i64: 14>, scalar_prefetch = 0 : i64, scratch_operands = 1 : i64, tpu.core_type = #tpu.core_type<tc>, window_params = [{pipeline_mode = #tpu.pipeline_mode<synchronous>, transform_indices = @transform_0, window_bounds = array<i64: 1, 2048>}, {transform_indices = @transform_1, window_bounds = array<i64: 1024, 2048>}, {transform_indices = @transform_2, window_bounds = array<i64: 1, 1>}]} {
    %eq3A = arith.constant 0 : i32
    %eq3A_0 = arith.cmpi eq, %arg0, %eq3A : i32
    %convert_element_type3A = arith.extui %eq3A_0 : i1 to i32
    %cond3A = arith.constant 0 : i32
    %cond3A_1 = arith.cmpi ne, %convert_element_type3A, %cond3A : i32
    scf.if %cond3A_1 {
      %swap3A_23 = arith.constant 0x7F800000 : f32
      %swap3A_24 = arith.constant 0 : index
      %swap3A_25 = arith.constant 0 : index
      %swap3A_26 = memref.load %arg4[%swap3A_24, %swap3A_25] : memref<1x1xf32, #tpu.memory_space<smem>>
      memref.store %swap3A_23, %arg4[%swap3A_24, %swap3A_25] : memref<1x1xf32, #tpu.memory_space<smem>>
    } else {
    }
    %get3A = arith.constant 0 : index
    %get3A_2 = arith.constant 0 : index
    %get3A_3 = vector.load %arg2[%get3A, %get3A_2] : memref<1024x2048xf32, #tpu.memory_space<vmem>>, vector<1024x2048xf32>
    %get3A_4 = arith.constant 0 : index
    %get3A_5 = arith.constant 0 : index
    %get3A_6 = vector.load %arg1[%get3A_4, %get3A_5] : memref<1x2048xf32, #tpu.memory_space<vmem>>, vector<1x2048xf32>
    %sub3A = vector.broadcast %get3A_6 : vector<1x2048xf32> to vector<1024x2048xf32>
    %sub3A_7 = arith.subf %get3A_3, %sub3A : vector<1024x2048xf32>
    %abs3A = math.absf %sub3A_7 : vector<1024x2048xf32>
    %reduce_sum3A = arith.constant dense<0.000000e+00> : vector<1024xf32>
    %reduce_sum3A_8 = vector.multi_reduction <add>, %abs3A, %reduce_sum3A [1] : vector<1024x2048xf32> to vector<1024xf32>
    %get3A_9 = arith.constant 0 : index
    %get3A_10 = arith.constant 0 : index
    %get3A_11 = memref.load %arg4[%get3A_9, %get3A_10] : memref<1x1xf32, #tpu.memory_space<smem>>
    %reduce_min3A = vector.shape_cast %reduce_sum3A_8 : vector<1024xf32> to vector<1x1024xf32>
    %reduce_min3A_12 = arith.constant dense<0x7F800000> : vector<1xf32>
    %reduce_min3A_13 = vector.multi_reduction <minimumf>, %reduce_min3A, %reduce_min3A_12 [1] : vector<1x1024xf32> to vector<1xf32>
    %reduce_min3A_14 = vector.shape_cast %reduce_min3A_13 : vector<1xf32> to vector<1x1xf32>
    %reduce_min3A_15 = vector.extract %reduce_min3A_14[0, 0] : f32 from vector<1x1xf32>
    %min3A = arith.minimumf %get3A_11, %reduce_min3A_15 : f32
    %swap3A = arith.constant 0 : index
    %swap3A_16 = arith.constant 0 : index
    %swap3A_17 = memref.load %arg4[%swap3A, %swap3A_16] : memref<1x1xf32, #tpu.memory_space<smem>>
    memref.store %min3A, %arg4[%swap3A, %swap3A_16] : memref<1x1xf32, #tpu.memory_space<smem>>
    %eq3A_18 = arith.constant 13 : i32
    %eq3A_19 = arith.cmpi eq, %arg0, %eq3A_18 : i32
    %convert_element_type3A_20 = arith.extui %eq3A_19 : i1 to i32
    %cond3A_21 = arith.constant 0 : i32
    %cond3A_22 = arith.cmpi ne, %convert_element_type3A_20, %cond3A_21 : i32
    scf.if %cond3A_22 {
      %get3A_23 = arith.constant 0 : index
      %get3A_24 = arith.constant 0 : index
      %get3A_25 = memref.load %arg4[%get3A_23, %get3A_24] : memref<1x1xf32, #tpu.memory_space<smem>>
      %swap3A_26 = arith.constant 0 : index
      %swap3A_27 = arith.constant 0 : index
      %swap3A_28 = memref.load %arg3[%swap3A_26, %swap3A_27] : memref<1x1xf32, #tpu.memory_space<smem>>
      memref.store %get3A_25, %arg3[%swap3A_26, %swap3A_27] : memref<1x1xf32, #tpu.memory_space<smem>>
    } else {
    }
    return
  }
  func.func @transform_0(%arg0: i32) -> (i32, i32) {
    %c0_i32 = arith.constant 0 : i32
    %c0_i32_0 = arith.constant 0 : i32
    %c0_i32_1 = arith.constant 0 : i32
    return %c0_i32, %c0_i32_0 : i32, i32
  }
  func.func @transform_1(%arg0: i32) -> (i32, i32) {
    %c0_i32 = arith.constant 0 : i32
    %c0_i32_0 = arith.constant 0 : i32
    return %arg0, %c0_i32 : i32, i32
  }
  func.func @transform_2(%arg0: i32) -> (i32, i32) {
    %c0_i32 = arith.constant 0 : i32
    %c0_i32_0 = arith.constant 0 : i32
    %c0_i32_1 = arith.constant 0 : i32
    return %c0_i32, %c0_i32_0 : i32, i32
  }
}

</mosaic_0001>

<sc_bundles>
// kernel: kernel.5.cloned.1.call-start
scs
__scs_entry_jumppad:
0x0: {  	(pc) =	sbr.rel $0x88, $3  }
0x1: {  	(tag) =	ssettag $0x0;
	lr =	simm.s32 $0x1  }
0x2: {  	[smem:$0x3F9B] =	sst lr;
	_ =	strace $0xD0000000  }
0x3: {  	_ = 	snop  }
0x4: {  	_ = 	snop  }
0x5: {  	_ = 	snop  }
0x6: {  	_ = 	snop  }
0x7: {  	_ = 	snop  }
__scs_overlays_trampoline_lowered:
0x8: {  	[smem:$0x3FAA] =	sst s0  }
0x9: {  	[smem:$0x3FAB] =	sst s1  }
0xa: {  	[smem:$0x3FAC] =	sst s2  }
0xb: {  	[smem:$0x3FAD] =	sst s3  }
0xc: {  	[smem:$0x3FAE] =	sst s4  }
0xd: {  	[smem:$0x3FAF] =	sst s5  }
0xe: {  	[smem:$0x3FB0] =	sst s6  }
0xf: {  	[smem:$0x3FB1] =	sst s7  }
0x10: {  	[smem:$0x3FB2] =	sst s8  }
0x11: {  	[smem:$0x3FB3] =	sst s9;
	s0 =	simm.s32 @!p0 $0x0  }
0x12: {  	s1 =	sld [smem:$0x3F99];
	s0 =	simm.s32 @p0 $0x1  }
0x13: {  	[smem:$0x3FB4] =	sst s0;
	s0 =	simm.s32 @!p1 $0x0  }
0x14: {  	s2 =	sld [smem:$0x3F98];
	s0 =	simm.s32 @p1 $0x1  }
0x15: {  	[smem:$0x3FB5] =	sst s0;
	s0 =	simm.s32 @!p2 $0x0  }
0x16: {  	s3 =	sld [smem:$0x3FDB];
	s0 =	simm.s32 @p2 $0x1  }
0x17: {  	s4 =	simm.s32 $0x1BF5;
	[smem:$0x3FB7] =	sst s0  }
0x18: {  	s0 =	sld [smem:$0x3F9A];
	_ =	swait.ge [sflag:s4], $0x0  }
0x19: {  	s7 =	sld [smem:$0x3F9B]  }
0x1a: {  	s8 =	sadd.s32 $0xFFFFE003, lr  }
0x1b: {  	s9 =	sadd.s32 $0xFFFFFEF7, lr;
	s5 =	simm.s32 $0xFFFFFFFF;
	p2 =	slt.u32 s8, $0xFFFFF086  }
0x1c: {  	p1 =	slt.u32 s9, $0xF7A;
	s5 =	simm.s32 @!p2 $0x0  }
0x1d: {  	s5 =	simm.s32 @p1 $0x1;
	p0 =	seq.s32 s7, s2  }
0x1e: {  	s7 =	smul.u32 @!p0 $0xF7A, s2;
	p2 =	seq.s32 @!p0 s5, $0x0  }
0x1f: {  	s9 =	smul.u32 $0xF7A, s1;
	s8 =	simm.s32 @!p0 $0x1BF5;
	p2 =	por !p2, p0  }
0x20: {  	[sflag:s8] =	ssyncset.s32 @!p0 $0xFFFFF086;
	s6 =	sadd.s32 @!p0 s3, s7;
	s7 =	simm.s32 @!p0 $0x108  }
0x21: {  	s3 =	sadd.s32 s3, s9;
	s6 =	sadd.s32 @!p0 $0x88, s6;
	s7 =	simm.s32 @p2 $0x1082  }
0x22: {  	[simem:s7], [sflag:s8] =	dma.local @!p0 [hbm:s6], $0xF7A  }
0x23: {  	s9 =	sor.u32 $0xD0000000, s2;
	s6 =	simm.s32 $0x108;
	_ =	swait.ge @!p0 [sflag:s8], $0x0  }
0x24: {  	s3 =	sadd.s32 $0x88, s3;
	s6 =	simm.s32 @!p1 $0x1082;
	[sflag:s4] =	ssyncset.s32 $0xFFFFF086  }
0x25: {  	[simem:s6], [sflag:s4] =	dma.local [hbm:s3], $0xF7A  }
0x26: {  	[smem:$0x3F9B] =	sst s1;
	(tag) =	ssettag s2;
	_ =	strace s9  }
0x27: {  	s1 =	sld [smem:$0x3FAB]  }
0x28: {  	s2 =	sld [smem:$0x3FAC]  }
0x29: {  	s4 =	sld [smem:$0x3FAE]  }
0x2a: {  	p0 =	seq.s32 s5, $0x0;
	s5 =	sld [smem:$0x3FAF]  }
0x2b: {  	s6 =	sld [smem:$0x3FB0]  }
0x2c: {  	s7 =	sld [smem:$0x3FB1]  }
0x2d: {  	s3 =	simm.s32 $0x108;
	s8 =	sld [smem:$0x3FB2]  }
0x2e: {  	s3 =	simm.s32 @!p0 $0x1082;
	s9 =	sld [smem:$0x3FB3]  }
0x2f: {  	lr =	sadd.s32 s0, s3;
	s0 =	sld [smem:$0x3FAA]  }
0x30: {  	s3 =	sld [smem:$0x3FAD]  }
0x31: {  	[smem:$0x3FB6] =	sst s10  }
0x32: {  	s10 =	sld [smem:$0x3FB4];
	_ =	sdelay $0x3  }
0x33: {  	p0 =	seq.s32 s10, $0x1;
	s10 =	sld [smem:$0x3FB6];
	_ =	sdelay $0x3  }
0x34: {  	[smem:$0x3FB6] =	sst s10  }
0x35: {  	s10 =	sld [smem:$0x3FB5];
	_ =	sdelay $0x3  }
0x36: {  	p1 =	seq.s32 s10, $0x1;
	s10 =	sld [smem:$0x3FB6];
	_ =	sdelay $0x3  }
0x37: {  	[smem:$0x3FB6] =	sst s10  }
0x38: {  	s10 =	sld [smem:$0x3FB7]  }
0x39: {  	_ = 	snop;
	(pc) =	sbr.ind lr, $3  }
0x3a: {  	_ = 	snop  }
0x3b: {  	_ = 	snop  }
0x3c: {  	p2 =	seq.s32 s10, $0x1;
	s10 =	sld [smem:$0x3FB6]  }
0x3d: {  	_ =	shalt  }
0x3e: {  	_ =	shalt  }
0x3f: {  	_ =	shalt  }
0x40: {  	_ =	shalt  }
0x41: {  	_ =	shalt  }
0x42: {  	_ =	shalt  }
0x43: {  	_ =	shalt  }
0x44: {  	_ =	shalt  }
0x45: {  	_ =	shalt  }
0x46: {  	_ =	shalt  }
0x47: {  	_ =	shalt  }
0x48: {  	_ =	shalt  }
0x49: {  	_ =	shalt  }
0x4a: {  	_ =	shalt  }
0x4b: {  	_ =	shalt  }
0x4c: {  	_ =	shalt  }
0x4d: {  	_ =	shalt  }
0x4e: {  	_ =	shalt  }
0x4f: {  	_ =	shalt  }
0x50: {  	_ =	shalt  }
0x51: {  	_ =	shalt  }
0x52: {  	_ =	shalt  }
0x53: {  	_ =	shalt  }
0x54: {  	_ =	shalt  }
0x55: {  	_ =	shalt  }
0x56: {  	_ =	shalt  }
0x57: {  	_ =	shalt  }
0x58: {  	_ =	shalt  }
0x59: {  	_ =	shalt  }
0x5a: {  	_ =	shalt  }
0x5b: {  	_ =	shalt  }
0x5c: {  	_ =	shalt  }
0x5d: {  	_ =	shalt  }
0x5e: {  	_ =	shalt  }
0x5f: {  	_ =	shalt  }
0x60: {  	_ =	shalt  }
0x61: {  	_ =	shalt  }
0x62: {  	_ =	shalt  }
0x63: {  	_ =	shalt  }
0x64: {  	_ =	shalt  }
0x65: {  	_ =	shalt  }
0x66: {  	_ =	shalt  }
0x67: {  	_ =	shalt  }
0x68: {  	_ =	shalt  }
0x69: {  	_ =	shalt  }
0x6a: {  	_ =	shalt  }
0x6b: {  	_ =	shalt  }
0x6c: {  	_ =	shalt  }
0x6d: {  	_ =	shalt  }
0x6e: {  	_ =	shalt  }
0x6f: {  	_ =	shalt  }
0x70: {  	_ =	shalt  }
0x71: {  	_ =	shalt  }
0x72: {  	_ =	shalt  }
0x73: {  	_ =	shalt  }
0x74: {  	_ =	shalt  }
0x75: {  	_ =	shalt  }
0x76: {  	_ =	shalt  }
0x77: {  	_ =	shalt  }
0x78: {  	_ =	shalt  }
0x79: {  	_ =	shalt  }
0x7a: {  	_ =	shalt  }
0x7b: {  	_ =	shalt  }
0x7c: {  	_ =	shalt  }
0x7d: {  	_ =	shalt  }
0x7e: {  	_ =	shalt  }
0x7f: {  	_ =	shalt  }
0x80: {  	_ =	shalt  }
0x81: {  	_ =	shalt  }
0x82: {  	_ =	shalt  }
0x83: {  	_ =	shalt  }
0x84: {  	_ =	shalt  }
0x85: {  	_ =	shalt  }
0x86: {  	_ =	shalt  }
0x87: {  	_ =	shalt  }
.Lfunc_end0:
.L_simem_size_0:
called_computation_lowered:
.L_overlay_start_0:
0x88: {  	s2 =	sld [smem:$0x3FD9]  }
0x89: {  	s3 =	sld [smem:$0x3FFE];
	_ =	sdelay $0x1  }
0x8a: {  	s1 =	srdreg.scid  }
0x8b: {  	s0 =	sand.u32 $0x1, s1  }
0x8c: {  	s17 =	sshll.u32 s0, $0xA;
	s2 =	sadd.s32 s3, s2  }
0x8d: {  	s2 =	sadd.s32 s2, s17  }
0x8e: {  	[smem:$0x3FC2] =	sst s2  }
0x8f: {  	_ = 	snop  }
0x90: {  	s2 =	sld [smem:$0x3FC6];
	(tm) =	ssettm $0x1  }
0x91: {  	s18 =	sld [smem:$0x3FFB];
	_ =	sdelay $0x3  }
0x92: {  	_ =	strace s18  }
0x93: {  	s3 =	sld [smem:$0x3FFC];
	_ =	sdelay $0x3  }
0x94: {  	_ =	strace s3  }
0x95: {  	s3 =	sld [smem:$0x3FFD];
	_ =	sdelay $0x3  }
0x96: {  	_ =	strace s3  }
0x97: {  	_ =	strace $0x8FFFFFFF  }
0x98: {  	s19 =	sld [smem:$0x3FDB];
	_ =	sdelay $0x1  }
0x99: {  	s4 =	simm.s32 $_scs_section_size  }
0x9a: {  	s5 =	simm.s32 $_size__tile_overlayer_lowered;
	s6 =	simm.s32 $_tile_overlayer_lowered  }
0x9b: {  	s22 =	simm.s32 $0x1BFF;
	s21 =	sshll.u32 s6, $0x1;
	s3 =	sadd.s32 s4, s19  }
0x9c: {  	s7 =	simm.s32 $0x0;
	s20 =	sshll.u32 s5, $0x1;
	s5 =	sadd.s32 s21, s3  }
0x9d: {  	[timem:s7], [sflag:s22] =	dma.local [hbm:s5], s20  }
0x9e: {  	_ =	swait.ge [sflag:s22], s20  }
0x9f: {  	s4 =	ssub.s32 $0x0, s20;
	[sflag:s22] =	ssyncset.done $0x0  }
0xa0: {  	[sflag:s22] =	ssyncadd.s32 s4;
	_ =	sdelay $0x1  }
0xa1: {  	s23 =	simm.s32 $0x1B8B  }
0xa2: {  	_ =	swait.ge [sflag:s23], $0x1  }
0xa3: {  	[sflag:s23] =	ssyncset.done $0x0  }
0xa4: {  	s25 =	simm.s32 $0x1B8E;
	s24 =	sld [smem:$0x3FFE];
	[sflag:s23] =	ssyncadd.s32 $0xFFFFFFFF  }
0xa5: {  	s26 =	simm.s32 $execute0_lowered;
	[smem:$0x3FD2] =	sst s25  }
0xa6: {  	s5 =	sshll.u32 s26, $0x1;
	_ =	strace $0x80000046;
	[dreg:$0x1] =	wrdreg $0xFFFFFFFF  }
0xa7: {  	s28 =	simm.s32 $_size_execute0_lowered;
	s3 =	sadd.s32 s3, s5;
	[dreg:$0x0] =	wrdreg $0x0  }
0xa8: {  	s5 =	sshll.u32 s28, $0x1;
	[dreg:$0x2] =	wrdreg s3  }
0xa9: {  	[dreg:$0x3] =	wrdreg s5  }
0xaa: {  	[dreg:$0x4] =	wrdreg $0xC0  }
0xab: {  	_ =	task [dreg:s7], $0x5FFFF  }
0xac: {  	[dreg:$0x1] =	wrdreg $0xFFFFFFFF  }
0xad: {  	[dreg:$0x0] =	wrdreg $0x60  }
0xae: {  	[dreg:$0x2] =	wrdreg s2  }
0xaf: {  	[dreg:$0x3] =	wrdreg s24  }
0xb0: {  	[dreg:$0x4] =	wrdreg $0x9  }
0xb1: {  	_ =	task.clear_ibuf [dreg:s7], $0x5FFFF;
	_ =	strace $0x90000046  }
0xb2: {  	s29 =	simm.s32 $0x9;
	_ =	strace $0x80000048  }
0xb3: {  	_ =	swait.ge [sflag:s29], $0x1  }
0xb4: {  	[sflag:s29] =	ssyncadd.s32 $0xFFFFFFFF  }
0xb5: {  	_ =	strace $0x90000048  }
0xb6: {  	_ =	sfence  }
0xb7: {  	s30 =	sld [smem:$0x0];
	_ =	sdelay $0x2  }
0xb8: {  	s31 =	sshll.u32 s1, $0xD;
	s1 =	sshrl.u32 s1, $0x2  }
0xb9: {  	s3 =	sand.u32 $0x4000, s31;
	s1 =	sadd.s32 s1, s30  }
0xba: {  	s0 =	sor.u32 s3, s0;
	s1 =	sshll.u32 s1, $0x11  }
0xbb: {  	s0 =	sor.u32 s1, s0  }
0xbc: {  	s0 =	sadd.s32 $0x8F2B, s0  }
0xbd: {  	[sflag:s0] =	ssyncadd.remote.s32 $0x1  }
0xbe: {  	_ =	sfence.sel $0xFFFF  }
0xbf: {  	[dreg:$0x0] =	wrdreg $0xFFFFFFFF;
	(pc) =	sbr.abs _section_cstart, $3  }
0xc0: {  	[dreg:$0x1] =	wrdreg $0xFFFFFFFF  }
0xc1: {  	_ =	task.clear_ibuf [dreg:s7], $0x2FFFF;
	_ =	strace $0x9FFFFFFF  }
0xc2: {  	(tm) =	ssettm $0x7FFFFFFF  }
0xc3: {  	_ =	shalt  }
tec
execute0_lowered:
.L_overlay_start_1:
0x0: {  	(tag) =	ssettag $0x1  }
0x1: {  	v0 =	vimm.s32 $0xFEDCBA98;
	s4 =	rddreg [dreg:$0x0];
	v1 =	vimm.s32 $0x76543210  }
0x2: {  	s5 =	rddreg [dreg:$0x1];
	v2 =	vimm.s32 $0xBA98FEDC;
	v3 =	vimm.s32 $0x32107654;
	v4 =	vimm.s32 $0xDCFE98BA  }
0x3: {  	s1 =	simm.s32 $0x0;
	s0 =	rddreg [dreg:$0x2];
	v5 =	vimm.s32 $0x54761032;
	v6 =	vimm.s32 $0xEFCDAB89;
	v7 =	vimm.s32 $0x67452301  }
0x4: {  	s3 =	srdreg.scid;
	s2 =	stileid.u32;
	s10 =	simm.s32 $0x800;
	v0 =	vunpack.c.l.s4.s8 v0;
	v1 =	vunpack.c.l.s4.s8 v1;
	v2 =	vunpack.c.l.s4.s8 v2  }
0x5: {  	s11 =	simm.s32 $0x8800;
	s12 =	simm.s32 $0x1;
	s13 =	simm.s32 $0x2;
	v3 =	vunpack.c.l.s4.s8 v3;
	v4 =	vunpack.c.l.s4.s8 v4;
	v5 =	vunpack.c.l.s4.s8 v5  }
0x6: {  	s14 =	simm.s32 $0x10800;
	s15 =	simm.s32 $0x0;
	[smem:$0x7FF] =	sst s1;
	v6 =	vunpack.c.l.s4.s8 v6;
	v7 =	vunpack.c.l.s4.s8 v7;
	v0 =	vunpack.c.0.s8.s32 v0  }
0x7: {  	s6 =	sand.u32 $0x1, s3;
	s7 =	sshll.u32 s2, $0x1;
	s3 =	sadd.s32 $0xE00, s5;
	v2 =	vunpack.c.0.s8.s32 v2;
	v3 =	vunpack.c.0.s8.s32 v3;
	v4 =	vunpack.c.0.s8.s32 v4  }
0x8: {  	_ =	strace $0x80000047;
	s7 =	sor.u32 s6, s7;
	s6 =	ssub.s32 $0x2, s6;
	v5 =	vunpack.c.0.s8.s32 v5;
	v6 =	vunpack.c.0.s8.s32 v6;
	v7 =	vunpack.c.0.s8.s32 v7  }
0x9: {  	s8 =	sshll.u32 s7, $0x4;
	s9 =	sshrl.u32 s6, $0x1;
	s7 =	sshll.u32 s7, $0xE;
	v1 =	vunpack.c.0.s8.s32 v1;
	v2 =	vcombine.low v3, v2  }
0xa: {  	s8 =	sadd.s32 s8, s5;
	s9 =	ssub.s32 s6, s9;
	s31 =	sadd.s32 s7, s4;
	v3 =	vcombine.low v5, v4;
	v4 =	vcombine.low v7, v6;
	v0 =	vand.u32 $0xF, v0  }
0xb: {  	s4 =	sadd.s32 $0x380000, s31;
	s5 =	sadd.s32 $0x381000, s31;
	s6 =	sadd.s32 $0x382000, s31;
	v0 =	vcombine.low v0, v1  }
0xc: {  	s7 =	sadd.s32 $0x1000, s8;
	s8 =	smax.u32 s9, $0x1;
	s9 =	simm.s32 $0x3;
	v1 =	vand.u32 $0xF, v2;
	v2 =	vand.u32 $0xF, v3;
	v3 =	vand.u32 $0xF, v4  }
.LBB2_1:
0xd: {  	[tilespmem:s1], [sflag:$0x3] =	stream.linear.gather [hbm4b:s3+s1], $0x800, $0x38;
	[tilespmem:$0x10880] =	vst v63  }
0xe: {  	_ =	swait.ge [sflag:s9], $0x800  }
0xf: {  	[sflag:s9] =	ssyncset.done $0x0  }
0x10: {  	p1 =	por $0x1, $0x1;
	s16 =	simm.s32 $0x0;
	[sflag:s9] =	ssyncadd.s32 $0xFFFFF800  }
0x11: {  	v4 =	vimm.f32 $+Inf;
	[tilespmem:s10], [sflag:$0x1] =	stream.linear.gather [hbm4b:s4+s1], $0x8000, $0x38;
	[tilespmem:$0x10880] =	vst v63  }
.LBB2_2:
0x12: {  	s17 =	sadd.s32 s16, s5;
	s16 =	simm.s32 $0x0  }
0x13: {  	[tilespmem:s11], [sflag:$0x2] =	stream.linear.gather [hbm4b:s17+s16], $0x8000, $0x38;
	[tilespmem:$0x10880] =	vst v63  }
0x14: {  	s30 =	sand.u32 $0x7, s16;
	_ =	swait.ge [sflag:s12], $0x8000  }
0x15: {  	s17 =	sshll.u32 s30, $0x4;
	[sflag:s12] =	ssyncset.done $0x0  }
0x16: {  	s17 =	sadd.s32 $0x0, s17;
	[sflag:s12] =	ssyncadd.s32 $0xFFFF8000  }
0x17: {  	s18 =	sand.u32 $0x70, s16;
	s19 =	sand.u32 $0x3C00, s16;
	s20 =	sor.u32 $0x380, s17;
	v11 =	vld [tilespmem:s16+$0x0]  }
0x18: {  	s17 =	sor.u32 s18, s19;
	v5 =	vld [tilespmem:s20+$0x800]  }
0x19: {  	v6 =	vld [tilespmem:s17+$0x800]  }
0x1a: {  	v7 =	vld [tilespmem:s17+$0x880]  }
0x1b: {  	v8 =	vld [tilespmem:s17+$0x900]  }
0x1c: {  	v16 =	vld [tilespmem:s17+$0xB00]  }
0x1d: {  	v18 =	vld [tilespmem:s17+$0x4800]  }
0x1e: {  	v13 =	vld [tilespmem:s17+$0x980]  }
0x1f: {  	v12 =	vimm.f32 $0.0e+00;
	v21 =	vimm.f32 $0.0e+00;
	v14 =	vld [tilespmem:s17+$0xA00]  }
0x20: {  	v20 =	vimm.f32 $0.0e+00;
	v15 =	vld [tilespmem:s17+$0xA80];
	v5 =	vsub.f32 v5, v11;
	v6 =	vsub.f32 v6, v11  }
0x21: {  	v19 =	vimm.f32 $0.0e+00;
	v7 =	vsub.f32 v7, v11;
	v17 =	vsub.f32 v8, v11  }
0x22: {  	v28 =	vsub.f32 v16, v11;
	v27 =	vsub.f32 v18, v11;
	v5 =	vand.u32 $0x7FFFFFFF, v5  }
0x23: {  	v18 =	vimm.f32 $0.0e+00;
	v6 =	vand.u32 $0x7FFFFFFF, v6;
	v9 =	vadd.f32 v5, v12  }
0x24: {  	v16 =	vimm.f32 $0.0e+00;
	v10 =	vadd.f32 v6, v12;
	v6 =	vsub.f32 v13, v11  }
0x25: {  	v26 =	vld [tilespmem:s17+$0x4880];
	v5 =	vand.u32 $0x7FFFFFFF, v7;
	v7 =	vsub.f32 v14, v11;
	v13 =	vsub.f32 v15, v11  }
0x26: {  	v24 =	vld [tilespmem:s17+$0x4900];
	v15 =	vimm.f32 $0.0e+00;
	v8 =	vadd.f32 v5, v12;
	v5 =	vand.u32 $0x7FFFFFFF, v17  }
0x27: {  	s31 =	simm.s32 $0x10;
	v22 =	vld [tilespmem:s17+$0x4980];
	v14 =	vimm.f32 $0.0e+00;
	v17 =	vimm.f32 $0.0e+00;
	v5 =	vadd.f32 v5, v12  }
0x28: {  	p0 =	por p1, p1;
	s21 =	sand.u32 $0x70, s31;
	s18 =	simm.s32 $0x1;
	v23 =	vld [tilespmem:s17+$0x4A00];
	v6 =	vand.u32 $0x7FFFFFFF, v6;
	v7 =	vand.u32 $0x7FFFFFFF, v7;
	v29 =	vand.u32 $0x7FFFFFFF, v13  }
0x29: {  	s19 =	simm.s32 $0x0;
	s22 =	sand.u32 $0x7, s18;
	s20 =	simm.s32 $0x20;
	v25 =	vld [tilespmem:s17+$0x4A80];
	v13 =	vimm.f32 $0.0e+00;
	v6 =	vadd.f32 v6, v12;
	v7 =	vadd.f32 v7, v12  }
.LBB2_3:
0x2a: {  	p1 =	sne.s32 s20, $0x7F0;
	s22 =	sshll.u32 s22, $0x4;
	v12 =	vadd.f32 v29, v12;
	v28 =	vand.u32 $0x7FFFFFFF, v28;
	v26 =	vsub.f32 v26, v11;
	v29 =	vld [tilespmem:s17+$0x4B00];
	s16 =	sadd.s32 $0x80, s16  }
0x2b: {  	s19 =	sadd.s32 $0x10, s19;
	s22 =	sadd.s32 s22, s16;
	s23 =	sand.u32 $0x3C00, s16;
	v21 =	vadd.f32 v28, v21;
	v27 =	vand.u32 $0x7FFFFFFF, v27;
	v24 =	vsub.f32 v24, v11;
	v28 =	vld [tilespmem:s17+$0x4B80]  }
0x2c: {  	v30 =	vld [tilespmem:s19+$0x0];
	s17 =	sor.u32 s21, s23;
	s21 =	sor.u32 $0x380, s22;
	v20 =	vadd.f32 v27, v20;
	v26 =	vand.u32 $0x7FFFFFFF, v26;
	v22 =	vsub.f32 v22, v11  }
0x2d: {  	v27 =	vld [tilespmem:s21+$0x800];
	v18 =	vadd.f32 v26, v18;
	v24 =	vand.u32 $0x7FFFFFFF, v24;
	v23 =	vsub.f32 v23, v11  }
0x2e: {  	v26 =	vld [tilespmem:s17+$0x800];
	v19 =	vadd.f32 v24, v19;
	v22 =	vand.u32 $0x7FFFFFFF, v22;
	v24 =	vsub.f32 v25, v11  }
0x2f: {  	v25 =	vld [tilespmem:s17+$0x880];
	v17 =	vadd.f32 v22, v17;
	v22 =	vand.u32 $0x7FFFFFFF, v23;
	v23 =	vsub.f32 v29, v11  }
0x30: {  	v29 =	vld [tilespmem:s17+$0x900];
	v15 =	vadd.f32 v22, v15;
	v22 =	vand.u32 $0x7FFFFFFF, v24;
	v24 =	vsub.f32 v28, v11  }
0x31: {  	v28 =	vld [tilespmem:s17+$0x980];
	v16 =	vadd.f32 v22, v16;
	v22 =	vand.u32 $0x7FFFFFFF, v23;
	v11 =	vmov v30  }
0x32: {  	v23 =	vld [tilespmem:s17+$0xA00];
	v27 =	vsub.f32 v27, v11;
	v14 =	vadd.f32 v22, v14;
	v22 =	vand.u32 $0x7FFFFFFF, v24  }
0x33: {  	v24 =	vsub.f32 v26, v11;
	v30 =	vld [tilespmem:s17+$0xA80];
	v13 =	vadd.f32 v22, v13  }
0x34: {  	v22 =	vsub.f32 v25, v11;
	v25 =	vld [tilespmem:s17+$0xB00];
	v26 =	vand.u32 $0x7FFFFFFF, v27  }
0x35: {  	v24 =	vand.u32 $0x7FFFFFFF, v24;
	v27 =	vsub.f32 v29, v11;
	v9 =	vadd.f32 v26, v9;
	v31 =	vld [tilespmem:s17+$0x4800]  }
.Ltmp0:
0x36: {  	v10 =	vadd.f32 v24, v10;
	v22 =	vand.u32 $0x7FFFFFFF, v22;
	v28 =	vsub.f32 v28, v11;
	v26 =	vld [tilespmem:s17+$0x4880];
	(pc) =	sbr.rel @p1 .LBB2_3-.Ltmp0, $4  }
0x37: {  	v8 =	vadd.f32 v22, v8;
	v22 =	vand.u32 $0x7FFFFFFF, v27;
	v23 =	vsub.f32 v23, v11;
	v24 =	vld [tilespmem:s17+$0x4900]  }
0x38: {  	v5 =	vadd.f32 v22, v5;
	v27 =	vand.u32 $0x7FFFFFFF, v28;
	v29 =	vsub.f32 v30, v11;
	v22 =	vld [tilespmem:s17+$0x4980]  }
0x39: {  	s18 =	sadd.s32 $0x1, s18;
	v6 =	vadd.f32 v27, v6;
	v27 =	vand.u32 $0x7FFFFFFF, v23;
	v28 =	vsub.f32 v25, v11;
	v23 =	vld [tilespmem:s17+$0x4A00]  }
0x3a: {  	s22 =	sand.u32 $0x7, s18;
	s21 =	sand.u32 $0x70, s20;
	s20 =	sadd.s32 $0x10, s20;
	v7 =	vadd.f32 v27, v7;
	v29 =	vand.u32 $0x7FFFFFFF, v29;
	v27 =	vsub.f32 v31, v11;
	v25 =	vld [tilespmem:s17+$0x4A80]  }
0x3b: {  	s18 =	sshll.u32 s22, $0x4;
	v30 =	vld [tilespmem:s17+$0x4B00];
	s16 =	sadd.s32 $0x80, s16  }
0x3c: {  	v12 =	vadd.f32 v29, v12;
	v28 =	vand.u32 $0x7FFFFFFF, v28;
	v26 =	vsub.f32 v26, v11;
	v29 =	vld [tilespmem:s17+$0x4B80];
	s25 =	sadd.s32 $0x10, s19;
	s18 =	sadd.s32 s18, s16  }
0x3d: {  	s16 =	sand.u32 $0x3C00, s16;
	v21 =	vadd.f32 v28, v21;
	v27 =	vand.u32 $0x7FFFFFFF, v27;
	v24 =	vsub.f32 v24, v11;
	v28 =	vld [tilespmem:s25+$0x0];
	s26 =	sor.u32 $0x380, s18  }
0x3e: {  	s16 =	sor.u32 s21, s16;
	v20 =	vadd.f32 v27, v20;
	v26 =	vand.u32 $0x7FFFFFFF, v26;
	v22 =	vsub.f32 v22, v11;
	v27 =	vld [tilespmem:s26+$0x800]  }
0x3f: {  	v18 =	vadd.f32 v26, v18;
	v24 =	vand.u32 $0x7FFFFFFF, v24;
	v23 =	vsub.f32 v23, v11;
	v26 =	vld [tilespmem:s16+$0x800]  }
0x40: {  	v19 =	vadd.f32 v24, v19;
	v22 =	vand.u32 $0x7FFFFFFF, v22;
	v24 =	vsub.f32 v25, v11;
	v25 =	vld [tilespmem:s16+$0x880]  }
0x41: {  	v17 =	vadd.f32 v22, v17;
	v22 =	vand.u32 $0x7FFFFFFF, v23;
	v23 =	vsub.f32 v30, v11;
	v30 =	vld [tilespmem:s16+$0x900]  }
0x42: {  	v11 =	vsub.f32 v29, v11;
	v15 =	vadd.f32 v22, v15;
	v22 =	vand.u32 $0x7FFFFFFF, v24;
	v24 =	vld [tilespmem:s16+$0x980]  }
0x43: {  	v16 =	vadd.f32 v22, v16;
	v22 =	vand.u32 $0x7FFFFFFF, v23;
	v23 =	vld [tilespmem:s16+$0xA00];
	v27 =	vsub.f32 v27, v28  }
0x44: {  	v11 =	vand.u32 $0x7FFFFFFF, v11;
	v14 =	vadd.f32 v22, v14;
	v22 =	vsub.f32 v26, v28;
	v26 =	vld [tilespmem:s16+$0xA80]  }
0x45: {  	v11 =	vadd.f32 v11, v13;
	v13 =	vsub.f32 v25, v28;
	v25 =	vld [tilespmem:s16+$0xB00];
	v27 =	vand.u32 $0x7FFFFFFF, v27  }
0x46: {  	v22 =	vand.u32 $0x7FFFFFFF, v22;
	v29 =	vsub.f32 v30, v28;
	v9 =	vadd.f32 v27, v9;
	v27 =	vld [tilespmem:s16+$0x4800]  }
0x47: {  	v10 =	vadd.f32 v22, v10;
	v13 =	vand.u32 $0x7FFFFFFF, v13;
	v22 =	vsub.f32 v24, v28;
	v24 =	vld [tilespmem:s16+$0x4880]  }
0x48: {  	v8 =	vadd.f32 v13, v8;
	v13 =	vand.u32 $0x7FFFFFFF, v29;
	v23 =	vsub.f32 v23, v28  }
0x49: {  	v29 =	vld [tilespmem:s16+$0x4900];
	v5 =	vadd.f32 v13, v5;
	v13 =	vand.u32 $0x7FFFFFFF, v22;
	v22 =	vsub.f32 v26, v28  }
0x4a: {  	v26 =	vld [tilespmem:s16+$0x4980];
	v6 =	vadd.f32 v13, v6;
	v13 =	vand.u32 $0x7FFFFFFF, v23;
	v23 =	vsub.f32 v25, v28  }
0x4b: {  	v25 =	vld [tilespmem:s16+$0x4A00];
	v7 =	vadd.f32 v13, v7;
	v13 =	vsub.f32 v27, v28  }
0x4c: {  	v22 =	vand.u32 $0x7FFFFFFF, v22;
	v23 =	vand.u32 $0x7FFFFFFF, v23;
	v24 =	vsub.f32 v24, v28  }
0x4d: {  	v12 =	vadd.f32 v22, v12;
	v21 =	vadd.f32 v23, v21;
	v13 =	vand.u32 $0x7FFFFFFF, v13  }
0x4e: {  	v22 =	vld [tilespmem:s16+$0x4A80];
	v23 =	vsub.f32 v29, v28;
	v13 =	vadd.f32 v13, v20;
	v20 =	vand.u32 $0x7FFFFFFF, v24  }
0x4f: {  	v24 =	vsub.f32 v26, v28;
	v18 =	vadd.f32 v20, v18;
	v20 =	vperm.xlane v10, v0  }
0x50: {  	v23 =	vand.u32 $0x7FFFFFFF, v23;
	v25 =	vsub.f32 v25, v28;
	v26 =	vperm.xlane v8, v0  }
0x51: {  	v19 =	vadd.f32 v23, v19;
	v10 =	vadd.f32 v20, v10;
	v20 =	vperm.xlane v5, v0  }
0x52: {  	v23 =	vand.u32 $0x7FFFFFFF, v24;
	v8 =	vadd.f32 v26, v8;
	v24 =	vperm.xlane v6, v0  }
0x53: {  	v22 =	vsub.f32 v22, v28;
	v26 =	vperm.xlane v10, v1;
	v5 =	vadd.f32 v20, v5  }
0x54: {  	v27 =	vld [tilespmem:s16+$0x4B00];
	v17 =	vadd.f32 v23, v17;
	v23 =	vperm.xlane v8, v1;
	v6 =	vadd.f32 v24, v6  }
0x55: {  	v24 =	vand.u32 $0x7FFFFFFF, v25;
	v20 =	vld [tilespmem:s16+$0x4B80];
	v10 =	vadd.f32 v26, v10;
	v25 =	vperm.xlane v5, v1  }
0x56: {  	v22 =	vand.u32 $0x7FFFFFFF, v22;
	v8 =	vadd.f32 v23, v8;
	v23 =	vperm.xlane v6, v1  }
0x57: {  	v15 =	vadd.f32 v24, v15;
	v24 =	vperm.xlane v10, v2;
	v5 =	vadd.f32 v25, v5  }
0x58: {  	v16 =	vadd.f32 v22, v16;
	v6 =	vadd.f32 v23, v6;
	v25 =	vperm.xlane v8, v2  }
0x59: {  	v26 =	vsub.f32 v27, v28;
	v10 =	vadd.f32 v24, v10;
	v23 =	vperm.xlane v5, v2  }
0x5a: {  	v20 =	vsub.f32 v20, v28;
	v22 =	vperm.xlane v6, v2;
	v8 =	vadd.f32 v25, v8  }
0x5b: {  	v24 =	vand.u32 $0x7FFFFFFF, v26;
	v25 =	vperm.xlane v10, v3;
	v5 =	vadd.f32 v23, v5  }
0x5c: {  	v14 =	vadd.f32 v24, v14;
	v6 =	vadd.f32 v22, v6;
	v23 =	vperm.xlane v8, v3  }
0x5d: {  	v20 =	vand.u32 $0x7FFFFFFF, v20;
	v10 =	vadd.f32 v25, v10;
	v22 =	vperm.xlane v5, v3  }
0x5e: {  	v11 =	vadd.f32 v20, v11;
	v20 =	vperm.xlane v6, v3;
	v8 =	vadd.f32 v23, v8  }
0x5f: {  	v4 =	vmin.f32 v4, v10;
	v5 =	vadd.f32 v22, v5;
	v10 =	vperm.xlane v7, v0  }
0x60: {  	v6 =	vadd.f32 v20, v6;
	v4 =	vmin.f32 v4, v8;
	v8 =	vperm.xlane v12, v0  }
0x61: {  	v4 =	vmin.f32 v4, v5;
	v5 =	vadd.f32 v10, v7;
	v7 =	vperm.xlane v21, v0  }
0x62: {  	v4 =	vmin.f32 v4, v6;
	v6 =	vadd.f32 v8, v12;
	v8 =	vperm.xlane v9, v0  }
0x63: {  	v12 =	vperm.xlane v13, v0;
	v10 =	vperm.xlane v5, v1;
	v7 =	vadd.f32 v7, v21  }
0x64: {  	v20 =	vperm.xlane v6, v1;
	v8 =	vadd.f32 v8, v9;
	v9 =	vperm.xlane v18, v0  }
0x65: {  	v12 =	vadd.f32 v12, v13;
	v5 =	vadd.f32 v10, v5;
	v10 =	vperm.xlane v7, v1  }
0x66: {  	v6 =	vadd.f32 v20, v6;
	v13 =	vperm.xlane v8, v1;
	v9 =	vadd.f32 v9, v18  }
0x67: {  	v18 =	vperm.xlane v5, v2;
	v7 =	vadd.f32 v10, v7;
	v10 =	vperm.xlane v12, v1  }
0x68: {  	v20 =	vperm.xlane v6, v2;
	v8 =	vadd.f32 v13, v8;
	v13 =	vperm.xlane v9, v1  }
0x69: {  	v5 =	vadd.f32 v18, v5;
	v18 =	vperm.xlane v7, v2;
	v10 =	vadd.f32 v10, v12  }
0x6a: {  	v6 =	vadd.f32 v20, v6;
	v12 =	vperm.xlane v8, v2;
	v9 =	vadd.f32 v13, v9  }
0x6b: {  	v13 =	vperm.xlane v5, v3;
	v7 =	vadd.f32 v18, v7;
	v18 =	vperm.xlane v10, v2  }
0x6c: {  	v20 =	vperm.xlane v6, v3;
	v8 =	vadd.f32 v12, v8;
	v12 =	vperm.xlane v9, v2  }
0x6d: {  	v5 =	vadd.f32 v13, v5;
	v13 =	vperm.xlane v7, v3;
	v10 =	vadd.f32 v18, v10  }
0x6e: {  	v6 =	vadd.f32 v20, v6;
	v18 =	vperm.xlane v8, v3;
	v9 =	vadd.f32 v12, v9  }
0x6f: {  	v4 =	vmin.f32 v4, v5;
	v5 =	vadd.f32 v13, v7;
	v7 =	vperm.xlane v10, v3  }
0x70: {  	v4 =	vmin.f32 v4, v6;
	v6 =	vadd.f32 v18, v8;
	v8 =	vperm.xlane v9, v3  }
0x71: {  	v4 =	vmin.f32 v4, v5;
	v5 =	vadd.f32 v7, v10;
	v7 =	vperm.xlane v19, v0  }
0x72: {  	v4 =	vmin.f32 v4, v6;
	v6 =	vadd.f32 v8, v9;
	v8 =	vperm.xlane v17, v0  }
0x73: {  	v4 =	vmin.f32 v4, v5;
	v5 =	vadd.f32 v7, v19;
	v7 =	vperm.xlane v15, v0  }
0x74: {  	v4 =	vmin.f32 v4, v6;
	v6 =	vadd.f32 v8, v17;
	v8 =	vperm.xlane v16, v0  }
0x75: {  	v21 =	vimm.f32 $0.0e+00;
	v9 =	vperm.xlane v5, v1;
	v7 =	vadd.f32 v7, v15  }
0x76: {  	v10 =	vperm.xlane v14, v0;
	v12 =	vperm.xlane v6, v1;
	v8 =	vadd.f32 v8, v16  }
0x77: {  	s17 =	simm.s32 @p0 $0x800;
	s16 =	simm.s32 @p0 $0x0;
	v13 =	vperm.xlane v11, v0;
	v5 =	vadd.f32 v9, v5;
	v9 =	vperm.xlane v7, v1  }
0x78: {  	[tilespmem:s17], [sflag:$0x1] =	stream.linear.gather @p0 [hbm4b:s6+s16], $0x8000, $0x38;
	v10 =	vadd.f32 v10, v14;
	v6 =	vadd.f32 v12, v6;
	v12 =	vperm.xlane v8, v1;
	[tilespmem:$0x10880] =	vst v63  }
0x79: {  	s28 =	simm.s32 $0x0;
	_ =	swait.ge [sflag:s13], $0x8000;
	v11 =	vadd.f32 v13, v11;
	v13 =	vperm.xlane v5, v2;
	v7 =	vadd.f32 v9, v7  }
0x7a: {  	s29 =	sand.u32 $0x70, s28;
	s30 =	sand.u32 $0x3C00, s28;
	[sflag:s13] =	ssyncset.done $0x0;
	v9 =	vperm.xlane v10, v1;
	v14 =	vperm.xlane v6, v2;
	v8 =	vadd.f32 v12, v8  }
0x7b: {  	s31 =	sor.u32 s29, s30;
	[sflag:s13] =	ssyncadd.s32 $0xFFFF8000;
	v12 =	vperm.xlane v11, v1;
	v13 =	vadd.f32 v13, v5;
	v5 =	vperm.xlane v7, v2  }
0x7c: {  	v19 =	vld [tilespmem:s31+$0xC800];
	v9 =	vadd.f32 v9, v10;
	v6 =	vadd.f32 v14, v6;
	v10 =	vperm.xlane v8, v2  }
0x7d: {  	v17 =	vld [tilespmem:s31+$0x8A00];
	v11 =	vadd.f32 v12, v11;
	v12 =	vperm.xlane v13, v3;
	v7 =	vadd.f32 v5, v7  }
0x7e: {  	v14 =	vperm.xlane v9, v2;
	v5 =	vld [tilespmem:s28+$0x0];
	v15 =	vperm.xlane v6, v3;
	v8 =	vadd.f32 v10, v8  }
0x7f: {  	v20 =	vld [tilespmem:s31+$0xC880];
	v10 =	vperm.xlane v11, v2;
	v12 =	vadd.f32 v12, v13;
	v13 =	vperm.xlane v7, v3  }
0x80: {  	v16 =	vld [tilespmem:s31+$0xCB80];
	v9 =	vadd.f32 v14, v9;
	v6 =	vadd.f32 v15, v6;
	v15 =	vperm.xlane v8, v3  }
0x81: {  	v14 =	vld [tilespmem:s31+$0x8800];
	v10 =	vadd.f32 v10, v11;
	v4 =	vmin.f32 v4, v12;
	v7 =	vadd.f32 v13, v7  }
0x82: {  	v11 =	vld [tilespmem:s31+$0x8880];
	v12 =	vperm.xlane v9, v3;
	v4 =	vmin.f32 v4, v6;
	v6 =	vadd.f32 v15, v8  }
0x83: {  	v13 =	vld [tilespmem:s31+$0x8900];
	v8 =	vperm.xlane v10, v3;
	v17 =	vsub.f32 v17, v5;
	v27 =	vsub.f32 v19, v5  }
0x84: {  	v28 =	vsub.f32 v20, v5;
	v20 =	vimm.f32 $0.0e+00;
	v19 =	vimm.f32 $0.0e+00  }
0x85: {  	v15 =	vld [tilespmem:s31+$0x8980];
	v4 =	vmin.f32 v4, v7;
	v12 =	vadd.f32 v12, v9;
	v7 =	vsub.f32 v16, v5  }
0x86: {  	v4 =	vmin.f32 v4, v6;
	v16 =	vadd.f32 v8, v10;
	v6 =	vsub.f32 v14, v5  }
0x87: {  	v8 =	vld [tilespmem:s31+$0x8A80];
	v14 =	vimm.f32 $0.0e+00;
	v10 =	vsub.f32 v11, v5;
	v7 =	vand.u32 $0x7FFFFFFF, v7  }
0x88: {  	v18 =	vld [tilespmem:s31+$0x8B00];
	v4 =	vmin.f32 v4, v12;
	v6 =	vand.u32 $0x7FFFFFFF, v6;
	v11 =	vsub.f32 v13, v5  }
0x89: {  	v7 =	vadd.f32 v7, v14;
	v13 =	vld [tilespmem:s31+$0x8B80];
	v9 =	vadd.f32 v6, v14;
	v6 =	vand.u32 $0x7FFFFFFF, v10  }
0x8a: {  	v15 =	vsub.f32 v15, v5;
	v10 =	vadd.f32 v6, v14;
	v6 =	vand.u32 $0x7FFFFFFF, v11  }
0x8b: {  	v4 =	vmin.f32 v4, v16;
	v16 =	vimm.f32 $0.0e+00;
	v11 =	vadd.f32 v6, v14  }
0x8c: {  	v22 =	vld [tilespmem:s31+$0xC900];
	v6 =	vsub.f32 v8, v5;
	v8 =	vand.u32 $0x7FFFFFFF, v15;
	v15 =	vand.u32 $0x7FFFFFFF, v17  }
0x8d: {  	v24 =	vld [tilespmem:s31+$0xC980];
	v17 =	vsub.f32 v18, v5;
	v18 =	vimm.f32 $0.0e+00;
	v12 =	vadd.f32 v8, v14  }
0x8e: {  	v23 =	vld [tilespmem:s31+$0xCA00];
	v8 =	vadd.f32 v15, v14;
	v6 =	vand.u32 $0x7FFFFFFF, v6;
	v15 =	vsub.f32 v13, v5  }
0x8f: {  	s16 =	simm.s32 $0x10;
	s17 =	simm.s32 $0x80;
	v25 =	vld [tilespmem:s31+$0xCA80];
	v13 =	vand.u32 $0x7FFFFFFF, v17;
	v17 =	vimm.f32 $0.0e+00;
	v6 =	vadd.f32 v6, v14  }
0x90: {  	s18 =	simm.s32 $0x20;
	s20 =	sand.u32 $0x70, s16;
	s21 =	sand.u32 $0x3C00, s17;
	v26 =	vld [tilespmem:s31+$0xCB00];
	v13 =	vadd.f32 v13, v14;
	v29 =	vand.u32 $0x7FFFFFFF, v15;
	v15 =	vimm.f32 $0.0e+00  }
.LBB2_5:
0x91: {  	p1 =	sne.s32 s18, $0x7F0;
	v30 =	vld [tilespmem:s16+$0x0];
	s19 =	sor.u32 s20, s21;
	v14 =	vadd.f32 v29, v14;
	v27 =	vand.u32 $0x7FFFFFFF, v27;
	v22 =	vsub.f32 v22, v5  }
0x92: {  	v29 =	vld [tilespmem:s19+$0xCB80];
	v20 =	vadd.f32 v27, v20;
	v27 =	vand.u32 $0x7FFFFFFF, v28;
	v24 =	vsub.f32 v24, v5  }
0x93: {  	v28 =	vld [tilespmem:s19+$0x8800];
	v21 =	vadd.f32 v27, v21;
	v22 =	vand.u32 $0x7FFFFFFF, v22;
	v23 =	vsub.f32 v23, v5  }
0x94: {  	v27 =	vld [tilespmem:s19+$0x8880];
	v19 =	vadd.f32 v22, v19;
	v22 =	vand.u32 $0x7FFFFFFF, v24;
	v24 =	vsub.f32 v25, v5  }
0x95: {  	v25 =	vld [tilespmem:s19+$0x8900];
	v17 =	vadd.f32 v22, v17;
	v22 =	vand.u32 $0x7FFFFFFF, v23;
	v23 =	vsub.f32 v26, v5  }
0x96: {  	v26 =	vld [tilespmem:s19+$0x8980];
	v18 =	vadd.f32 v22, v18;
	v22 =	vand.u32 $0x7FFFFFFF, v24;
	v5 =	vmov v30  }
0x97: {  	v24 =	vld [tilespmem:s19+$0x8A00];
	v29 =	vsub.f32 v29, v5;
	v16 =	vadd.f32 v22, v16;
	v22 =	vand.u32 $0x7FFFFFFF, v23  }
0x98: {  	v23 =	vsub.f32 v28, v5;
	v28 =	vld [tilespmem:s19+$0x8A80];
	v15 =	vadd.f32 v22, v15  }
0x99: {  	v22 =	vsub.f32 v27, v5;
	v27 =	vld [tilespmem:s19+$0x8B00];
	v29 =	vand.u32 $0x7FFFFFFF, v29  }
0x9a: {  	v23 =	vand.u32 $0x7FFFFFFF, v23;
	v25 =	vsub.f32 v25, v5;
	v30 =	vld [tilespmem:s19+$0x8B80];
	v7 =	vadd.f32 v29, v7  }
0x9b: {  	v9 =	vadd.f32 v23, v9;
	v22 =	vand.u32 $0x7FFFFFFF, v22;
	v23 =	vsub.f32 v26, v5;
	v26 =	vld [tilespmem:s19+$0xC800]  }
0x9c: {  	v10 =	vadd.f32 v22, v10;
	v22 =	vand.u32 $0x7FFFFFFF, v25;
	v24 =	vsub.f32 v24, v5;
	v31 =	vld [tilespmem:s19+$0xC880]  }
.Ltmp1:
0x9d: {  	v11 =	vadd.f32 v22, v11;
	v23 =	vand.u32 $0x7FFFFFFF, v23;
	v25 =	vsub.f32 v28, v5;
	v22 =	vld [tilespmem:s19+$0xC900];
	(pc) =	sbr.rel @p1 .LBB2_5-.Ltmp1, $4  }
0x9e: {  	v12 =	vadd.f32 v23, v12;
	v23 =	vand.u32 $0x7FFFFFFF, v24;
	v27 =	vsub.f32 v27, v5;
	v24 =	vld [tilespmem:s19+$0xC980]  }
0x9f: {  	v8 =	vadd.f32 v23, v8;
	v25 =	vand.u32 $0x7FFFFFFF, v25;
	v28 =	vsub.f32 v30, v5;
	v23 =	vld [tilespmem:s19+$0xCA00]  }
0xa0: {  	s17 =	sadd.s32 $0x80, s17;
	s16 =	sadd.s32 $0x10, s16;
	v6 =	vadd.f32 v25, v6;
	v29 =	vand.u32 $0x7FFFFFFF, v27;
	v27 =	vsub.f32 v26, v5;
	v25 =	vld [tilespmem:s19+$0xCA80]  }
0xa1: {  	s20 =	sand.u32 $0x70, s18;
	s18 =	sadd.s32 $0x10, s18;
	s21 =	sand.u32 $0x3C00, s17;
	v13 =	vadd.f32 v29, v13;
	v29 =	vand.u32 $0x7FFFFFFF, v28;
	v28 =	vsub.f32 v31, v5;
	v26 =	vld [tilespmem:s19+$0xCB00]  }
0xa2: {  	v30 =	vld [tilespmem:s16+$0x0];
	s31 =	sor.u32 s20, s21  }
0xa3: {  	v39 =	vld [tilespmem:s31+$0xCB80]  }
0xa4: {  	v41 =	vld [tilespmem:s31+$0x8800]  }
0xa5: {  	v42 =	vld [tilespmem:s31+$0x8880]  }
0xa6: {  	v45 =	vld [tilespmem:s31+$0x8900]  }
0xa7: {  	v47 =	vld [tilespmem:s31+$0x8980]  }
0xa8: {  	v14 =	vadd.f32 v29, v14;
	v27 =	vand.u32 $0x7FFFFFFF, v27;
	v22 =	vsub.f32 v22, v5;
	v49 =	vld [tilespmem:s31+$0x8A00]  }
0xa9: {  	v20 =	vadd.f32 v27, v20;
	v40 =	vand.u32 $0x7FFFFFFF, v28;
	v24 =	vsub.f32 v24, v5;
	v52 =	vld [tilespmem:s31+$0x8A80]  }
0xaa: {  	v53 =	vld [tilespmem:s31+$0x8B00];
	v21 =	vadd.f32 v40, v21;
	v23 =	vsub.f32 v23, v5  }
0xab: {  	v54 =	vld [tilespmem:s31+$0x8B80];
	v22 =	vand.u32 $0x7FFFFFFF, v22;
	v43 =	vand.u32 $0x7FFFFFFF, v24;
	v44 =	vsub.f32 v25, v5  }
0xac: {  	v57 =	vld [tilespmem:s31+$0xC800];
	v19 =	vadd.f32 v22, v19;
	v17 =	vadd.f32 v43, v17;
	v46 =	vand.u32 $0x7FFFFFFF, v23  }
0xad: {  	v59 =	vld [tilespmem:s31+$0xC880];
	v5 =	vsub.f32 v26, v5;
	v18 =	vadd.f32 v46, v18;
	v48 =	vand.u32 $0x7FFFFFFF, v44  }
0xae: {  	v62 =	vld [tilespmem:s31+$0xC900];
	v50 =	vsub.f32 v39, v30;
	v16 =	vadd.f32 v48, v16  }
0xaf: {  	v33 =	vld [tilespmem:s31+$0xC980];
	v51 =	vsub.f32 v41, v30;
	v27 =	vsub.f32 v42, v30  }
0xb0: {  	v25 =	vsub.f32 v45, v30;
	v56 =	vsub.f32 v47, v30  }
0xb1: {  	v24 =	vsub.f32 v49, v30;
	v61 =	vsub.f32 v52, v30  }
0xb2: {  	v32 =	vsub.f32 v53, v30;
	v34 =	vsub.f32 v54, v30  }
0xb3: {  	v23 =	vsub.f32 v57, v30;
	v36 =	vsub.f32 v59, v30  }
0xb4: {  	v5 =	vand.u32 $0x7FFFFFFF, v5;
	v38 =	vsub.f32 v62, v30;
	v40 =	vsub.f32 v33, v30  }
0xb5: {  	v15 =	vadd.f32 v5, v15;
	v5 =	vand.u32 $0x7FFFFFFF, v50;
	v22 =	vand.u32 $0x7FFFFFFF, v51  }
0xb6: {  	v55 =	vand.u32 $0x7FFFFFFF, v27;
	v58 =	vand.u32 $0x7FFFFFFF, v25;
	v60 =	vand.u32 $0x7FFFFFFF, v56  }
0xb7: {  	v63 =	vand.u32 $0x7FFFFFFF, v24;
	v24 =	vand.u32 $0x7FFFFFFF, v32;
	v37 =	vand.u32 $0x7FFFFFFF, v23  }
0xb8: {  	v23 =	vand.u32 $0x7FFFFFFF, v38;
	v5 =	vadd.f32 v5, v7;
	v7 =	vadd.f32 v22, v9  }
0xb9: {  	v48 =	vand.u32 $0x7FFFFFFF, v40;
	v9 =	vadd.f32 v55, v10;
	v10 =	vadd.f32 v58, v11  }
0xba: {  	v11 =	vadd.f32 v60, v12;
	v8 =	vadd.f32 v63, v8;
	v22 =	vand.u32 $0x7FFFFFFF, v61  }
0xbb: {  	v35 =	vld [tilespmem:s31+$0xCA00];
	v13 =	vadd.f32 v24, v13;
	v12 =	vand.u32 $0x7FFFFFFF, v34;
	v39 =	vperm.xlane v7, v0  }
0xbc: {  	v46 =	vld [tilespmem:s31+$0xCB00];
	v19 =	vadd.f32 v23, v19;
	v17 =	vadd.f32 v48, v17;
	v41 =	vperm.xlane v9, v0  }
0xbd: {  	v42 =	vld [tilespmem:s31+$0xCA80];
	v6 =	vadd.f32 v22, v6;
	v43 =	vperm.xlane v10, v0;
	v7 =	vadd.f32 v39, v7  }
0xbe: {  	v24 =	vand.u32 $0x7FFFFFFF, v36;
	v12 =	vadd.f32 v12, v14;
	v9 =	vadd.f32 v41, v9  }
0xbf: {  	v14 =	vadd.f32 v37, v20;
	v10 =	vadd.f32 v43, v10;
	v45 =	vperm.xlane v7, v1  }
0xc0: {  	v21 =	vadd.f32 v24, v21;
	v22 =	vsub.f32 v35, v30;
	v47 =	vperm.xlane v9, v1  }
0xc1: {  	v20 =	vsub.f32 v46, v30;
	v49 =	vperm.xlane v10, v1;
	v7 =	vadd.f32 v45, v7  }
0xc2: {  	v44 =	vperm.xlane v11, v0;
	v50 =	vsub.f32 v42, v30;
	v9 =	vadd.f32 v47, v9  }
0xc3: {  	v61 =	vperm.xlane v8, v0;
	v10 =	vadd.f32 v49, v10;
	v52 =	vperm.xlane v7, v2  }
0xc4: {  	v42 =	vperm.xlane v17, v0;
	v11 =	vadd.f32 v44, v11;
	v53 =	vperm.xlane v9, v2  }
0xc5: {  	v22 =	vand.u32 $0x7FFFFFFF, v22;
	v54 =	vperm.xlane v10, v2;
	v7 =	vadd.f32 v52, v7  }
0xc6: {  	v20 =	vand.u32 $0x7FFFFFFF, v20;
	v51 =	vperm.xlane v11, v1;
	v9 =	vadd.f32 v53, v9  }
0xc7: {  	v63 =	vperm.xlane v6, v0;
	v10 =	vadd.f32 v54, v10;
	v57 =	vperm.xlane v7, v3  }
0xc8: {  	v23 =	vperm.xlane v14, v0;
	v11 =	vadd.f32 v51, v11;
	v58 =	vperm.xlane v9, v3  }
0xc9: {  	v25 =	vperm.xlane v21, v0;
	v59 =	vperm.xlane v10, v3;
	v7 =	vadd.f32 v57, v7  }
0xca: {  	v15 =	vadd.f32 v20, v15;
	v55 =	vperm.xlane v11, v2;
	v9 =	vadd.f32 v58, v9  }
0xcb: {  	v6 =	vadd.f32 v63, v6;
	v4 =	vmin.f32 v4, v7;
	v7 =	vadd.f32 v59, v10  }
0xcc: {  	v20 =	vperm.xlane v13, v0;
	v11 =	vadd.f32 v55, v11;
	v4 =	vmin.f32 v4, v9  }
0xcd: {  	v24 =	vperm.xlane v6, v1;
	v4 =	vmin.f32 v4, v7;
	v7 =	vadd.f32 v61, v8  }
0xce: {  	v18 =	vadd.f32 v22, v18;
	v22 =	vperm.xlane v12, v0;
	v60 =	vperm.xlane v11, v3  }
0xcf: {  	v6 =	vadd.f32 v24, v6;
	v8 =	vadd.f32 v20, v13;
	v10 =	vperm.xlane v7, v1  }
0xd0: {  	v56 =	vand.u32 $0x7FFFFFFF, v50;
	v62 =	vadd.f32 v60, v11;
	v9 =	vadd.f32 v22, v12  }
0xd1: {  	v11 =	vadd.f32 v23, v14;
	v26 =	vperm.xlane v8, v1;
	v7 =	vadd.f32 v10, v7  }
0xd2: {  	v30 =	vperm.xlane v6, v2;
	v12 =	vadd.f32 v25, v21;
	v27 =	vperm.xlane v9, v1  }
0xd3: {  	v29 =	vperm.xlane v11, v1;
	v8 =	vadd.f32 v26, v8;
	v28 =	vperm.xlane v7, v2  }
0xd4: {  	v6 =	vadd.f32 v30, v6;
	v31 =	vperm.xlane v12, v1;
	v9 =	vadd.f32 v27, v9  }
0xd5: {  	v10 =	vadd.f32 v29, v11;
	v32 =	vperm.xlane v8, v2;
	v7 =	vadd.f32 v28, v7  }
0xd6: {  	v20 =	vperm.xlane v6, v3;
	v12 =	vadd.f32 v31, v12;
	v33 =	vperm.xlane v9, v2  }
0xd7: {  	v35 =	vperm.xlane v10, v2;
	v8 =	vadd.f32 v32, v8;
	v34 =	vperm.xlane v7, v3  }
0xd8: {  	v4 =	vmin.f32 v4, v62;
	v36 =	vperm.xlane v12, v2;
	v9 =	vadd.f32 v33, v9  }
0xd9: {  	v10 =	vadd.f32 v35, v10;
	v37 =	vperm.xlane v8, v3;
	v7 =	vadd.f32 v34, v7  }
0xda: {  	v6 =	vadd.f32 v20, v6;
	v11 =	vadd.f32 v36, v12;
	v38 =	vperm.xlane v9, v3  }
0xdb: {  	v39 =	vperm.xlane v10, v3;
	v4 =	vmin.f32 v4, v7;
	v7 =	vadd.f32 v37, v8  }
0xdc: {  	v40 =	vperm.xlane v11, v3;
	v4 =	vmin.f32 v4, v6;
	v6 =	vadd.f32 v38, v9  }
0xdd: {  	v41 =	vperm.xlane v19, v0;
	v4 =	vmin.f32 v4, v7;
	v7 =	vadd.f32 v39, v10  }
0xde: {  	v16 =	vadd.f32 v56, v16;
	v4 =	vmin.f32 v4, v6;
	v6 =	vadd.f32 v40, v11  }
0xdf: {  	v43 =	vperm.xlane v18, v0;
	v4 =	vmin.f32 v4, v7;
	v7 =	vadd.f32 v41, v19  }
0xe0: {  	v44 =	vperm.xlane v16, v0;
	v4 =	vmin.f32 v4, v6;
	v6 =	vadd.f32 v42, v17  }
0xe1: {  	v46 =	vperm.xlane v15, v0;
	v8 =	vadd.f32 v43, v18;
	v45 =	vperm.xlane v7, v1  }
0xe2: {  	v48 =	vperm.xlane v5, v0;
	v9 =	vadd.f32 v44, v16;
	v47 =	vperm.xlane v6, v1  }
0xe3: {  	v49 =	vperm.xlane v8, v1;
	v11 =	vadd.f32 v46, v15;
	v7 =	vadd.f32 v45, v7  }
0xe4: {  	v5 =	vadd.f32 v48, v5;
	v50 =	vperm.xlane v9, v1;
	v6 =	vadd.f32 v47, v6  }
0xe5: {  	v8 =	vadd.f32 v49, v8;
	v52 =	vperm.xlane v11, v1;
	v51 =	vperm.xlane v7, v2  }
0xe6: {  	v54 =	vperm.xlane v5, v1;
	v9 =	vadd.f32 v50, v9;
	v53 =	vperm.xlane v6, v2  }
0xe7: {  	v55 =	vperm.xlane v8, v2;
	v10 =	vadd.f32 v52, v11;
	v7 =	vadd.f32 v51, v7  }
0xe8: {  	v5 =	vadd.f32 v54, v5;
	v56 =	vperm.xlane v9, v2;
	v6 =	vadd.f32 v53, v6  }
0xe9: {  	v8 =	vadd.f32 v55, v8;
	v58 =	vperm.xlane v10, v2;
	v57 =	vperm.xlane v7, v3  }
0xea: {  	v59 =	vperm.xlane v5, v2;
	v9 =	vadd.f32 v56, v9;
	v14 =	vperm.xlane v6, v3  }
0xeb: {  	v60 =	vperm.xlane v8, v3;
	v10 =	vadd.f32 v58, v10;
	v7 =	vadd.f32 v57, v7  }
0xec: {  	v5 =	vadd.f32 v59, v5;
	v61 =	vperm.xlane v9, v3;
	v6 =	vadd.f32 v14, v6  }
0xed: {  	v62 =	vperm.xlane v10, v3;
	v4 =	vmin.f32 v4, v7;
	v7 =	vadd.f32 v60, v8  }
.Ltmp2:
0xee: {  	v63 =	vperm.xlane v5, v3;
	v4 =	vmin.f32 v4, v6;
	v6 =	vadd.f32 v61, v9;
	(pc) =	sbr.rel @p0 .LBB2_2-.Ltmp2, $4  }
0xef: {  	v4 =	vmin.f32 v4, v7;
	v7 =	vadd.f32 v62, v10  }
0xf0: {  	v5 =	vadd.f32 v63, v5;
	v4 =	vmin.f32 v4, v6  }
0xf1: {  	v4 =	vmin.f32 v4, v7  }
0xf2: {  	s16 =	simm.s32 $0x2000;
	p1 =	por $0x0, $0x0;
	v4 =	vmin.f32 v4, v5  }
0xf3: {  	s15 =	sadd.s32 $0x1, s15  }
0xf4: {  	p0 =	sne.s32 s15, s8  }
.Ltmp3:
0xf5: {  	[tilespmem:$0x10800] =	vst v4;
	(pc) =	sbr.rel @p0 .LBB2_1-.Ltmp3, $4  }
0xf6: {  	[hbm4b:s7+s1] =	stream.linear.scatter [tilespmem:s14], [sflag:$0x3], $0x80, $0x38;
	[tilespmem:$0x10880] =	vst v63  }
0xf7: {  	_ =	swait.ge [sflag:s9], $0x80  }
0xf8: {  	[sflag:s9] =	ssyncset.done $0x0  }
0xf9: {  	[sflag:s9] =	ssyncadd.s32 $0xFFFFFF80  }
0xfa: {  	_ =	sfence.sel $0x180000  }
0xfb: {  	[bflag:$0x0] =	sbarrier.arrive $0xFFFF  }
0xfc: {  	p0 =	sne.s32 s2, $0x0;
	_ =	strace $0x90000047  }
0xfd: {  	s0 =	sadd.s32 @!p0 $0x100000, s0;
	[bflag:$0x2] =	sbarrier.arrive $0xFFFF  }
0xfe: {  	[sflag:s0] =	ssyncadd.tile.s32 @!p0 $0x1;
	_ =	shalt  }
.Lfunc_end2:
_tile_overlayer_lowered:
.L_overlay_start_2:
0xff: {  	(tag) =	ssettag $0x2  }
0x100: {  	s0 =	rddreg [dreg:$0x0];
	s2 =	stileid.u32  }
0x101: {  	s1 =	rddreg [dreg:$0x1];
	p0 =	sne.s32 s2, $0x0  }
0x102: {  	s3 =	rddreg [dreg:$0x2];
	[bflag:$0x3] =	sbarrier.arrive $0xFFFF;
	s2 =	simm.s32 @!p0 $0x1C03  }
0x103: {  	[timem:s3], [sflag:s2] =	dma.local @!p0 [hbm:s0], s1  }
0x104: {  	s0 =	simm.s32 @!p0 $0x3  }
0x105: {  	_ =	swait.ge @!p0 [sflag:s0], s1  }
0x106: {  	s1 =	ssub.s32 @!p0 $0x0, s1;
	[sflag:s0] =	ssyncset.done @!p0 $0x0  }
0x107: {  	[sflag:s0] =	ssyncadd.s32 @!p0 s1  }
0x108: {  	[bflag:$0x3] =	sbarrier.arrive $0xFFFF  }
0x109: {  	_ =	shalt  }

</sc_bundles>
